<compile_context>
chip_gen: v7x
topology: tpu7x:2x2x1
jax: 0.10.2.dev20260603
libtpu: 0.0.44.dev20260713+nightly
codegen_flags: <defaults>
</compile_context>

<pallas_src>
import jax
import jax.numpy as jnp
from jax import lax
from jax.experimental import pallas as pl
from jax.experimental.pallas import tpu as pltpu
from jax.experimental.pallas import tpu_sc as plsc

_DIM = 32
_TP = 129
_SP = 201
_NB = 4
_BLK = 128
_NC = 2
_NS = 16
_NW = _NC * _NS


def _make_lookup(n_s):
  mesh = plsc.VectorSubcoreMesh(
      core_axis_name="c", subcore_axis_name="s",
      num_cores=_NC, num_subcores=_NS)
  n_tok = n_s * _BLK

  def body(table_hbm, idx_hbm, out_hbm, idx_v, cidx, rows, otp, gsem, ssem):
    jb = lax.axis_index("s") * _NC + lax.axis_index("c")
    pltpu.sync_copy(idx_hbm.at[jb], idx_v.at[:, pl.ds(0, n_s)])

    iota = lax.iota(jnp.int32, 16)

    def extract(s, buf):
      s_vec = jnp.broadcast_to(s, (16,)).astype(jnp.int32)
      for g in range(_BLK // 16):
        tl_vec = iota + (g * 16)
        cidx[buf, pl.ds(g * 16, 16)] = plsc.load_gather(idx_v, [tl_vec, s_vec])

    def fire_gather(buf):
      pltpu.async_copy(table_hbm.at[cidx.at[buf]], rows.at[buf],
                       gsem.at[buf])

    def wait_gather(buf):
      pltpu.make_async_copy(table_hbm.at[pl.ds(0, _BLK), :], rows.at[buf],
                            gsem.at[buf]).wait()

    a_vecs = [(iota + 16 * h) >> 3 for h in range(2)]
    c_vecs = [(iota + 16 * h) & 7 for h in range(2)]

    def transpose(rb, ob):
      r = rows.at[rb]
      ob_vec = jnp.full((16,), ob, jnp.int32)

      @plsc.parallel_loop(0, _BLK, 1, unroll=8)
      def _(tl):
        tl_vec = jnp.broadcast_to(tl, (16,)).astype(jnp.int32)
        for h in range(2):
          v = r[tl, pl.ds(16 * h, 16)]
          plsc.store_scatter(otp, [ob_vec, a_vecs[h], c_vecs[h], tl_vec], v)

    def fire_store(s, buf):
      pltpu.async_copy(otp.at[buf, :, :, pl.ds(0, _BLK)],
                       out_hbm.at[s, :, jb], ssem.at[buf])

    def wait_store(s, buf):
      pltpu.make_async_copy(otp.at[buf, :, :, pl.ds(0, _BLK)],
                            out_hbm.at[s, :, jb], ssem.at[buf]).wait()

    for q in range(_NB - 1):
      extract(q, q)
      fire_gather(q)

    def step(i, carry):
      for q in range(_NB):
        s = _NB * i + q

        @pl.when(s + _NB - 1 < n_s)
        def _():
          extract(s + _NB - 1, (q + _NB - 1) % _NB)
          fire_gather((q + _NB - 1) % _NB)

        wait_gather(q)

        @pl.when(s >= 2)
        def _():
          wait_store(s - 2, q & 1)

        transpose(q, q & 1)
        fire_store(s, q & 1)
      return carry

    lax.fori_loop(0, n_s // _NB, step, 0)
    wait_store(n_s - 2, 0)
    wait_store(n_s - 1, 1)

  return pl.kernel(
      body,
      out_type=jax.ShapeDtypeStruct((n_s, _DIM // 8, _NW, 8, _BLK),
                                    jnp.float32),
      mesh=mesh,
      scratch_types=[
          pltpu.VMEM((_BLK, _SP), jnp.int32),
          pltpu.VMEM((_NB, _BLK), jnp.int32),
          pltpu.VMEM((_NB, _BLK, _DIM), jnp.float32),
          pltpu.VMEM((2, _DIM // 8, 8, _TP), jnp.float32),
          pltpu.SemaphoreType.DMA((_NB,)),
          pltpu.SemaphoreType.DMA((2,)),
      ],
      compiler_params=pltpu.CompilerParams(use_tc_tiling_on_sc=False,
                                           needs_layout_passes=False),
  )


def kernel(x, table):
  r, s = x.shape
  idx = x.reshape(_NW, _BLK, s).astype(jnp.int32)
  out5 = _make_lookup(s)(table, idx)
  return out5.transpose(2, 4, 0, 1, 3).reshape(r, s, _DIM)

# --- scband reference (transcript-rebuilt; emitter-appended) ---
"""Pipeline reference for scband-embeddings-35923106464173 (READ-ONLY COPY).

The authoritative reference and input builder live on the scoring server;
editing this copy changes nothing except your own understanding.
"""

import jax, jax.numpy as jnp
import numpy as np

VOCAB = 1000000
DIM = 32
PAD = 1

def setup_inputs(seed: int = 0) -> dict:
    key = jax.random.key(seed)
    k1, k2 = jax.random.split(key)
    # nn.Embedding weight ~ N(0,1); padding_idx row is zero-initialized
    table = jax.random.normal(k1, (VOCAB, DIM), dtype=jnp.float32)
    table = table.at[PAD].set(0.0)
    x = jax.random.randint(k2, (4096, 200), 0, VOCAB)
    return {"x": x, "table": table}

def reference(x, table):
    # scale=False, so plain lookup (no sqrt(embedding_dim) scaling)
    return jnp.take(table, x, axis=0)

if __name__ == "__main__":
    import jax
    _d = setup_inputs()
    print(jax.jit(kernel)(*tuple(_d.values())))

</pallas_src>

<mosaic_0001>
#map = affine_map<(d0, d1) -> (0, 0)>
#map1 = affine_map<(d0, d1) -> (0, 0, 0)>
#map2 = affine_map<(d0, d1) -> (0, 0, 0, 0, 0)>
module attributes {stable_mosaic.version = 14 : i64} {
  func.func @body(%arg0: i32, %arg1: i32, %arg2: memref<1000000x32xf32, #tpu.memory_space<hbm>>, %arg3: memref<32x128x200xi32, #tpu.memory_space<hbm>>, %arg4: memref<200x4x32x8x128xf32, #tpu.memory_space<hbm>>, %arg5: memref<128x201xi32, #tpu.memory_space<vmem>>, %arg6: memref<4x128xi32, #tpu.memory_space<vmem>>, %arg7: memref<4x128x32xf32, #tpu.memory_space<vmem>>, %arg8: memref<2x4x8x129xf32, #tpu.memory_space<vmem>>, %arg9: memref<4x!tpu.dma_semaphore, #tpu.memory_space<semaphore_mem>>, %arg10: memref<2x!tpu.dma_semaphore, #tpu.memory_space<semaphore_mem>>) attributes {dimension_semantics = [#tpu.dimension_semantics<core_parallel>, #tpu.dimension_semantics<subcore_parallel>], iteration_bounds = array<i64: 2, 16>, scalar_prefetch = 0 : i64, scratch_operands = 6 : i64, tpu.core_type = #tpu.core_type<sc_vector_subcore>, window_params = [{transform_indices = #map}, {transform_indices = #map1}, {transform_indices = #map2}]} {
    %mul3A = arith.constant 2 : i32
    %mul3A_0 = arith.muli %arg1, %mul3A : i32
    %add3A = arith.addi %mul3A_0, %arg0 : i32
    "tpu.region"() ({
      %run_scoped3A = tpu.sem_alloc : memref<!tpu.dma_semaphore, #tpu.memory_space<semaphore_mem>>
      %dma_start3A_316 = arith.constant 0 : i32
      %dma_start3A_317 = arith.constant 0 : i32
      %dma_start3A_318 = tpu.memref_slice %arg5[%dma_start3A_316, %dma_start3A_317] : memref<128x201xi32, #tpu.memory_space<vmem>> -> memref<128x200xi32, #tpu.memory_space<vmem>>
      %dma_start3A_319 = arith.constant 0 : i32
      %dma_start3A_320 = arith.constant 0 : i32
      %dma_start3A_321 = tpu.memref_slice %arg3[%add3A, %dma_start3A_319, %dma_start3A_320] : memref<32x128x200xi32, #tpu.memory_space<hbm>> -> memref<1x128x200xi32, #tpu.memory_space<hbm>>
      %dma_start3A_322 = tpu.memref_squeeze %dma_start3A_321 : memref<1x128x200xi32, #tpu.memory_space<hbm>> -> memref<128x200xi32, #tpu.memory_space<hbm>>
      %dma_start3A_323 = arith.constant 0 : i32
      %dma_start3A_324 = arith.constant 0 : i32
      %dma_start3A_325 = tpu.memref_slice %arg5[%dma_start3A_323, %dma_start3A_324] : memref<128x201xi32, #tpu.memory_space<vmem>> -> memref<128x200xi32, #tpu.memory_space<vmem>>
      %dma_start3A_326 = arith.constant 0 : i32
      %dma_start3A_327 = arith.constant 0 : i32
      %dma_start3A_328 = tpu.memref_slice %arg3[%add3A, %dma_start3A_326, %dma_start3A_327] : memref<32x128x200xi32, #tpu.memory_space<hbm>> -> memref<1x128x200xi32, #tpu.memory_space<hbm>>
      %dma_start3A_329 = tpu.memref_squeeze %dma_start3A_328 : memref<1x128x200xi32, #tpu.memory_space<hbm>> -> memref<128x200xi32, #tpu.memory_space<hbm>>
      tpu.enqueue_dma source(%dma_start3A_329 : memref<128x200xi32, #tpu.memory_space<hbm>>) target(%dma_start3A_325 : memref<128x200xi32, #tpu.memory_space<vmem>>) target_semaphore(%run_scoped3A : memref<!tpu.dma_semaphore, #tpu.memory_space<semaphore_mem>>)
      %dma_wait3A_330 = arith.constant 0 : i32
      %dma_wait3A_331 = arith.constant 0 : i32
      %dma_wait3A_332 = tpu.memref_slice %arg5[%dma_wait3A_330, %dma_wait3A_331] : memref<128x201xi32, #tpu.memory_space<vmem>> -> memref<128x200xi32, #tpu.memory_space<vmem>>
      %dma_wait3A_333 = arith.constant 0 : i32
      %dma_wait3A_334 = arith.constant 0 : i32
      %dma_wait3A_335 = tpu.memref_slice %arg3[%add3A, %dma_wait3A_333, %dma_wait3A_334] : memref<32x128x200xi32, #tpu.memory_space<hbm>> -> memref<1x128x200xi32, #tpu.memory_space<hbm>>
      %dma_wait3A_336 = tpu.memref_squeeze %dma_wait3A_335 : memref<1x128x200xi32, #tpu.memory_space<hbm>> -> memref<128x200xi32, #tpu.memory_space<hbm>>
      %dma_wait3A_337 = arith.constant 0 : i32
      %dma_wait3A_338 = arith.constant 0 : i32
      %dma_wait3A_339 = tpu.memref_slice %arg5[%dma_wait3A_337, %dma_wait3A_338] : memref<128x201xi32, #tpu.memory_space<vmem>> -> memref<128x200xi32, #tpu.memory_space<vmem>>
      %dma_wait3A_340 = arith.constant 0 : i32
      %dma_wait3A_341 = arith.constant 0 : i32
      %dma_wait3A_342 = tpu.memref_slice %arg3[%add3A, %dma_wait3A_340, %dma_wait3A_341] : memref<32x128x200xi32, #tpu.memory_space<hbm>> -> memref<1x128x200xi32, #tpu.memory_space<hbm>>
      %dma_wait3A_343 = tpu.memref_squeeze %dma_wait3A_342 : memref<1x128x200xi32, #tpu.memory_space<hbm>> -> memref<128x200xi32, #tpu.memory_space<hbm>>
      tpu.wait_dma2 semaphore(%run_scoped3A : memref<!tpu.dma_semaphore, #tpu.memory_space<semaphore_mem>>) src(%dma_wait3A_343 : memref<128x200xi32, #tpu.memory_space<hbm>>) dst(%dma_wait3A_339 : memref<128x200xi32, #tpu.memory_space<vmem>>)
      tpu.yield
    }) : () -> ()
    %iota3A = tpu.iota {dimensions = array<i32: 0>} : vector<16xi32>
    %add3A_1 = arith.constant 0 : i32
    %add3A_2 = vector.broadcast %add3A_1 : i32 to vector<16xi32>
    %add3A_3 = arith.addi %iota3A, %add3A_2 : vector<16xi32>
    %shift_right_arithmetic3A = arith.constant 3 : i32
    %shift_right_arithmetic3A_4 = vector.broadcast %shift_right_arithmetic3A : i32 to vector<16xi32>
    %shift_right_arithmetic3A_5 = arith.shrsi %add3A_3, %shift_right_arithmetic3A_4 : vector<16xi32>
    %add3A_6 = arith.constant 16 : i32
    %add3A_7 = vector.broadcast %add3A_6 : i32 to vector<16xi32>
    %add3A_8 = arith.addi %iota3A, %add3A_7 : vector<16xi32>
    %shift_right_arithmetic3A_9 = arith.constant 3 : i32
    %shift_right_arithmetic3A_10 = vector.broadcast %shift_right_arithmetic3A_9 : i32 to vector<16xi32>
    %shift_right_arithmetic3A_11 = arith.shrsi %add3A_8, %shift_right_arithmetic3A_10 : vector<16xi32>
    %add3A_12 = arith.constant 0 : i32
    %add3A_13 = vector.broadcast %add3A_12 : i32 to vector<16xi32>
    %add3A_14 = arith.addi %iota3A, %add3A_13 : vector<16xi32>
    %and3A = arith.constant 7 : i32
    %and3A_15 = vector.broadcast %and3A : i32 to vector<16xi32>
    %and3A_16 = arith.andi %add3A_14, %and3A_15 : vector<16xi32>
    %add3A_17 = arith.constant 16 : i32
    %add3A_18 = vector.broadcast %add3A_17 : i32 to vector<16xi32>
    %add3A_19 = arith.addi %iota3A, %add3A_18 : vector<16xi32>
    %and3A_20 = arith.constant 7 : i32
    %and3A_21 = vector.broadcast %and3A_20 : i32 to vector<16xi32>
    %and3A_22 = arith.andi %add3A_19, %and3A_21 : vector<16xi32>
    %broadcast_in_dim3A = arith.constant 0 : i32
    %broadcast_in_dim3A_23 = vector.broadcast %broadcast_in_dim3A : i32 to vector<16xi32>
    %add3A_24 = arith.constant 0 : i32
    %add3A_25 = vector.broadcast %add3A_24 : i32 to vector<16xi32>
    %add3A_26 = arith.addi %iota3A, %add3A_25 : vector<16xi32>
    %gather3A = tpu.vector_load_idx %arg5[%add3A_26, %broadcast_in_dim3A_23] : memref<128x201xi32, #tpu.memory_space<vmem>>[vector<16xi32>, vector<16xi32>], vector<16xi32>,
    %swap3A = arith.constant 0 : i32
    %swap3A_27 = arith.index_cast %swap3A : i32 to index
    %swap3A_28 = arith.constant 0 : index
    %swap3A_29 = tpu.vector_load %arg6[%swap3A_27, %swap3A_28] {strides = array<i32>} : memref<4x128xi32, #tpu.memory_space<vmem>>, vector<16xi32>,
    tpu.vector_store %arg6[%swap3A_27, %swap3A_28], %gather3A {strides = array<i32>} : memref<4x128xi32, #tpu.memory_space<vmem>>, vector<16xi32>,
    %add3A_30 = arith.constant 16 : i32
    %add3A_31 = vector.broadcast %add3A_30 : i32 to vector<16xi32>
    %add3A_32 = arith.addi %iota3A, %add3A_31 : vector<16xi32>
    %gather3A_33 = tpu.vector_load_idx %arg5[%add3A_32, %broadcast_in_dim3A_23] : memref<128x201xi32, #tpu.memory_space<vmem>>[vector<16xi32>, vector<16xi32>], vector<16xi32>,
    %swap3A_34 = arith.constant 0 : i32
    %swap3A_35 = arith.index_cast %swap3A_34 : i32 to index
    %swap3A_36 = arith.constant 16 : index
    %swap3A_37 = tpu.vector_load %arg6[%swap3A_35, %swap3A_36] {strides = array<i32>} : memref<4x128xi32, #tpu.memory_space<vmem>>, vector<16xi32>,
    tpu.vector_store %arg6[%swap3A_35, %swap3A_36], %gather3A_33 {strides = array<i32>} : memref<4x128xi32, #tpu.memory_space<vmem>>, vector<16xi32>,
    %add3A_38 = arith.constant 32 : i32
    %add3A_39 = vector.broadcast %add3A_38 : i32 to vector<16xi32>
    %add3A_40 = arith.addi %iota3A, %add3A_39 : vector<16xi32>
    %gather3A_41 = tpu.vector_load_idx %arg5[%add3A_40, %broadcast_in_dim3A_23] : memref<128x201xi32, #tpu.memory_space<vmem>>[vector<16xi32>, vector<16xi32>], vector<16xi32>,
    %swap3A_42 = arith.constant 0 : i32
    %swap3A_43 = arith.index_cast %swap3A_42 : i32 to index
    %swap3A_44 = arith.constant 32 : index
    %swap3A_45 = tpu.vector_load %arg6[%swap3A_43, %swap3A_44] {strides = array<i32>} : memref<4x128xi32, #tpu.memory_space<vmem>>, vector<16xi32>,
    tpu.vector_store %arg6[%swap3A_43, %swap3A_44], %gather3A_41 {strides = array<i32>} : memref<4x128xi32, #tpu.memory_space<vmem>>, vector<16xi32>,
    %add3A_46 = arith.constant 48 : i32
    %add3A_47 = vector.broadcast %add3A_46 : i32 to vector<16xi32>
    %add3A_48 = arith.addi %iota3A, %add3A_47 : vector<16xi32>
    %gather3A_49 = tpu.vector_load_idx %arg5[%add3A_48, %broadcast_in_dim3A_23] : memref<128x201xi32, #tpu.memory_space<vmem>>[vector<16xi32>, vector<16xi32>], vector<16xi32>,
    %swap3A_50 = arith.constant 0 : i32
    %swap3A_51 = arith.index_cast %swap3A_50 : i32 to index
    %swap3A_52 = arith.constant 48 : index
    %swap3A_53 = tpu.vector_load %arg6[%swap3A_51, %swap3A_52] {strides = array<i32>} : memref<4x128xi32, #tpu.memory_space<vmem>>, vector<16xi32>,
    tpu.vector_store %arg6[%swap3A_51, %swap3A_52], %gather3A_49 {strides = array<i32>} : memref<4x128xi32, #tpu.memory_space<vmem>>, vector<16xi32>,
    %add3A_54 = arith.constant 64 : i32
    %add3A_55 = vector.broadcast %add3A_54 : i32 to vector<16xi32>
    %add3A_56 = arith.addi %iota3A, %add3A_55 : vector<16xi32>
    %gather3A_57 = tpu.vector_load_idx %arg5[%add3A_56, %broadcast_in_dim3A_23] : memref<128x201xi32, #tpu.memory_space<vmem>>[vector<16xi32>, vector<16xi32>], vector<16xi32>,
    %swap3A_58 = arith.constant 0 : i32
    %swap3A_59 = arith.index_cast %swap3A_58 : i32 to index
    %swap3A_60 = arith.constant 64 : index
    %swap3A_61 = tpu.vector_load %arg6[%swap3A_59, %swap3A_60] {strides = array<i32>} : memref<4x128xi32, #tpu.memory_space<vmem>>, vector<16xi32>,
    tpu.vector_store %arg6[%swap3A_59, %swap3A_60], %gather3A_57 {strides = array<i32>} : memref<4x128xi32, #tpu.memory_space<vmem>>, vector<16xi32>,
    %add3A_62 = arith.constant 80 : i32
    %add3A_63 = vector.broadcast %add3A_62 : i32 to vector<16xi32>
    %add3A_64 = arith.addi %iota3A, %add3A_63 : vector<16xi32>
    %gather3A_65 = tpu.vector_load_idx %arg5[%add3A_64, %broadcast_in_dim3A_23] : memref<128x201xi32, #tpu.memory_space<vmem>>[vector<16xi32>, vector<16xi32>], vector<16xi32>,
    %swap3A_66 = arith.constant 0 : i32
    %swap3A_67 = arith.index_cast %swap3A_66 : i32 to index
    %swap3A_68 = arith.constant 80 : index
    %swap3A_69 = tpu.vector_load %arg6[%swap3A_67, %swap3A_68] {strides = array<i32>} : memref<4x128xi32, #tpu.memory_space<vmem>>, vector<16xi32>,
    tpu.vector_store %arg6[%swap3A_67, %swap3A_68], %gather3A_65 {strides = array<i32>} : memref<4x128xi32, #tpu.memory_space<vmem>>, vector<16xi32>,
    %add3A_70 = arith.constant 96 : i32
    %add3A_71 = vector.broadcast %add3A_70 : i32 to vector<16xi32>
    %add3A_72 = arith.addi %iota3A, %add3A_71 : vector<16xi32>
    %gather3A_73 = tpu.vector_load_idx %arg5[%add3A_72, %broadcast_in_dim3A_23] : memref<128x201xi32, #tpu.memory_space<vmem>>[vector<16xi32>, vector<16xi32>], vector<16xi32>,
    %swap3A_74 = arith.constant 0 : i32
    %swap3A_75 = arith.index_cast %swap3A_74 : i32 to index
    %swap3A_76 = arith.constant 96 : index
    %swap3A_77 = tpu.vector_load %arg6[%swap3A_75, %swap3A_76] {strides = array<i32>} : memref<4x128xi32, #tpu.memory_space<vmem>>, vector<16xi32>,
    tpu.vector_store %arg6[%swap3A_75, %swap3A_76], %gather3A_73 {strides = array<i32>} : memref<4x128xi32, #tpu.memory_space<vmem>>, vector<16xi32>,
    %add3A_78 = arith.constant 112 : i32
    %add3A_79 = vector.broadcast %add3A_78 : i32 to vector<16xi32>
    %add3A_80 = arith.addi %iota3A, %add3A_79 : vector<16xi32>
    %gather3A_81 = tpu.vector_load_idx %arg5[%add3A_80, %broadcast_in_dim3A_23] : memref<128x201xi32, #tpu.memory_space<vmem>>[vector<16xi32>, vector<16xi32>], vector<16xi32>,
    %swap3A_82 = arith.constant 0 : i32
    %swap3A_83 = arith.index_cast %swap3A_82 : i32 to index
    %swap3A_84 = arith.constant 112 : index
    %swap3A_85 = tpu.vector_load %arg6[%swap3A_83, %swap3A_84] {strides = array<i32>} : memref<4x128xi32, #tpu.memory_space<vmem>>, vector<16xi32>,
    tpu.vector_store %arg6[%swap3A_83, %swap3A_84], %gather3A_81 {strides = array<i32>} : memref<4x128xi32, #tpu.memory_space<vmem>>, vector<16xi32>,
    %dma_start3A = arith.constant 0 : i32
    %dma_start3A_86 = arith.constant 0 : i32
    %dma_start3A_87 = arith.constant 0 : i32
    %dma_start3A_88 = arith.constant 0 : i32
    %dma_start3A_89 = arith.constant 0 : i32
    %dma_start3A_90 = tpu.memref_slice %arg7[%dma_start3A_86, %dma_start3A_88, %dma_start3A_89] : memref<4x128x32xf32, #tpu.memory_space<vmem>> -> memref<1x128x32xf32, #tpu.memory_space<vmem>>
    %dma_start3A_91 = tpu.memref_squeeze %dma_start3A_90 : memref<1x128x32xf32, #tpu.memory_space<vmem>> -> memref<128x32xf32, #tpu.memory_space<vmem>>
    %dma_start3A_92 = arith.constant 0 : i32
    %dma_start3A_93 = tpu.memref_slice %arg6[%dma_start3A, %dma_start3A_92] : memref<4x128xi32, #tpu.memory_space<vmem>> -> memref<1x128xi32, #tpu.memory_space<vmem>>
    %dma_start3A_94 = tpu.memref_squeeze %dma_start3A_93 : memref<1x128xi32, #tpu.memory_space<vmem>> -> memref<128xi32, #tpu.memory_space<vmem>>
    %dma_start3A_95 = arith.constant 0 : i32
    %dma_start3A_96 = arith.constant 0 : i32
    %dma_start3A_97 = tpu.memref_slice %arg2[%dma_start3A_95, %dma_start3A_96] : memref<1000000x32xf32, #tpu.memory_space<hbm>> -> memref<1000000x32xf32, #tpu.memory_space<hbm>>
    %dma_start3A_98 = tpu.memref_slice %arg9[%dma_start3A_87] : memref<4x!tpu.dma_semaphore, #tpu.memory_space<semaphore_mem>> -> memref<1x!tpu.dma_semaphore, #tpu.memory_space<semaphore_mem>>
    %dma_start3A_99 = tpu.memref_squeeze %dma_start3A_98 : memref<1x!tpu.dma_semaphore, #tpu.memory_space<semaphore_mem>> -> memref<!tpu.dma_semaphore, #tpu.memory_space<semaphore_mem>>
    tpu.enqueue_indirect_dma source(%dma_start3A_97 : memref<1000000x32xf32, #tpu.memory_space<hbm>>) target(%dma_start3A_91 : memref<128x32xf32, #tpu.memory_space<vmem>>) offsets(%dma_start3A_94 : memref<128xi32, #tpu.memory_space<vmem>>) semaphore(%dma_start3A_99 : memref<!tpu.dma_semaphore, #tpu.memory_space<semaphore_mem>>)
    %broadcast_in_dim3A_100 = arith.constant 1 : i32
    %broadcast_in_dim3A_101 = vector.broadcast %broadcast_in_dim3A_100 : i32 to vector<16xi32>
    %add3A_102 = arith.constant 0 : i32
    %add3A_103 = vector.broadcast %add3A_102 : i32 to vector<16xi32>
    %add3A_104 = arith.addi %iota3A, %add3A_103 : vector<16xi32>
    %gather3A_105 = tpu.vector_load_idx %arg5[%add3A_104, %broadcast_in_dim3A_101] : memref<128x201xi32, #tpu.memory_space<vmem>>[vector<16xi32>, vector<16xi32>], vector<16xi32>,
    %swap3A_106 = arith.constant 1 : i32
    %swap3A_107 = arith.index_cast %swap3A_106 : i32 to index
    %swap3A_108 = arith.constant 0 : index
    %swap3A_109 = tpu.vector_load %arg6[%swap3A_107, %swap3A_108] {strides = array<i32>} : memref<4x128xi32, #tpu.memory_space<vmem>>, vector<16xi32>,
    tpu.vector_store %arg6[%swap3A_107, %swap3A_108], %gather3A_105 {strides = array<i32>} : memref<4x128xi32, #tpu.memory_space<vmem>>, vector<16xi32>,
    %add3A_110 = arith.constant 16 : i32
    %add3A_111 = vector.broadcast %add3A_110 : i32 to vector<16xi32>
    %add3A_112 = arith.addi %iota3A, %add3A_111 : vector<16xi32>
    %gather3A_113 = tpu.vector_load_idx %arg5[%add3A_112, %broadcast_in_dim3A_101] : memref<128x201xi32, #tpu.memory_space<vmem>>[vector<16xi32>, vector<16xi32>], vector<16xi32>,
    %swap3A_114 = arith.constant 1 : i32
    %swap3A_115 = arith.index_cast %swap3A_114 : i32 to index
    %swap3A_116 = arith.constant 16 : index
    %swap3A_117 = tpu.vector_load %arg6[%swap3A_115, %swap3A_116] {strides = array<i32>} : memref<4x128xi32, #tpu.memory_space<vmem>>, vector<16xi32>,
    tpu.vector_store %arg6[%swap3A_115, %swap3A_116], %gather3A_113 {strides = array<i32>} : memref<4x128xi32, #tpu.memory_space<vmem>>, vector<16xi32>,
    %add3A_118 = arith.constant 32 : i32
    %add3A_119 = vector.broadcast %add3A_118 : i32 to vector<16xi32>
    %add3A_120 = arith.addi %iota3A, %add3A_119 : vector<16xi32>
    %gather3A_121 = tpu.vector_load_idx %arg5[%add3A_120, %broadcast_in_dim3A_101] : memref<128x201xi32, #tpu.memory_space<vmem>>[vector<16xi32>, vector<16xi32>], vector<16xi32>,
    %swap3A_122 = arith.constant 1 : i32
    %swap3A_123 = arith.index_cast %swap3A_122 : i32 to index
    %swap3A_124 = arith.constant 32 : index
    %swap3A_125 = tpu.vector_load %arg6[%swap3A_123, %swap3A_124] {strides = array<i32>} : memref<4x128xi32, #tpu.memory_space<vmem>>, vector<16xi32>,
    tpu.vector_store %arg6[%swap3A_123, %swap3A_124], %gather3A_121 {strides = array<i32>} : memref<4x128xi32, #tpu.memory_space<vmem>>, vector<16xi32>,
    %add3A_126 = arith.constant 48 : i32
    %add3A_127 = vector.broadcast %add3A_126 : i32 to vector<16xi32>
    %add3A_128 = arith.addi %iota3A, %add3A_127 : vector<16xi32>
    %gather3A_129 = tpu.vector_load_idx %arg5[%add3A_128, %broadcast_in_dim3A_101] : memref<128x201xi32, #tpu.memory_space<vmem>>[vector<16xi32>, vector<16xi32>], vector<16xi32>,
    %swap3A_130 = arith.constant 1 : i32
    %swap3A_131 = arith.index_cast %swap3A_130 : i32 to index
    %swap3A_132 = arith.constant 48 : index
    %swap3A_133 = tpu.vector_load %arg6[%swap3A_131, %swap3A_132] {strides = array<i32>} : memref<4x128xi32, #tpu.memory_space<vmem>>, vector<16xi32>,
    tpu.vector_store %arg6[%swap3A_131, %swap3A_132], %gather3A_129 {strides = array<i32>} : memref<4x128xi32, #tpu.memory_space<vmem>>, vector<16xi32>,
    %add3A_134 = arith.constant 64 : i32
    %add3A_135 = vector.broadcast %add3A_134 : i32 to vector<16xi32>
    %add3A_136 = arith.addi %iota3A, %add3A_135 : vector<16xi32>
    %gather3A_137 = tpu.vector_load_idx %arg5[%add3A_136, %broadcast_in_dim3A_101] : memref<128x201xi32, #tpu.memory_space<vmem>>[vector<16xi32>, vector<16xi32>], vector<16xi32>,
    %swap3A_138 = arith.constant 1 : i32
    %swap3A_139 = arith.index_cast %swap3A_138 : i32 to index
    %swap3A_140 = arith.constant 64 : index
    %swap3A_141 = tpu.vector_load %arg6[%swap3A_139, %swap3A_140] {strides = array<i32>} : memref<4x128xi32, #tpu.memory_space<vmem>>, vector<16xi32>,
    tpu.vector_store %arg6[%swap3A_139, %swap3A_140], %gather3A_137 {strides = array<i32>} : memref<4x128xi32, #tpu.memory_space<vmem>>, vector<16xi32>,
    %add3A_142 = arith.constant 80 : i32
    %add3A_143 = vector.broadcast %add3A_142 : i32 to vector<16xi32>
    %add3A_144 = arith.addi %iota3A, %add3A_143 : vector<16xi32>
    %gather3A_145 = tpu.vector_load_idx %arg5[%add3A_144, %broadcast_in_dim3A_101] : memref<128x201xi32, #tpu.memory_space<vmem>>[vector<16xi32>, vector<16xi32>], vector<16xi32>,
    %swap3A_146 = arith.constant 1 : i32
    %swap3A_147 = arith.index_cast %swap3A_146 : i32 to index
    %swap3A_148 = arith.constant 80 : index
    %swap3A_149 = tpu.vector_load %arg6[%swap3A_147, %swap3A_148] {strides = array<i32>} : memref<4x128xi32, #tpu.memory_space<vmem>>, vector<16xi32>,
    tpu.vector_store %arg6[%swap3A_147, %swap3A_148], %gather3A_145 {strides = array<i32>} : memref<4x128xi32, #tpu.memory_space<vmem>>, vector<16xi32>,
    %add3A_150 = arith.constant 96 : i32
    %add3A_151 = vector.broadcast %add3A_150 : i32 to vector<16xi32>
    %add3A_152 = arith.addi %iota3A, %add3A_151 : vector<16xi32>
    %gather3A_153 = tpu.vector_load_idx %arg5[%add3A_152, %broadcast_in_dim3A_101] : memref<128x201xi32, #tpu.memory_space<vmem>>[vector<16xi32>, vector<16xi32>], vector<16xi32>,
    %swap3A_154 = arith.constant 1 : i32
    %swap3A_155 = arith.index_cast %swap3A_154 : i32 to index
    %swap3A_156 = arith.constant 96 : index
    %swap3A_157 = tpu.vector_load %arg6[%swap3A_155, %swap3A_156] {strides = array<i32>} : memref<4x128xi32, #tpu.memory_space<vmem>>, vector<16xi32>,
    tpu.vector_store %arg6[%swap3A_155, %swap3A_156], %gather3A_153 {strides = array<i32>} : memref<4x128xi32, #tpu.memory_space<vmem>>, vector<16xi32>,
    %add3A_158 = arith.constant 112 : i32
    %add3A_159 = vector.broadcast %add3A_158 : i32 to vector<16xi32>
    %add3A_160 = arith.addi %iota3A, %add3A_159 : vector<16xi32>
    %gather3A_161 = tpu.vector_load_idx %arg5[%add3A_160, %broadcast_in_dim3A_101] : memref<128x201xi32, #tpu.memory_space<vmem>>[vector<16xi32>, vector<16xi32>], vector<16xi32>,
    %swap3A_162 = arith.constant 1 : i32
    %swap3A_163 = arith.index_cast %swap3A_162 : i32 to index
    %swap3A_164 = arith.constant 112 : index
    %swap3A_165 = tpu.vector_load %arg6[%swap3A_163, %swap3A_164] {strides = array<i32>} : memref<4x128xi32, #tpu.memory_space<vmem>>, vector<16xi32>,
    tpu.vector_store %arg6[%swap3A_163, %swap3A_164], %gather3A_161 {strides = array<i32>} : memref<4x128xi32, #tpu.memory_space<vmem>>, vector<16xi32>,
    %dma_start3A_166 = arith.constant 1 : i32
    %dma_start3A_167 = arith.constant 1 : i32
    %dma_start3A_168 = arith.constant 1 : i32
    %dma_start3A_169 = arith.constant 0 : i32
    %dma_start3A_170 = arith.constant 0 : i32
    %dma_start3A_171 = tpu.memref_slice %arg7[%dma_start3A_167, %dma_start3A_169, %dma_start3A_170] : memref<4x128x32xf32, #tpu.memory_space<vmem>> -> memref<1x128x32xf32, #tpu.memory_space<vmem>>
    %dma_start3A_172 = tpu.memref_squeeze %dma_start3A_171 : memref<1x128x32xf32, #tpu.memory_space<vmem>> -> memref<128x32xf32, #tpu.memory_space<vmem>>
    %dma_start3A_173 = arith.constant 0 : i32
    %dma_start3A_174 = tpu.memref_slice %arg6[%dma_start3A_166, %dma_start3A_173] : memref<4x128xi32, #tpu.memory_space<vmem>> -> memref<1x128xi32, #tpu.memory_space<vmem>>
    %dma_start3A_175 = tpu.memref_squeeze %dma_start3A_174 : memref<1x128xi32, #tpu.memory_space<vmem>> -> memref<128xi32, #tpu.memory_space<vmem>>
    %dma_start3A_176 = arith.constant 0 : i32
    %dma_start3A_177 = arith.constant 0 : i32
    %dma_start3A_178 = tpu.memref_slice %arg2[%dma_start3A_176, %dma_start3A_177] : memref<1000000x32xf32, #tpu.memory_space<hbm>> -> memref<1000000x32xf32, #tpu.memory_space<hbm>>
    %dma_start3A_179 = tpu.memref_slice %arg9[%dma_start3A_168] : memref<4x!tpu.dma_semaphore, #tpu.memory_space<semaphore_mem>> -> memref<1x!tpu.dma_semaphore, #tpu.memory_space<semaphore_mem>>
    %dma_start3A_180 = tpu.memref_squeeze %dma_start3A_179 : memref<1x!tpu.dma_semaphore, #tpu.memory_space<semaphore_mem>> -> memref<!tpu.dma_semaphore, #tpu.memory_space<semaphore_mem>>
    tpu.enqueue_indirect_dma source(%dma_start3A_178 : memref<1000000x32xf32, #tpu.memory_space<hbm>>) target(%dma_start3A_172 : memref<128x32xf32, #tpu.memory_space<vmem>>) offsets(%dma_start3A_175 : memref<128xi32, #tpu.memory_space<vmem>>) semaphore(%dma_start3A_180 : memref<!tpu.dma_semaphore, #tpu.memory_space<semaphore_mem>>)
    %broadcast_in_dim3A_181 = arith.constant 2 : i32
    %broadcast_in_dim3A_182 = vector.broadcast %broadcast_in_dim3A_181 : i32 to vector<16xi32>
    %add3A_183 = arith.constant 0 : i32
    %add3A_184 = vector.broadcast %add3A_183 : i32 to vector<16xi32>
    %add3A_185 = arith.addi %iota3A, %add3A_184 : vector<16xi32>
    %gather3A_186 = tpu.vector_load_idx %arg5[%add3A_185, %broadcast_in_dim3A_182] : memref<128x201xi32, #tpu.memory_space<vmem>>[vector<16xi32>, vector<16xi32>], vector<16xi32>,
    %swap3A_187 = arith.constant 2 : i32
    %swap3A_188 = arith.index_cast %swap3A_187 : i32 to index
    %swap3A_189 = arith.constant 0 : index
    %swap3A_190 = tpu.vector_load %arg6[%swap3A_188, %swap3A_189] {strides = array<i32>} : memref<4x128xi32, #tpu.memory_space<vmem>>, vector<16xi32>,
    tpu.vector_store %arg6[%swap3A_188, %swap3A_189], %gather3A_186 {strides = array<i32>} : memref<4x128xi32, #tpu.memory_space<vmem>>, vector<16xi32>,
    %add3A_191 = arith.constant 16 : i32
    %add3A_192 = vector.broadcast %add3A_191 : i32 to vector<16xi32>
    %add3A_193 = arith.addi %iota3A, %add3A_192 : vector<16xi32>
    %gather3A_194 = tpu.vector_load_idx %arg5[%add3A_193, %broadcast_in_dim3A_182] : memref<128x201xi32, #tpu.memory_space<vmem>>[vector<16xi32>, vector<16xi32>], vector<16xi32>,
    %swap3A_195 = arith.constant 2 : i32
    %swap3A_196 = arith.index_cast %swap3A_195 : i32 to index
    %swap3A_197 = arith.constant 16 : index
    %swap3A_198 = tpu.vector_load %arg6[%swap3A_196, %swap3A_197] {strides = array<i32>} : memref<4x128xi32, #tpu.memory_space<vmem>>, vector<16xi32>,
    tpu.vector_store %arg6[%swap3A_196, %swap3A_197], %gather3A_194 {strides = array<i32>} : memref<4x128xi32, #tpu.memory_space<vmem>>, vector<16xi32>,
    %add3A_199 = arith.constant 32 : i32
    %add3A_200 = vector.broadcast %add3A_199 : i32 to vector<16xi32>
    %add3A_201 = arith.addi %iota3A, %add3A_200 : vector<16xi32>
    %gather3A_202 = tpu.vector_load_idx %arg5[%add3A_201, %broadcast_in_dim3A_182] : memref<128x201xi32, #tpu.memory_space<vmem>>[vector<16xi32>, vector<16xi32>], vector<16xi32>,
    %swap3A_203 = arith.constant 2 : i32
    %swap3A_204 = arith.index_cast %swap3A_203 : i32 to index
    %swap3A_205 = arith.constant 32 : index
    %swap3A_206 = tpu.vector_load %arg6[%swap3A_204, %swap3A_205] {strides = array<i32>} : memref<4x128xi32, #tpu.memory_space<vmem>>, vector<16xi32>,
    tpu.vector_store %arg6[%swap3A_204, %swap3A_205], %gather3A_202 {strides = array<i32>} : memref<4x128xi32, #tpu.memory_space<vmem>>, vector<16xi32>,
    %add3A_207 = arith.constant 48 : i32
    %add3A_208 = vector.broadcast %add3A_207 : i32 to vector<16xi32>
    %add3A_209 = arith.addi %iota3A, %add3A_208 : vector<16xi32>
    %gather3A_210 = tpu.vector_load_idx %arg5[%add3A_209, %broadcast_in_dim3A_182] : memref<128x201xi32, #tpu.memory_space<vmem>>[vector<16xi32>, vector<16xi32>], vector<16xi32>,
    %swap3A_211 = arith.constant 2 : i32
    %swap3A_212 = arith.index_cast %swap3A_211 : i32 to index
    %swap3A_213 = arith.constant 48 : index
    %swap3A_214 = tpu.vector_load %arg6[%swap3A_212, %swap3A_213] {strides = array<i32>} : memref<4x128xi32, #tpu.memory_space<vmem>>, vector<16xi32>,
    tpu.vector_store %arg6[%swap3A_212, %swap3A_213], %gather3A_210 {strides = array<i32>} : memref<4x128xi32, #tpu.memory_space<vmem>>, vector<16xi32>,
    %add3A_215 = arith.constant 64 : i32
    %add3A_216 = vector.broadcast %add3A_215 : i32 to vector<16xi32>
    %add3A_217 = arith.addi %iota3A, %add3A_216 : vector<16xi32>
    %gather3A_218 = tpu.vector_load_idx %arg5[%add3A_217, %broadcast_in_dim3A_182] : memref<128x201xi32, #tpu.memory_space<vmem>>[vector<16xi32>, vector<16xi32>], vector<16xi32>,
    %swap3A_219 = arith.constant 2 : i32
    %swap3A_220 = arith.index_cast %swap3A_219 : i32 to index
    %swap3A_221 = arith.constant 64 : index
    %swap3A_222 = tpu.vector_load %arg6[%swap3A_220, %swap3A_221] {strides = array<i32>} : memref<4x128xi32, #tpu.memory_space<vmem>>, vector<16xi32>,
    tpu.vector_store %arg6[%swap3A_220, %swap3A_221], %gather3A_218 {strides = array<i32>} : memref<4x128xi32, #tpu.memory_space<vmem>>, vector<16xi32>,
    %add3A_223 = arith.constant 80 : i32
    %add3A_224 = vector.broadcast %add3A_223 : i32 to vector<16xi32>
    %add3A_225 = arith.addi %iota3A, %add3A_224 : vector<16xi32>
    %gather3A_226 = tpu.vector_load_idx %arg5[%add3A_225, %broadcast_in_dim3A_182] : memref<128x201xi32, #tpu.memory_space<vmem>>[vector<16xi32>, vector<16xi32>], vector<16xi32>,
    %swap3A_227 = arith.constant 2 : i32
    %swap3A_228 = arith.index_cast %swap3A_227 : i32 to index
    %swap3A_229 = arith.constant 80 : index
    %swap3A_230 = tpu.vector_load %arg6[%swap3A_228, %swap3A_229] {strides = array<i32>} : memref<4x128xi32, #tpu.memory_space<vmem>>, vector<16xi32>,
    tpu.vector_store %arg6[%swap3A_228, %swap3A_229], %gather3A_226 {strides = array<i32>} : memref<4x128xi32, #tpu.memory_space<vmem>>, vector<16xi32>,
    %add3A_231 = arith.constant 96 : i32
    %add3A_232 = vector.broadcast %add3A_231 : i32 to vector<16xi32>
    %add3A_233 = arith.addi %iota3A, %add3A_232 : vector<16xi32>
    %gather3A_234 = tpu.vector_load_idx %arg5[%add3A_233, %broadcast_in_dim3A_182] : memref<128x201xi32, #tpu.memory_space<vmem>>[vector<16xi32>, vector<16xi32>], vector<16xi32>,
    %swap3A_235 = arith.constant 2 : i32
    %swap3A_236 = arith.index_cast %swap3A_235 : i32 to index
    %swap3A_237 = arith.constant 96 : index
    %swap3A_238 = tpu.vector_load %arg6[%swap3A_236, %swap3A_237] {strides = array<i32>} : memref<4x128xi32, #tpu.memory_space<vmem>>, vector<16xi32>,
    tpu.vector_store %arg6[%swap3A_236, %swap3A_237], %gather3A_234 {strides = array<i32>} : memref<4x128xi32, #tpu.memory_space<vmem>>, vector<16xi32>,
    %add3A_239 = arith.constant 112 : i32
    %add3A_240 = vector.broadcast %add3A_239 : i32 to vector<16xi32>
    %add3A_241 = arith.addi %iota3A, %add3A_240 : vector<16xi32>
    %gather3A_242 = tpu.vector_load_idx %arg5[%add3A_241, %broadcast_in_dim3A_182] : memref<128x201xi32, #tpu.memory_space<vmem>>[vector<16xi32>, vector<16xi32>], vector<16xi32>,
    %swap3A_243 = arith.constant 2 : i32
    %swap3A_244 = arith.index_cast %swap3A_243 : i32 to index
    %swap3A_245 = arith.constant 112 : index
    %swap3A_246 = tpu.vector_load %arg6[%swap3A_244, %swap3A_245] {strides = array<i32>} : memref<4x128xi32, #tpu.memory_space<vmem>>, vector<16xi32>,
    tpu.vector_store %arg6[%swap3A_244, %swap3A_245], %gather3A_242 {strides = array<i32>} : memref<4x128xi32, #tpu.memory_space<vmem>>, vector<16xi32>,
    %dma_start3A_247 = arith.constant 2 : i32
    %dma_start3A_248 = arith.constant 2 : i32
    %dma_start3A_249 = arith.constant 2 : i32
    %dma_start3A_250 = arith.constant 0 : i32
    %dma_start3A_251 = arith.constant 0 : i32
    %dma_start3A_252 = tpu.memref_slice %arg7[%dma_start3A_248, %dma_start3A_250, %dma_start3A_251] : memref<4x128x32xf32, #tpu.memory_space<vmem>> -> memref<1x128x32xf32, #tpu.memory_space<vmem>>
    %dma_start3A_253 = tpu.memref_squeeze %dma_start3A_252 : memref<1x128x32xf32, #tpu.memory_space<vmem>> -> memref<128x32xf32, #tpu.memory_space<vmem>>
    %dma_start3A_254 = arith.constant 0 : i32
    %dma_start3A_255 = tpu.memref_slice %arg6[%dma_start3A_247, %dma_start3A_254] : memref<4x128xi32, #tpu.memory_space<vmem>> -> memref<1x128xi32, #tpu.memory_space<vmem>>
    %dma_start3A_256 = tpu.memref_squeeze %dma_start3A_255 : memref<1x128xi32, #tpu.memory_space<vmem>> -> memref<128xi32, #tpu.memory_space<vmem>>
    %dma_start3A_257 = arith.constant 0 : i32
    %dma_start3A_258 = arith.constant 0 : i32
    %dma_start3A_259 = tpu.memref_slice %arg2[%dma_start3A_257, %dma_start3A_258] : memref<1000000x32xf32, #tpu.memory_space<hbm>> -> memref<1000000x32xf32, #tpu.memory_space<hbm>>
    %dma_start3A_260 = tpu.memref_slice %arg9[%dma_start3A_249] : memref<4x!tpu.dma_semaphore, #tpu.memory_space<semaphore_mem>> -> memref<1x!tpu.dma_semaphore, #tpu.memory_space<semaphore_mem>>
    %dma_start3A_261 = tpu.memref_squeeze %dma_start3A_260 : memref<1x!tpu.dma_semaphore, #tpu.memory_space<semaphore_mem>> -> memref<!tpu.dma_semaphore, #tpu.memory_space<semaphore_mem>>
    tpu.enqueue_indirect_dma source(%dma_start3A_259 : memref<1000000x32xf32, #tpu.memory_space<hbm>>) target(%dma_start3A_253 : memref<128x32xf32, #tpu.memory_space<vmem>>) offsets(%dma_start3A_256 : memref<128xi32, #tpu.memory_space<vmem>>) semaphore(%dma_start3A_261 : memref<!tpu.dma_semaphore, #tpu.memory_space<semaphore_mem>>)
    %scan3A = arith.constant 0 : i32
    %scan3A_262 = arith.constant 0 : i32
    %scan3A_263 = arith.constant 50 : i32
    %scan3A_264 = arith.addi %scan3A_262, %scan3A_263 : i32
    %scan3A_265 = arith.constant 1 : i32
    scf.for %scan3A_316 = %scan3A_262 to %scan3A_264 step %scan3A_265  : i32 {
      %mul3A_317 = arith.constant 4 : i32
      %mul3A_318 = arith.muli %mul3A_317, %scan3A_316 : i32
      %add3A_319 = arith.constant 0 : i32
      %add3A_320 = arith.addi %mul3A_318, %add3A_319 : i32
      %add3A_321 = arith.constant 4 : i32
      %add3A_322 = arith.addi %add3A_320, %add3A_321 : i32
      %sub3A = arith.constant 1 : i32
      %sub3A_323 = arith.subi %add3A_322, %sub3A : i32
      %lt3A = arith.constant 200 : i32
      %lt3A_324 = arith.cmpi slt, %sub3A_323, %lt3A : i32
      %convert_element_type3A = arith.extui %lt3A_324 : i1 to i32
      %cond3A = arith.constant 0 : i32
      %cond3A_325 = arith.cmpi ne, %convert_element_type3A, %cond3A : i32
      scf.if %cond3A_325 {
        %add3A_575 = arith.constant 4 : i32
        %add3A_576 = arith.addi %add3A_320, %add3A_575 : i32
        %sub3A_577 = arith.constant 1 : i32
        %sub3A_578 = arith.subi %add3A_576, %sub3A_577 : i32
        %broadcast_in_dim3A_579 = vector.broadcast %sub3A_578 : i32 to vector<16xi32>
        %add3A_580 = arith.constant 0 : i32
        %add3A_581 = vector.broadcast %add3A_580 : i32 to vector<16xi32>
        %add3A_582 = arith.addi %iota3A, %add3A_581 : vector<16xi32>
        %gather3A_583 = tpu.vector_load_idx %arg5[%add3A_582, %broadcast_in_dim3A_579] : memref<128x201xi32, #tpu.memory_space<vmem>>[vector<16xi32>, vector<16xi32>], vector<16xi32>,
        %swap3A_584 = arith.constant 3 : i32
        %swap3A_585 = arith.index_cast %swap3A_584 : i32 to index
        %swap3A_586 = arith.constant 0 : index
        %swap3A_587 = tpu.vector_load %arg6[%swap3A_585, %swap3A_586] {strides = array<i32>} : memref<4x128xi32, #tpu.memory_space<vmem>>, vector<16xi32>,
        tpu.vector_store %arg6[%swap3A_585, %swap3A_586], %gather3A_583 {strides = array<i32>} : memref<4x128xi32, #tpu.memory_space<vmem>>, vector<16xi32>,
        %add3A_588 = arith.constant 16 : i32
        %add3A_589 = vector.broadcast %add3A_588 : i32 to vector<16xi32>
        %add3A_590 = arith.addi %iota3A, %add3A_589 : vector<16xi32>
        %gather3A_591 = tpu.vector_load_idx %arg5[%add3A_590, %broadcast_in_dim3A_579] : memref<128x201xi32, #tpu.memory_space<vmem>>[vector<16xi32>, vector<16xi32>], vector<16xi32>,
        %swap3A_592 = arith.constant 3 : i32
        %swap3A_593 = arith.index_cast %swap3A_592 : i32 to index
        %swap3A_594 = arith.constant 16 : index
        %swap3A_595 = tpu.vector_load %arg6[%swap3A_593, %swap3A_594] {strides = array<i32>} : memref<4x128xi32, #tpu.memory_space<vmem>>, vector<16xi32>,
        tpu.vector_store %arg6[%swap3A_593, %swap3A_594], %gather3A_591 {strides = array<i32>} : memref<4x128xi32, #tpu.memory_space<vmem>>, vector<16xi32>,
        %add3A_596 = arith.constant 32 : i32
        %add3A_597 = vector.broadcast %add3A_596 : i32 to vector<16xi32>
        %add3A_598 = arith.addi %iota3A, %add3A_597 : vector<16xi32>
        %gather3A_599 = tpu.vector_load_idx %arg5[%add3A_598, %broadcast_in_dim3A_579] : memref<128x201xi32, #tpu.memory_space<vmem>>[vector<16xi32>, vector<16xi32>], vector<16xi32>,
        %swap3A_600 = arith.constant 3 : i32
        %swap3A_601 = arith.index_cast %swap3A_600 : i32 to index
        %swap3A_602 = arith.constant 32 : index
        %swap3A_603 = tpu.vector_load %arg6[%swap3A_601, %swap3A_602] {strides = array<i32>} : memref<4x128xi32, #tpu.memory_space<vmem>>, vector<16xi32>,
        tpu.vector_store %arg6[%swap3A_601, %swap3A_602], %gather3A_599 {strides = array<i32>} : memref<4x128xi32, #tpu.memory_space<vmem>>, vector<16xi32>,
        %add3A_604 = arith.constant 48 : i32
        %add3A_605 = vector.broadcast %add3A_604 : i32 to vector<16xi32>
        %add3A_606 = arith.addi %iota3A, %add3A_605 : vector<16xi32>
        %gather3A_607 = tpu.vector_load_idx %arg5[%add3A_606, %broadcast_in_dim3A_579] : memref<128x201xi32, #tpu.memory_space<vmem>>[vector<16xi32>, vector<16xi32>], vector<16xi32>,
        %swap3A_608 = arith.constant 3 : i32
        %swap3A_609 = arith.index_cast %swap3A_608 : i32 to index
        %swap3A_610 = arith.constant 48 : index
        %swap3A_611 = tpu.vector_load %arg6[%swap3A_609, %swap3A_610] {strides = array<i32>} : memref<4x128xi32, #tpu.memory_space<vmem>>, vector<16xi32>,
        tpu.vector_store %arg6[%swap3A_609, %swap3A_610], %gather3A_607 {strides = array<i32>} : memref<4x128xi32, #tpu.memory_space<vmem>>, vector<16xi32>,
        %add3A_612 = arith.constant 64 : i32
        %add3A_613 = vector.broadcast %add3A_612 : i32 to vector<16xi32>
        %add3A_614 = arith.addi %iota3A, %add3A_613 : vector<16xi32>
        %gather3A_615 = tpu.vector_load_idx %arg5[%add3A_614, %broadcast_in_dim3A_579] : memref<128x201xi32, #tpu.memory_space<vmem>>[vector<16xi32>, vector<16xi32>], vector<16xi32>,
        %swap3A_616 = arith.constant 3 : i32
        %swap3A_617 = arith.index_cast %swap3A_616 : i32 to index
        %swap3A_618 = arith.constant 64 : index
        %swap3A_619 = tpu.vector_load %arg6[%swap3A_617, %swap3A_618] {strides = array<i32>} : memref<4x128xi32, #tpu.memory_space<vmem>>, vector<16xi32>,
        tpu.vector_store %arg6[%swap3A_617, %swap3A_618], %gather3A_615 {strides = array<i32>} : memref<4x128xi32, #tpu.memory_space<vmem>>, vector<16xi32>,
        %add3A_620 = arith.constant 80 : i32
        %add3A_621 = vector.broadcast %add3A_620 : i32 to vector<16xi32>
        %add3A_622 = arith.addi %iota3A, %add3A_621 : vector<16xi32>
        %gather3A_623 = tpu.vector_load_idx %arg5[%add3A_622, %broadcast_in_dim3A_579] : memref<128x201xi32, #tpu.memory_space<vmem>>[vector<16xi32>, vector<16xi32>], vector<16xi32>,
        %swap3A_624 = arith.constant 3 : i32
        %swap3A_625 = arith.index_cast %swap3A_624 : i32 to index
        %swap3A_626 = arith.constant 80 : index
        %swap3A_627 = tpu.vector_load %arg6[%swap3A_625, %swap3A_626] {strides = array<i32>} : memref<4x128xi32, #tpu.memory_space<vmem>>, vector<16xi32>,
        tpu.vector_store %arg6[%swap3A_625, %swap3A_626], %gather3A_623 {strides = array<i32>} : memref<4x128xi32, #tpu.memory_space<vmem>>, vector<16xi32>,
        %add3A_628 = arith.constant 96 : i32
        %add3A_629 = vector.broadcast %add3A_628 : i32 to vector<16xi32>
        %add3A_630 = arith.addi %iota3A, %add3A_629 : vector<16xi32>
        %gather3A_631 = tpu.vector_load_idx %arg5[%add3A_630, %broadcast_in_dim3A_579] : memref<128x201xi32, #tpu.memory_space<vmem>>[vector<16xi32>, vector<16xi32>], vector<16xi32>,
        %swap3A_632 = arith.constant 3 : i32
        %swap3A_633 = arith.index_cast %swap3A_632 : i32 to index
        %swap3A_634 = arith.constant 96 : index
        %swap3A_635 = tpu.vector_load %arg6[%swap3A_633, %swap3A_634] {strides = array<i32>} : memref<4x128xi32, #tpu.memory_space<vmem>>, vector<16xi32>,
        tpu.vector_store %arg6[%swap3A_633, %swap3A_634], %gather3A_631 {strides = array<i32>} : memref<4x128xi32, #tpu.memory_space<vmem>>, vector<16xi32>,
        %add3A_636 = arith.constant 112 : i32
        %add3A_637 = vector.broadcast %add3A_636 : i32 to vector<16xi32>
        %add3A_638 = arith.addi %iota3A, %add3A_637 : vector<16xi32>
        %gather3A_639 = tpu.vector_load_idx %arg5[%add3A_638, %broadcast_in_dim3A_579] : memref<128x201xi32, #tpu.memory_space<vmem>>[vector<16xi32>, vector<16xi32>], vector<16xi32>,
        %swap3A_640 = arith.constant 3 : i32
        %swap3A_641 = arith.index_cast %swap3A_640 : i32 to index
        %swap3A_642 = arith.constant 112 : index
        %swap3A_643 = tpu.vector_load %arg6[%swap3A_641, %swap3A_642] {strides = array<i32>} : memref<4x128xi32, #tpu.memory_space<vmem>>, vector<16xi32>,
        tpu.vector_store %arg6[%swap3A_641, %swap3A_642], %gather3A_639 {strides = array<i32>} : memref<4x128xi32, #tpu.memory_space<vmem>>, vector<16xi32>,
        %dma_start3A_644 = arith.constant 3 : i32
        %dma_start3A_645 = arith.constant 3 : i32
        %dma_start3A_646 = arith.constant 3 : i32
        %dma_start3A_647 = arith.constant 0 : i32
        %dma_start3A_648 = arith.constant 0 : i32
        %dma_start3A_649 = tpu.memref_slice %arg7[%dma_start3A_645, %dma_start3A_647, %dma_start3A_648] : memref<4x128x32xf32, #tpu.memory_space<vmem>> -> memref<1x128x32xf32, #tpu.memory_space<vmem>>
        %dma_start3A_650 = tpu.memref_squeeze %dma_start3A_649 : memref<1x128x32xf32, #tpu.memory_space<vmem>> -> memref<128x32xf32, #tpu.memory_space<vmem>>
        %dma_start3A_651 = arith.constant 0 : i32
        %dma_start3A_652 = tpu.memref_slice %arg6[%dma_start3A_644, %dma_start3A_651] : memref<4x128xi32, #tpu.memory_space<vmem>> -> memref<1x128xi32, #tpu.memory_space<vmem>>
        %dma_start3A_653 = tpu.memref_squeeze %dma_start3A_652 : memref<1x128xi32, #tpu.memory_space<vmem>> -> memref<128xi32, #tpu.memory_space<vmem>>
        %dma_start3A_654 = arith.constant 0 : i32
        %dma_start3A_655 = arith.constant 0 : i32
        %dma_start3A_656 = tpu.memref_slice %arg2[%dma_start3A_654, %dma_start3A_655] : memref<1000000x32xf32, #tpu.memory_space<hbm>> -> memref<1000000x32xf32, #tpu.memory_space<hbm>>
        %dma_start3A_657 = tpu.memref_slice %arg9[%dma_start3A_646] : memref<4x!tpu.dma_semaphore, #tpu.memory_space<semaphore_mem>> -> memref<1x!tpu.dma_semaphore, #tpu.memory_space<semaphore_mem>>
        %dma_start3A_658 = tpu.memref_squeeze %dma_start3A_657 : memref<1x!tpu.dma_semaphore, #tpu.memory_space<semaphore_mem>> -> memref<!tpu.dma_semaphore, #tpu.memory_space<semaphore_mem>>
        tpu.enqueue_indirect_dma source(%dma_start3A_656 : memref<1000000x32xf32, #tpu.memory_space<hbm>>) target(%dma_start3A_650 : memref<128x32xf32, #tpu.memory_space<vmem>>) offsets(%dma_start3A_653 : memref<128xi32, #tpu.memory_space<vmem>>) semaphore(%dma_start3A_658 : memref<!tpu.dma_semaphore, #tpu.memory_space<semaphore_mem>>)
      } else {
      }
      %dma_wait3A_326 = arith.constant 0 : i32
      %dma_wait3A_327 = arith.constant 0 : i32
      %dma_wait3A_328 = arith.constant 0 : i32
      %dma_wait3A_329 = arith.constant 0 : i32
      %dma_wait3A_330 = tpu.memref_slice %arg7[%dma_wait3A_326, %dma_wait3A_328, %dma_wait3A_329] : memref<4x128x32xf32, #tpu.memory_space<vmem>> -> memref<1x128x32xf32, #tpu.memory_space<vmem>>
      %dma_wait3A_331 = tpu.memref_squeeze %dma_wait3A_330 : memref<1x128x32xf32, #tpu.memory_space<vmem>> -> memref<128x32xf32, #tpu.memory_space<vmem>>
      %dma_wait3A_332 = arith.constant 0 : i32
      %dma_wait3A_333 = arith.constant 0 : i32
      %dma_wait3A_334 = tpu.memref_slice %arg2[%dma_wait3A_332, %dma_wait3A_333] : memref<1000000x32xf32, #tpu.memory_space<hbm>> -> memref<128x32xf32, #tpu.memory_space<hbm>>
      %dma_wait3A_335 = tpu.memref_slice %arg9[%dma_wait3A_327] : memref<4x!tpu.dma_semaphore, #tpu.memory_space<semaphore_mem>> -> memref<1x!tpu.dma_semaphore, #tpu.memory_space<semaphore_mem>>
      %dma_wait3A_336 = tpu.memref_squeeze %dma_wait3A_335 : memref<1x!tpu.dma_semaphore, #tpu.memory_space<semaphore_mem>> -> memref<!tpu.dma_semaphore, #tpu.memory_space<semaphore_mem>>
      %dma_wait3A_337 = arith.constant 0 : i32
      %dma_wait3A_338 = arith.constant 0 : i32
      %dma_wait3A_339 = tpu.memref_slice %arg7[%dma_wait3A_326, %dma_wait3A_337, %dma_wait3A_338] : memref<4x128x32xf32, #tpu.memory_space<vmem>> -> memref<1x128x32xf32, #tpu.memory_space<vmem>>
      %dma_wait3A_340 = tpu.memref_squeeze %dma_wait3A_339 : memref<1x128x32xf32, #tpu.memory_space<vmem>> -> memref<128x32xf32, #tpu.memory_space<vmem>>
      %dma_wait3A_341 = arith.constant 0 : i32
      %dma_wait3A_342 = arith.constant 0 : i32
      %dma_wait3A_343 = tpu.memref_slice %arg2[%dma_wait3A_341, %dma_wait3A_342] : memref<1000000x32xf32, #tpu.memory_space<hbm>> -> memref<128x32xf32, #tpu.memory_space<hbm>>
      tpu.wait_dma2 semaphore(%dma_wait3A_336 : memref<!tpu.dma_semaphore, #tpu.memory_space<semaphore_mem>>) src(%dma_wait3A_343 : memref<128x32xf32, #tpu.memory_space<hbm>>) dst(%dma_wait3A_340 : memref<128x32xf32, #tpu.memory_space<vmem>>)
      %ge3A = arith.constant 2 : i32
      %ge3A_344 = arith.cmpi sge, %add3A_320, %ge3A : i32
      %convert_element_type3A_345 = arith.extui %ge3A_344 : i1 to i32
      %cond3A_346 = arith.constant 0 : i32
      %cond3A_347 = arith.cmpi ne, %convert_element_type3A_345, %cond3A_346 : i32
      scf.if %cond3A_347 {
        %sub3A_575 = arith.constant 2 : i32
        %sub3A_576 = arith.subi %add3A_320, %sub3A_575 : i32
        %dma_wait3A_577 = arith.constant 0 : i32
        %dma_wait3A_578 = arith.constant 0 : i32
        %dma_wait3A_579 = arith.constant 0 : i32
        %dma_wait3A_580 = arith.constant 0 : i32
        %dma_wait3A_581 = arith.constant 0 : i32
        %dma_wait3A_582 = tpu.memref_slice %arg8[%dma_wait3A_577, %dma_wait3A_579, %dma_wait3A_580, %dma_wait3A_581] : memref<2x4x8x129xf32, #tpu.memory_space<vmem>> -> memref<1x4x8x128xf32, #tpu.memory_space<vmem>>
        %dma_wait3A_583 = tpu.memref_squeeze %dma_wait3A_582 : memref<1x4x8x128xf32, #tpu.memory_space<vmem>> -> memref<4x8x128xf32, #tpu.memory_space<vmem>>
        %dma_wait3A_584 = arith.constant 0 : i32
        %dma_wait3A_585 = arith.constant 0 : i32
        %dma_wait3A_586 = arith.constant 0 : i32
        %dma_wait3A_587 = tpu.memref_slice %arg4[%sub3A_576, %dma_wait3A_584, %add3A, %dma_wait3A_585, %dma_wait3A_586] : memref<200x4x32x8x128xf32, #tpu.memory_space<hbm>> -> memref<1x4x1x8x128xf32, #tpu.memory_space<hbm>>
        %dma_wait3A_588 = tpu.memref_squeeze %dma_wait3A_587 : memref<1x4x1x8x128xf32, #tpu.memory_space<hbm>> -> memref<4x8x128xf32, #tpu.memory_space<hbm>>
        %dma_wait3A_589 = tpu.memref_slice %arg10[%dma_wait3A_578] : memref<2x!tpu.dma_semaphore, #tpu.memory_space<semaphore_mem>> -> memref<1x!tpu.dma_semaphore, #tpu.memory_space<semaphore_mem>>
        %dma_wait3A_590 = tpu.memref_squeeze %dma_wait3A_589 : memref<1x!tpu.dma_semaphore, #tpu.memory_space<semaphore_mem>> -> memref<!tpu.dma_semaphore, #tpu.memory_space<semaphore_mem>>
        %dma_wait3A_591 = arith.constant 0 : i32
        %dma_wait3A_592 = arith.constant 0 : i32
        %dma_wait3A_593 = arith.constant 0 : i32
        %dma_wait3A_594 = tpu.memref_slice %arg4[%sub3A_576, %dma_wait3A_591, %add3A, %dma_wait3A_592, %dma_wait3A_593] : memref<200x4x32x8x128xf32, #tpu.memory_space<hbm>> -> memref<1x4x1x8x128xf32, #tpu.memory_space<hbm>>
        %dma_wait3A_595 = tpu.memref_squeeze %dma_wait3A_594 : memref<1x4x1x8x128xf32, #tpu.memory_space<hbm>> -> memref<4x8x128xf32, #tpu.memory_space<hbm>>
        %dma_wait3A_596 = arith.constant 0 : i32
        %dma_wait3A_597 = arith.constant 0 : i32
        %dma_wait3A_598 = arith.constant 0 : i32
        %dma_wait3A_599 = tpu.memref_slice %arg8[%dma_wait3A_577, %dma_wait3A_596, %dma_wait3A_597, %dma_wait3A_598] : memref<2x4x8x129xf32, #tpu.memory_space<vmem>> -> memref<1x4x8x128xf32, #tpu.memory_space<vmem>>
        %dma_wait3A_600 = tpu.memref_squeeze %dma_wait3A_599 : memref<1x4x8x128xf32, #tpu.memory_space<vmem>> -> memref<4x8x128xf32, #tpu.memory_space<vmem>>
        tpu.wait_dma2 semaphore(%dma_wait3A_590 : memref<!tpu.dma_semaphore, #tpu.memory_space<semaphore_mem>>) src(%dma_wait3A_600 : memref<4x8x128xf32, #tpu.memory_space<vmem>>) dst(%dma_wait3A_595 : memref<4x8x128xf32, #tpu.memory_space<hbm>>)
      } else {
      }
      %broadcast_in_dim3A_348 = arith.constant 0 : i32
      %broadcast_in_dim3A_349 = vector.broadcast %broadcast_in_dim3A_348 : i32 to vector<16xi32>
      %parallel_loop3A = arith.constant 0 : i32
      %parallel_loop3A_350 = arith.constant 128 : i32
      %parallel_loop3A_351 = arith.constant 1 : i32
      %parallel_loop3A_352 = arith.constant 0 : i32
      scf.for %parallel_loop3A_575 = %parallel_loop3A to %parallel_loop3A_350 step %parallel_loop3A_351  : i32 {
        %parallel_loop3A_576 = vector.broadcast %parallel_loop3A_575 : i32 to vector<16xi32>
        %parallel_loop3A_577 = arith.constant 0 : i32
        %parallel_loop3A_578 = arith.constant 0 : i32
        %parallel_loop3A_579 = tpu.memref_slice %arg7[%parallel_loop3A_352, %parallel_loop3A_577, %parallel_loop3A_578] : memref<4x128x32xf32, #tpu.memory_space<vmem>> -> memref<1x128x32xf32, #tpu.memory_space<vmem>>
        %parallel_loop3A_580 = tpu.memref_squeeze %parallel_loop3A_579 : memref<1x128x32xf32, #tpu.memory_space<vmem>> -> memref<128x32xf32, #tpu.memory_space<vmem>>
        %parallel_loop3A_581 = arith.index_cast %parallel_loop3A_575 : i32 to index
        %parallel_loop3A_582 = arith.constant 0 : index
        %parallel_loop3A_583 = tpu.vector_load %parallel_loop3A_580[%parallel_loop3A_581, %parallel_loop3A_582] {strides = array<i32>} : memref<128x32xf32, #tpu.memory_space<vmem>>, vector<16xf32>,
        tpu.vector_store_idx %arg8[%broadcast_in_dim3A_349, %shift_right_arithmetic3A_5, %and3A_16, %parallel_loop3A_576], %parallel_loop3A_583 : memref<2x4x8x129xf32, #tpu.memory_space<vmem>>[vector<16xi32>, vector<16xi32>, vector<16xi32>, vector<16xi32>], vector<16xf32>,
        %parallel_loop3A_584 = arith.constant 0 : i32
        %parallel_loop3A_585 = arith.constant 0 : i32
        %parallel_loop3A_586 = tpu.memref_slice %arg7[%parallel_loop3A_352, %parallel_loop3A_584, %parallel_loop3A_585] : memref<4x128x32xf32, #tpu.memory_space<vmem>> -> memref<1x128x32xf32, #tpu.memory_space<vmem>>
        %parallel_loop3A_587 = tpu.memref_squeeze %parallel_loop3A_586 : memref<1x128x32xf32, #tpu.memory_space<vmem>> -> memref<128x32xf32, #tpu.memory_space<vmem>>
        %parallel_loop3A_588 = arith.index_cast %parallel_loop3A_575 : i32 to index
        %parallel_loop3A_589 = arith.constant 16 : index
        %parallel_loop3A_590 = tpu.vector_load %parallel_loop3A_587[%parallel_loop3A_588, %parallel_loop3A_589] {strides = array<i32>} : memref<128x32xf32, #tpu.memory_space<vmem>>, vector<16xf32>,
        tpu.vector_store_idx %arg8[%broadcast_in_dim3A_349, %shift_right_arithmetic3A_11, %and3A_22, %parallel_loop3A_576], %parallel_loop3A_590 : memref<2x4x8x129xf32, #tpu.memory_space<vmem>>[vector<16xi32>, vector<16xi32>, vector<16xi32>, vector<16xi32>], vector<16xf32>,
      } {sc.loop_unroll_factor = 8 : i64, sc.parallel_access}
      %dma_start3A_353 = arith.constant 0 : i32
      %dma_start3A_354 = arith.constant 0 : i32
      %dma_start3A_355 = arith.constant 0 : i32
      %dma_start3A_356 = arith.constant 0 : i32
      %dma_start3A_357 = arith.constant 0 : i32
      %dma_start3A_358 = tpu.memref_slice %arg8[%dma_start3A_353, %dma_start3A_355, %dma_start3A_356, %dma_start3A_357] : memref<2x4x8x129xf32, #tpu.memory_space<vmem>> -> memref<1x4x8x128xf32, #tpu.memory_space<vmem>>
      %dma_start3A_359 = tpu.memref_squeeze %dma_start3A_358 : memref<1x4x8x128xf32, #tpu.memory_space<vmem>> -> memref<4x8x128xf32, #tpu.memory_space<vmem>>
      %dma_start3A_360 = arith.constant 0 : i32
      %dma_start3A_361 = arith.constant 0 : i32
      %dma_start3A_362 = arith.constant 0 : i32
      %dma_start3A_363 = tpu.memref_slice %arg4[%add3A_320, %dma_start3A_360, %add3A, %dma_start3A_361, %dma_start3A_362] : memref<200x4x32x8x128xf32, #tpu.memory_space<hbm>> -> memref<1x4x1x8x128xf32, #tpu.memory_space<hbm>>
      %dma_start3A_364 = tpu.memref_squeeze %dma_start3A_363 : memref<1x4x1x8x128xf32, #tpu.memory_space<hbm>> -> memref<4x8x128xf32, #tpu.memory_space<hbm>>
      %dma_start3A_365 = tpu.memref_slice %arg10[%dma_start3A_354] : memref<2x!tpu.dma_semaphore, #tpu.memory_space<semaphore_mem>> -> memref<1x!tpu.dma_semaphore, #tpu.memory_space<semaphore_mem>>
      %dma_start3A_366 = tpu.memref_squeeze %dma_start3A_365 : memref<1x!tpu.dma_semaphore, #tpu.memory_space<semaphore_mem>> -> memref<!tpu.dma_semaphore, #tpu.memory_space<semaphore_mem>>
      %dma_start3A_367 = arith.constant 0 : i32
      %dma_start3A_368 = arith.constant 0 : i32
      %dma_start3A_369 = arith.constant 0 : i32
      %dma_start3A_370 = tpu.memref_slice %arg4[%add3A_320, %dma_start3A_367, %add3A, %dma_start3A_368, %dma_start3A_369] : memref<200x4x32x8x128xf32, #tpu.memory_space<hbm>> -> memref<1x4x1x8x128xf32, #tpu.memory_space<hbm>>
      %dma_start3A_371 = tpu.memref_squeeze %dma_start3A_370 : memref<1x4x1x8x128xf32, #tpu.memory_space<hbm>> -> memref<4x8x128xf32, #tpu.memory_space<hbm>>
      %dma_start3A_372 = arith.constant 0 : i32
      %dma_start3A_373 = arith.constant 0 : i32
      %dma_start3A_374 = arith.constant 0 : i32
      %dma_start3A_375 = tpu.memref_slice %arg8[%dma_start3A_353, %dma_start3A_372, %dma_start3A_373, %dma_start3A_374] : memref<2x4x8x129xf32, #tpu.memory_space<vmem>> -> memref<1x4x8x128xf32, #tpu.memory_space<vmem>>
      %dma_start3A_376 = tpu.memref_squeeze %dma_start3A_375 : memref<1x4x8x128xf32, #tpu.memory_space<vmem>> -> memref<4x8x128xf32, #tpu.memory_space<vmem>>
      tpu.enqueue_dma source(%dma_start3A_376 : memref<4x8x128xf32, #tpu.memory_space<vmem>>) target(%dma_start3A_371 : memref<4x8x128xf32, #tpu.memory_space<hbm>>) target_semaphore(%dma_start3A_366 : memref<!tpu.dma_semaphore, #tpu.memory_space<semaphore_mem>>)
      %mul3A_377 = arith.constant 4 : i32
      %mul3A_378 = arith.muli %mul3A_377, %scan3A_316 : i32
      %add3A_379 = arith.constant 1 : i32
      %add3A_380 = arith.addi %mul3A_378, %add3A_379 : i32
      %add3A_381 = arith.constant 4 : i32
      %add3A_382 = arith.addi %add3A_380, %add3A_381 : i32
      %sub3A_383 = arith.constant 1 : i32
      %sub3A_384 = arith.subi %add3A_382, %sub3A_383 : i32
      %lt3A_385 = arith.constant 200 : i32
      %lt3A_386 = arith.cmpi slt, %sub3A_384, %lt3A_385 : i32
      %convert_element_type3A_387 = arith.extui %lt3A_386 : i1 to i32
      %cond3A_388 = arith.constant 0 : i32
      %cond3A_389 = arith.cmpi ne, %convert_element_type3A_387, %cond3A_388 : i32
      scf.if %cond3A_389 {
        %add3A_575 = arith.constant 4 : i32
        %add3A_576 = arith.addi %add3A_380, %add3A_575 : i32
        %sub3A_577 = arith.constant 1 : i32
        %sub3A_578 = arith.subi %add3A_576, %sub3A_577 : i32
        %broadcast_in_dim3A_579 = vector.broadcast %sub3A_578 : i32 to vector<16xi32>
        %add3A_580 = arith.constant 0 : i32
        %add3A_581 = vector.broadcast %add3A_580 : i32 to vector<16xi32>
        %add3A_582 = arith.addi %iota3A, %add3A_581 : vector<16xi32>
        %gather3A_583 = tpu.vector_load_idx %arg5[%add3A_582, %broadcast_in_dim3A_579] : memref<128x201xi32, #tpu.memory_space<vmem>>[vector<16xi32>, vector<16xi32>], vector<16xi32>,
        %swap3A_584 = arith.constant 0 : i32
        %swap3A_585 = arith.index_cast %swap3A_584 : i32 to index
        %swap3A_586 = arith.constant 0 : index
        %swap3A_587 = tpu.vector_load %arg6[%swap3A_585, %swap3A_586] {strides = array<i32>} : memref<4x128xi32, #tpu.memory_space<vmem>>, vector<16xi32>,
        tpu.vector_store %arg6[%swap3A_585, %swap3A_586], %gather3A_583 {strides = array<i32>} : memref<4x128xi32, #tpu.memory_space<vmem>>, vector<16xi32>,
        %add3A_588 = arith.constant 16 : i32
        %add3A_589 = vector.broadcast %add3A_588 : i32 to vector<16xi32>
        %add3A_590 = arith.addi %iota3A, %add3A_589 : vector<16xi32>
        %gather3A_591 = tpu.vector_load_idx %arg5[%add3A_590, %broadcast_in_dim3A_579] : memref<128x201xi32, #tpu.memory_space<vmem>>[vector<16xi32>, vector<16xi32>], vector<16xi32>,
        %swap3A_592 = arith.constant 0 : i32
        %swap3A_593 = arith.index_cast %swap3A_592 : i32 to index
        %swap3A_594 = arith.constant 16 : index
        %swap3A_595 = tpu.vector_load %arg6[%swap3A_593, %swap3A_594] {strides = array<i32>} : memref<4x128xi32, #tpu.memory_space<vmem>>, vector<16xi32>,
        tpu.vector_store %arg6[%swap3A_593, %swap3A_594], %gather3A_591 {strides = array<i32>} : memref<4x128xi32, #tpu.memory_space<vmem>>, vector<16xi32>,
        %add3A_596 = arith.constant 32 : i32
        %add3A_597 = vector.broadcast %add3A_596 : i32 to vector<16xi32>
        %add3A_598 = arith.addi %iota3A, %add3A_597 : vector<16xi32>
        %gather3A_599 = tpu.vector_load_idx %arg5[%add3A_598, %broadcast_in_dim3A_579] : memref<128x201xi32, #tpu.memory_space<vmem>>[vector<16xi32>, vector<16xi32>], vector<16xi32>,
        %swap3A_600 = arith.constant 0 : i32
        %swap3A_601 = arith.index_cast %swap3A_600 : i32 to index
        %swap3A_602 = arith.constant 32 : index
        %swap3A_603 = tpu.vector_load %arg6[%swap3A_601, %swap3A_602] {strides = array<i32>} : memref<4x128xi32, #tpu.memory_space<vmem>>, vector<16xi32>,
        tpu.vector_store %arg6[%swap3A_601, %swap3A_602], %gather3A_599 {strides = array<i32>} : memref<4x128xi32, #tpu.memory_space<vmem>>, vector<16xi32>,
        %add3A_604 = arith.constant 48 : i32
        %add3A_605 = vector.broadcast %add3A_604 : i32 to vector<16xi32>
        %add3A_606 = arith.addi %iota3A, %add3A_605 : vector<16xi32>
        %gather3A_607 = tpu.vector_load_idx %arg5[%add3A_606, %broadcast_in_dim3A_579] : memref<128x201xi32, #tpu.memory_space<vmem>>[vector<16xi32>, vector<16xi32>], vector<16xi32>,
        %swap3A_608 = arith.constant 0 : i32
        %swap3A_609 = arith.index_cast %swap3A_608 : i32 to index
        %swap3A_610 = arith.constant 48 : index
        %swap3A_611 = tpu.vector_load %arg6[%swap3A_609, %swap3A_610] {strides = array<i32>} : memref<4x128xi32, #tpu.memory_space<vmem>>, vector<16xi32>,
        tpu.vector_store %arg6[%swap3A_609, %swap3A_610], %gather3A_607 {strides = array<i32>} : memref<4x128xi32, #tpu.memory_space<vmem>>, vector<16xi32>,
        %add3A_612 = arith.constant 64 : i32
        %add3A_613 = vector.broadcast %add3A_612 : i32 to vector<16xi32>
        %add3A_614 = arith.addi %iota3A, %add3A_613 : vector<16xi32>
        %gather3A_615 = tpu.vector_load_idx %arg5[%add3A_614, %broadcast_in_dim3A_579] : memref<128x201xi32, #tpu.memory_space<vmem>>[vector<16xi32>, vector<16xi32>], vector<16xi32>,
        %swap3A_616 = arith.constant 0 : i32
        %swap3A_617 = arith.index_cast %swap3A_616 : i32 to index
        %swap3A_618 = arith.constant 64 : index
        %swap3A_619 = tpu.vector_load %arg6[%swap3A_617, %swap3A_618] {strides = array<i32>} : memref<4x128xi32, #tpu.memory_space<vmem>>, vector<16xi32>,
        tpu.vector_store %arg6[%swap3A_617, %swap3A_618], %gather3A_615 {strides = array<i32>} : memref<4x128xi32, #tpu.memory_space<vmem>>, vector<16xi32>,
        %add3A_620 = arith.constant 80 : i32
        %add3A_621 = vector.broadcast %add3A_620 : i32 to vector<16xi32>
        %add3A_622 = arith.addi %iota3A, %add3A_621 : vector<16xi32>
        %gather3A_623 = tpu.vector_load_idx %arg5[%add3A_622, %broadcast_in_dim3A_579] : memref<128x201xi32, #tpu.memory_space<vmem>>[vector<16xi32>, vector<16xi32>], vector<16xi32>,
        %swap3A_624 = arith.constant 0 : i32
        %swap3A_625 = arith.index_cast %swap3A_624 : i32 to index
        %swap3A_626 = arith.constant 80 : index
        %swap3A_627 = tpu.vector_load %arg6[%swap3A_625, %swap3A_626] {strides = array<i32>} : memref<4x128xi32, #tpu.memory_space<vmem>>, vector<16xi32>,
        tpu.vector_store %arg6[%swap3A_625, %swap3A_626], %gather3A_623 {strides = array<i32>} : memref<4x128xi32, #tpu.memory_space<vmem>>, vector<16xi32>,
        %add3A_628 = arith.constant 96 : i32
        %add3A_629 = vector.broadcast %add3A_628 : i32 to vector<16xi32>
        %add3A_630 = arith.addi %iota3A, %add3A_629 : vector<16xi32>
        %gather3A_631 = tpu.vector_load_idx %arg5[%add3A_630, %broadcast_in_dim3A_579] : memref<128x201xi32, #tpu.memory_space<vmem>>[vector<16xi32>, vector<16xi32>], vector<16xi32>,
        %swap3A_632 = arith.constant 0 : i32
        %swap3A_633 = arith.index_cast %swap3A_632 : i32 to index
        %swap3A_634 = arith.constant 96 : index
        %swap3A_635 = tpu.vector_load %arg6[%swap3A_633, %swap3A_634] {strides = array<i32>} : memref<4x128xi32, #tpu.memory_space<vmem>>, vector<16xi32>,
        tpu.vector_store %arg6[%swap3A_633, %swap3A_634], %gather3A_631 {strides = array<i32>} : memref<4x128xi32, #tpu.memory_space<vmem>>, vector<16xi32>,
        %add3A_636 = arith.constant 112 : i32
        %add3A_637 = vector.broadcast %add3A_636 : i32 to vector<16xi32>
        %add3A_638 = arith.addi %iota3A, %add3A_637 : vector<16xi32>
        %gather3A_639 = tpu.vector_load_idx %arg5[%add3A_638, %broadcast_in_dim3A_579] : memref<128x201xi32, #tpu.memory_space<vmem>>[vector<16xi32>, vector<16xi32>], vector<16xi32>,
        %swap3A_640 = arith.constant 0 : i32
        %swap3A_641 = arith.index_cast %swap3A_640 : i32 to index
        %swap3A_642 = arith.constant 112 : index
        %swap3A_643 = tpu.vector_load %arg6[%swap3A_641, %swap3A_642] {strides = array<i32>} : memref<4x128xi32, #tpu.memory_space<vmem>>, vector<16xi32>,
        tpu.vector_store %arg6[%swap3A_641, %swap3A_642], %gather3A_639 {strides = array<i32>} : memref<4x128xi32, #tpu.memory_space<vmem>>, vector<16xi32>,
        %dma_start3A_644 = arith.constant 0 : i32
        %dma_start3A_645 = arith.constant 0 : i32
        %dma_start3A_646 = arith.constant 0 : i32
        %dma_start3A_647 = arith.constant 0 : i32
        %dma_start3A_648 = arith.constant 0 : i32
        %dma_start3A_649 = tpu.memref_slice %arg7[%dma_start3A_645, %dma_start3A_647, %dma_start3A_648] : memref<4x128x32xf32, #tpu.memory_space<vmem>> -> memref<1x128x32xf32, #tpu.memory_space<vmem>>
        %dma_start3A_650 = tpu.memref_squeeze %dma_start3A_649 : memref<1x128x32xf32, #tpu.memory_space<vmem>> -> memref<128x32xf32, #tpu.memory_space<vmem>>
        %dma_start3A_651 = arith.constant 0 : i32
        %dma_start3A_652 = tpu.memref_slice %arg6[%dma_start3A_644, %dma_start3A_651] : memref<4x128xi32, #tpu.memory_space<vmem>> -> memref<1x128xi32, #tpu.memory_space<vmem>>
        %dma_start3A_653 = tpu.memref_squeeze %dma_start3A_652 : memref<1x128xi32, #tpu.memory_space<vmem>> -> memref<128xi32, #tpu.memory_space<vmem>>
        %dma_start3A_654 = arith.constant 0 : i32
        %dma_start3A_655 = arith.constant 0 : i32
        %dma_start3A_656 = tpu.memref_slice %arg2[%dma_start3A_654, %dma_start3A_655] : memref<1000000x32xf32, #tpu.memory_space<hbm>> -> memref<1000000x32xf32, #tpu.memory_space<hbm>>
        %dma_start3A_657 = tpu.memref_slice %arg9[%dma_start3A_646] : memref<4x!tpu.dma_semaphore, #tpu.memory_space<semaphore_mem>> -> memref<1x!tpu.dma_semaphore, #tpu.memory_space<semaphore_mem>>
        %dma_start3A_658 = tpu.memref_squeeze %dma_start3A_657 : memref<1x!tpu.dma_semaphore, #tpu.memory_space<semaphore_mem>> -> memref<!tpu.dma_semaphore, #tpu.memory_space<semaphore_mem>>
        tpu.enqueue_indirect_dma source(%dma_start3A_656 : memref<1000000x32xf32, #tpu.memory_space<hbm>>) target(%dma_start3A_650 : memref<128x32xf32, #tpu.memory_space<vmem>>) offsets(%dma_start3A_653 : memref<128xi32, #tpu.memory_space<vmem>>) semaphore(%dma_start3A_658 : memref<!tpu.dma_semaphore, #tpu.memory_space<semaphore_mem>>)
      } else {
      }
      %dma_wait3A_390 = arith.constant 1 : i32
      %dma_wait3A_391 = arith.constant 1 : i32
      %dma_wait3A_392 = arith.constant 0 : i32
      %dma_wait3A_393 = arith.constant 0 : i32
      %dma_wait3A_394 = tpu.memref_slice %arg7[%dma_wait3A_390, %dma_wait3A_392, %dma_wait3A_393] : memref<4x128x32xf32, #tpu.memory_space<vmem>> -> memref<1x128x32xf32, #tpu.memory_space<vmem>>
      %dma_wait3A_395 = tpu.memref_squeeze %dma_wait3A_394 : memref<1x128x32xf32, #tpu.memory_space<vmem>> -> memref<128x32xf32, #tpu.memory_space<vmem>>
      %dma_wait3A_396 = arith.constant 0 : i32
      %dma_wait3A_397 = arith.constant 0 : i32
      %dma_wait3A_398 = tpu.memref_slice %arg2[%dma_wait3A_396, %dma_wait3A_397] : memref<1000000x32xf32, #tpu.memory_space<hbm>> -> memref<128x32xf32, #tpu.memory_space<hbm>>
      %dma_wait3A_399 = tpu.memref_slice %arg9[%dma_wait3A_391] : memref<4x!tpu.dma_semaphore, #tpu.memory_space<semaphore_mem>> -> memref<1x!tpu.dma_semaphore, #tpu.memory_space<semaphore_mem>>
      %dma_wait3A_400 = tpu.memref_squeeze %dma_wait3A_399 : memref<1x!tpu.dma_semaphore, #tpu.memory_space<semaphore_mem>> -> memref<!tpu.dma_semaphore, #tpu.memory_space<semaphore_mem>>
      %dma_wait3A_401 = arith.constant 0 : i32
      %dma_wait3A_402 = arith.constant 0 : i32
      %dma_wait3A_403 = tpu.memref_slice %arg7[%dma_wait3A_390, %dma_wait3A_401, %dma_wait3A_402] : memref<4x128x32xf32, #tpu.memory_space<vmem>> -> memref<1x128x32xf32, #tpu.memory_space<vmem>>
      %dma_wait3A_404 = tpu.memref_squeeze %dma_wait3A_403 : memref<1x128x32xf32, #tpu.memory_space<vmem>> -> memref<128x32xf32, #tpu.memory_space<vmem>>
      %dma_wait3A_405 = arith.constant 0 : i32
      %dma_wait3A_406 = arith.constant 0 : i32
      %dma_wait3A_407 = tpu.memref_slice %arg2[%dma_wait3A_405, %dma_wait3A_406] : memref<1000000x32xf32, #tpu.memory_space<hbm>> -> memref<128x32xf32, #tpu.memory_space<hbm>>
      tpu.wait_dma2 semaphore(%dma_wait3A_400 : memref<!tpu.dma_semaphore, #tpu.memory_space<semaphore_mem>>) src(%dma_wait3A_407 : memref<128x32xf32, #tpu.memory_space<hbm>>) dst(%dma_wait3A_404 : memref<128x32xf32, #tpu.memory_space<vmem>>)
      %ge3A_408 = arith.constant 2 : i32
      %ge3A_409 = arith.cmpi sge, %add3A_380, %ge3A_408 : i32
      %convert_element_type3A_410 = arith.extui %ge3A_409 : i1 to i32
      %cond3A_411 = arith.constant 0 : i32
      %cond3A_412 = arith.cmpi ne, %convert_element_type3A_410, %cond3A_411 : i32
      scf.if %cond3A_412 {
        %sub3A_575 = arith.constant 2 : i32
        %sub3A_576 = arith.subi %add3A_380, %sub3A_575 : i32
        %dma_wait3A_577 = arith.constant 1 : i32
        %dma_wait3A_578 = arith.constant 1 : i32
        %dma_wait3A_579 = arith.constant 0 : i32
        %dma_wait3A_580 = arith.constant 0 : i32
        %dma_wait3A_581 = arith.constant 0 : i32
        %dma_wait3A_582 = tpu.memref_slice %arg8[%dma_wait3A_577, %dma_wait3A_579, %dma_wait3A_580, %dma_wait3A_581] : memref<2x4x8x129xf32, #tpu.memory_space<vmem>> -> memref<1x4x8x128xf32, #tpu.memory_space<vmem>>
        %dma_wait3A_583 = tpu.memref_squeeze %dma_wait3A_582 : memref<1x4x8x128xf32, #tpu.memory_space<vmem>> -> memref<4x8x128xf32, #tpu.memory_space<vmem>>
        %dma_wait3A_584 = arith.constant 0 : i32
        %dma_wait3A_585 = arith.constant 0 : i32
        %dma_wait3A_586 = arith.constant 0 : i32
        %dma_wait3A_587 = tpu.memref_slice %arg4[%sub3A_576, %dma_wait3A_584, %add3A, %dma_wait3A_585, %dma_wait3A_586] : memref<200x4x32x8x128xf32, #tpu.memory_space<hbm>> -> memref<1x4x1x8x128xf32, #tpu.memory_space<hbm>>
        %dma_wait3A_588 = tpu.memref_squeeze %dma_wait3A_587 : memref<1x4x1x8x128xf32, #tpu.memory_space<hbm>> -> memref<4x8x128xf32, #tpu.memory_space<hbm>>
        %dma_wait3A_589 = tpu.memref_slice %arg10[%dma_wait3A_578] : memref<2x!tpu.dma_semaphore, #tpu.memory_space<semaphore_mem>> -> memref<1x!tpu.dma_semaphore, #tpu.memory_space<semaphore_mem>>
        %dma_wait3A_590 = tpu.memref_squeeze %dma_wait3A_589 : memref<1x!tpu.dma_semaphore, #tpu.memory_space<semaphore_mem>> -> memref<!tpu.dma_semaphore, #tpu.memory_space<semaphore_mem>>
        %dma_wait3A_591 = arith.constant 0 : i32
        %dma_wait3A_592 = arith.constant 0 : i32
        %dma_wait3A_593 = arith.constant 0 : i32
        %dma_wait3A_594 = tpu.memref_slice %arg4[%sub3A_576, %dma_wait3A_591, %add3A, %dma_wait3A_592, %dma_wait3A_593] : memref<200x4x32x8x128xf32, #tpu.memory_space<hbm>> -> memref<1x4x1x8x128xf32, #tpu.memory_space<hbm>>
        %dma_wait3A_595 = tpu.memref_squeeze %dma_wait3A_594 : memref<1x4x1x8x128xf32, #tpu.memory_space<hbm>> -> memref<4x8x128xf32, #tpu.memory_space<hbm>>
        %dma_wait3A_596 = arith.constant 0 : i32
        %dma_wait3A_597 = arith.constant 0 : i32
        %dma_wait3A_598 = arith.constant 0 : i32
        %dma_wait3A_599 = tpu.memref_slice %arg8[%dma_wait3A_577, %dma_wait3A_596, %dma_wait3A_597, %dma_wait3A_598] : memref<2x4x8x129xf32, #tpu.memory_space<vmem>> -> memref<1x4x8x128xf32, #tpu.memory_space<vmem>>
        %dma_wait3A_600 = tpu.memref_squeeze %dma_wait3A_599 : memref<1x4x8x128xf32, #tpu.memory_space<vmem>> -> memref<4x8x128xf32, #tpu.memory_space<vmem>>
        tpu.wait_dma2 semaphore(%dma_wait3A_590 : memref<!tpu.dma_semaphore, #tpu.memory_space<semaphore_mem>>) src(%dma_wait3A_600 : memref<4x8x128xf32, #tpu.memory_space<vmem>>) dst(%dma_wait3A_595 : memref<4x8x128xf32, #tpu.memory_space<hbm>>)
      } else {
      }
      %broadcast_in_dim3A_413 = arith.constant 1 : i32
      %broadcast_in_dim3A_414 = vector.broadcast %broadcast_in_dim3A_413 : i32 to vector<16xi32>
      %parallel_loop3A_415 = arith.constant 0 : i32
      %parallel_loop3A_416 = arith.constant 128 : i32
      %parallel_loop3A_417 = arith.constant 1 : i32
      %parallel_loop3A_418 = arith.constant 1 : i32
      scf.for %parallel_loop3A_575 = %parallel_loop3A_415 to %parallel_loop3A_416 step %parallel_loop3A_417  : i32 {
        %parallel_loop3A_576 = vector.broadcast %parallel_loop3A_575 : i32 to vector<16xi32>
        %parallel_loop3A_577 = arith.constant 0 : i32
        %parallel_loop3A_578 = arith.constant 0 : i32
        %parallel_loop3A_579 = tpu.memref_slice %arg7[%parallel_loop3A_418, %parallel_loop3A_577, %parallel_loop3A_578] : memref<4x128x32xf32, #tpu.memory_space<vmem>> -> memref<1x128x32xf32, #tpu.memory_space<vmem>>
        %parallel_loop3A_580 = tpu.memref_squeeze %parallel_loop3A_579 : memref<1x128x32xf32, #tpu.memory_space<vmem>> -> memref<128x32xf32, #tpu.memory_space<vmem>>
        %parallel_loop3A_581 = arith.index_cast %parallel_loop3A_575 : i32 to index
        %parallel_loop3A_582 = arith.constant 0 : index
        %parallel_loop3A_583 = tpu.vector_load %parallel_loop3A_580[%parallel_loop3A_581, %parallel_loop3A_582] {strides = array<i32>} : memref<128x32xf32, #tpu.memory_space<vmem>>, vector<16xf32>,
        tpu.vector_store_idx %arg8[%broadcast_in_dim3A_414, %shift_right_arithmetic3A_5, %and3A_16, %parallel_loop3A_576], %parallel_loop3A_583 : memref<2x4x8x129xf32, #tpu.memory_space<vmem>>[vector<16xi32>, vector<16xi32>, vector<16xi32>, vector<16xi32>], vector<16xf32>,
        %parallel_loop3A_584 = arith.constant 0 : i32
        %parallel_loop3A_585 = arith.constant 0 : i32
        %parallel_loop3A_586 = tpu.memref_slice %arg7[%parallel_loop3A_418, %parallel_loop3A_584, %parallel_loop3A_585] : memref<4x128x32xf32, #tpu.memory_space<vmem>> -> memref<1x128x32xf32, #tpu.memory_space<vmem>>
        %parallel_loop3A_587 = tpu.memref_squeeze %parallel_loop3A_586 : memref<1x128x32xf32, #tpu.memory_space<vmem>> -> memref<128x32xf32, #tpu.memory_space<vmem>>
        %parallel_loop3A_588 = arith.index_cast %parallel_loop3A_575 : i32 to index
        %parallel_loop3A_589 = arith.constant 16 : index
        %parallel_loop3A_590 = tpu.vector_load %parallel_loop3A_587[%parallel_loop3A_588, %parallel_loop3A_589] {strides = array<i32>} : memref<128x32xf32, #tpu.memory_space<vmem>>, vector<16xf32>,
        tpu.vector_store_idx %arg8[%broadcast_in_dim3A_414, %shift_right_arithmetic3A_11, %and3A_22, %parallel_loop3A_576], %parallel_loop3A_590 : memref<2x4x8x129xf32, #tpu.memory_space<vmem>>[vector<16xi32>, vector<16xi32>, vector<16xi32>, vector<16xi32>], vector<16xf32>,
      } {sc.loop_unroll_factor = 8 : i64, sc.parallel_access}
      %dma_start3A_419 = arith.constant 1 : i32
      %dma_start3A_420 = arith.constant 1 : i32
      %dma_start3A_421 = arith.constant 0 : i32
      %dma_start3A_422 = arith.constant 0 : i32
      %dma_start3A_423 = arith.constant 0 : i32
      %dma_start3A_424 = tpu.memref_slice %arg8[%dma_start3A_419, %dma_start3A_421, %dma_start3A_422, %dma_start3A_423] : memref<2x4x8x129xf32, #tpu.memory_space<vmem>> -> memref<1x4x8x128xf32, #tpu.memory_space<vmem>>
      %dma_start3A_425 = tpu.memref_squeeze %dma_start3A_424 : memref<1x4x8x128xf32, #tpu.memory_space<vmem>> -> memref<4x8x128xf32, #tpu.memory_space<vmem>>
      %dma_start3A_426 = arith.constant 0 : i32
      %dma_start3A_427 = arith.constant 0 : i32
      %dma_start3A_428 = arith.constant 0 : i32
      %dma_start3A_429 = tpu.memref_slice %arg4[%add3A_380, %dma_start3A_426, %add3A, %dma_start3A_427, %dma_start3A_428] : memref<200x4x32x8x128xf32, #tpu.memory_space<hbm>> -> memref<1x4x1x8x128xf32, #tpu.memory_space<hbm>>
      %dma_start3A_430 = tpu.memref_squeeze %dma_start3A_429 : memref<1x4x1x8x128xf32, #tpu.memory_space<hbm>> -> memref<4x8x128xf32, #tpu.memory_space<hbm>>
      %dma_start3A_431 = tpu.memref_slice %arg10[%dma_start3A_420] : memref<2x!tpu.dma_semaphore, #tpu.memory_space<semaphore_mem>> -> memref<1x!tpu.dma_semaphore, #tpu.memory_space<semaphore_mem>>
      %dma_start3A_432 = tpu.memref_squeeze %dma_start3A_431 : memref<1x!tpu.dma_semaphore, #tpu.memory_space<semaphore_mem>> -> memref<!tpu.dma_semaphore, #tpu.memory_space<semaphore_mem>>
      %dma_start3A_433 = arith.constant 0 : i32
      %dma_start3A_434 = arith.constant 0 : i32
      %dma_start3A_435 = arith.constant 0 : i32
      %dma_start3A_436 = tpu.memref_slice %arg4[%add3A_380, %dma_start3A_433, %add3A, %dma_start3A_434, %dma_start3A_435] : memref<200x4x32x8x128xf32, #tpu.memory_space<hbm>> -> memref<1x4x1x8x128xf32, #tpu.memory_space<hbm>>
      %dma_start3A_437 = tpu.memref_squeeze %dma_start3A_436 : memref<1x4x1x8x128xf32, #tpu.memory_space<hbm>> -> memref<4x8x128xf32, #tpu.memory_space<hbm>>
      %dma_start3A_438 = arith.constant 0 : i32
      %dma_start3A_439 = arith.constant 0 : i32
      %dma_start3A_440 = arith.constant 0 : i32
      %dma_start3A_441 = tpu.memref_slice %arg8[%dma_start3A_419, %dma_start3A_438, %dma_start3A_439, %dma_start3A_440] : memref<2x4x8x129xf32, #tpu.memory_space<vmem>> -> memref<1x4x8x128xf32, #tpu.memory_space<vmem>>
      %dma_start3A_442 = tpu.memref_squeeze %dma_start3A_441 : memref<1x4x8x128xf32, #tpu.memory_space<vmem>> -> memref<4x8x128xf32, #tpu.memory_space<vmem>>
      tpu.enqueue_dma source(%dma_start3A_442 : memref<4x8x128xf32, #tpu.memory_space<vmem>>) target(%dma_start3A_437 : memref<4x8x128xf32, #tpu.memory_space<hbm>>) target_semaphore(%dma_start3A_432 : memref<!tpu.dma_semaphore, #tpu.memory_space<semaphore_mem>>)
      %mul3A_443 = arith.constant 4 : i32
      %mul3A_444 = arith.muli %mul3A_443, %scan3A_316 : i32
      %add3A_445 = arith.constant 2 : i32
      %add3A_446 = arith.addi %mul3A_444, %add3A_445 : i32
      %add3A_447 = arith.constant 4 : i32
      %add3A_448 = arith.addi %add3A_446, %add3A_447 : i32
      %sub3A_449 = arith.constant 1 : i32
      %sub3A_450 = arith.subi %add3A_448, %sub3A_449 : i32
      %lt3A_451 = arith.constant 200 : i32
      %lt3A_452 = arith.cmpi slt, %sub3A_450, %lt3A_451 : i32
      %convert_element_type3A_453 = arith.extui %lt3A_452 : i1 to i32
      %cond3A_454 = arith.constant 0 : i32
      %cond3A_455 = arith.cmpi ne, %convert_element_type3A_453, %cond3A_454 : i32
      scf.if %cond3A_455 {
        %add3A_575 = arith.constant 4 : i32
        %add3A_576 = arith.addi %add3A_446, %add3A_575 : i32
        %sub3A_577 = arith.constant 1 : i32
        %sub3A_578 = arith.subi %add3A_576, %sub3A_577 : i32
        %broadcast_in_dim3A_579 = vector.broadcast %sub3A_578 : i32 to vector<16xi32>
        %add3A_580 = arith.constant 0 : i32
        %add3A_581 = vector.broadcast %add3A_580 : i32 to vector<16xi32>
        %add3A_582 = arith.addi %iota3A, %add3A_581 : vector<16xi32>
        %gather3A_583 = tpu.vector_load_idx %arg5[%add3A_582, %broadcast_in_dim3A_579] : memref<128x201xi32, #tpu.memory_space<vmem>>[vector<16xi32>, vector<16xi32>], vector<16xi32>,
        %swap3A_584 = arith.constant 1 : i32
        %swap3A_585 = arith.index_cast %swap3A_584 : i32 to index
        %swap3A_586 = arith.constant 0 : index
        %swap3A_587 = tpu.vector_load %arg6[%swap3A_585, %swap3A_586] {strides = array<i32>} : memref<4x128xi32, #tpu.memory_space<vmem>>, vector<16xi32>,
        tpu.vector_store %arg6[%swap3A_585, %swap3A_586], %gather3A_583 {strides = array<i32>} : memref<4x128xi32, #tpu.memory_space<vmem>>, vector<16xi32>,
        %add3A_588 = arith.constant 16 : i32
        %add3A_589 = vector.broadcast %add3A_588 : i32 to vector<16xi32>
        %add3A_590 = arith.addi %iota3A, %add3A_589 : vector<16xi32>
        %gather3A_591 = tpu.vector_load_idx %arg5[%add3A_590, %broadcast_in_dim3A_579] : memref<128x201xi32, #tpu.memory_space<vmem>>[vector<16xi32>, vector<16xi32>], vector<16xi32>,
        %swap3A_592 = arith.constant 1 : i32
        %swap3A_593 = arith.index_cast %swap3A_592 : i32 to index
        %swap3A_594 = arith.constant 16 : index
        %swap3A_595 = tpu.vector_load %arg6[%swap3A_593, %swap3A_594] {strides = array<i32>} : memref<4x128xi32, #tpu.memory_space<vmem>>, vector<16xi32>,
        tpu.vector_store %arg6[%swap3A_593, %swap3A_594], %gather3A_591 {strides = array<i32>} : memref<4x128xi32, #tpu.memory_space<vmem>>, vector<16xi32>,
        %add3A_596 = arith.constant 32 : i32
        %add3A_597 = vector.broadcast %add3A_596 : i32 to vector<16xi32>
        %add3A_598 = arith.addi %iota3A, %add3A_597 : vector<16xi32>
        %gather3A_599 = tpu.vector_load_idx %arg5[%add3A_598, %broadcast_in_dim3A_579] : memref<128x201xi32, #tpu.memory_space<vmem>>[vector<16xi32>, vector<16xi32>], vector<16xi32>,
        %swap3A_600 = arith.constant 1 : i32
        %swap3A_601 = arith.index_cast %swap3A_600 : i32 to index
        %swap3A_602 = arith.constant 32 : index
        %swap3A_603 = tpu.vector_load %arg6[%swap3A_601, %swap3A_602] {strides = array<i32>} : memref<4x128xi32, #tpu.memory_space<vmem>>, vector<16xi32>,
        tpu.vector_store %arg6[%swap3A_601, %swap3A_602], %gather3A_599 {strides = array<i32>} : memref<4x128xi32, #tpu.memory_space<vmem>>, vector<16xi32>,
        %add3A_604 = arith.constant 48 : i32
        %add3A_605 = vector.broadcast %add3A_604 : i32 to vector<16xi32>
        %add3A_606 = arith.addi %iota3A, %add3A_605 : vector<16xi32>
        %gather3A_607 = tpu.vector_load_idx %arg5[%add3A_606, %broadcast_in_dim3A_579] : memref<128x201xi32, #tpu.memory_space<vmem>>[vector<16xi32>, vector<16xi32>], vector<16xi32>,
        %swap3A_608 = arith.constant 1 : i32
        %swap3A_609 = arith.index_cast %swap3A_608 : i32 to index
        %swap3A_610 = arith.constant 48 : index
        %swap3A_611 = tpu.vector_load %arg6[%swap3A_609, %swap3A_610] {strides = array<i32>} : memref<4x128xi32, #tpu.memory_space<vmem>>, vector<16xi32>,
        tpu.vector_store %arg6[%swap3A_609, %swap3A_610], %gather3A_607 {strides = array<i32>} : memref<4x128xi32, #tpu.memory_space<vmem>>, vector<16xi32>,
        %add3A_612 = arith.constant 64 : i32
        %add3A_613 = vector.broadcast %add3A_612 : i32 to vector<16xi32>
        %add3A_614 = arith.addi %iota3A, %add3A_613 : vector<16xi32>
        %gather3A_615 = tpu.vector_load_idx %arg5[%add3A_614, %broadcast_in_dim3A_579] : memref<128x201xi32, #tpu.memory_space<vmem>>[vector<16xi32>, vector<16xi32>], vector<16xi32>,
        %swap3A_616 = arith.constant 1 : i32
        %swap3A_617 = arith.index_cast %swap3A_616 : i32 to index
        %swap3A_618 = arith.constant 64 : index
        %swap3A_619 = tpu.vector_load %arg6[%swap3A_617, %swap3A_618] {strides = array<i32>} : memref<4x128xi32, #tpu.memory_space<vmem>>, vector<16xi32>,
        tpu.vector_store %arg6[%swap3A_617, %swap3A_618], %gather3A_615 {strides = array<i32>} : memref<4x128xi32, #tpu.memory_space<vmem>>, vector<16xi32>,
        %add3A_620 = arith.constant 80 : i32
        %add3A_621 = vector.broadcast %add3A_620 : i32 to vector<16xi32>
        %add3A_622 = arith.addi %iota3A, %add3A_621 : vector<16xi32>
        %gather3A_623 = tpu.vector_load_idx %arg5[%add3A_622, %broadcast_in_dim3A_579] : memref<128x201xi32, #tpu.memory_space<vmem>>[vector<16xi32>, vector<16xi32>], vector<16xi32>,
        %swap3A_624 = arith.constant 1 : i32
        %swap3A_625 = arith.index_cast %swap3A_624 : i32 to index
        %swap3A_626 = arith.constant 80 : index
        %swap3A_627 = tpu.vector_load %arg6[%swap3A_625, %swap3A_626] {strides = array<i32>} : memref<4x128xi32, #tpu.memory_space<vmem>>, vector<16xi32>,
        tpu.vector_store %arg6[%swap3A_625, %swap3A_626], %gather3A_623 {strides = array<i32>} : memref<4x128xi32, #tpu.memory_space<vmem>>, vector<16xi32>,
        %add3A_628 = arith.constant 96 : i32
        %add3A_629 = vector.broadcast %add3A_628 : i32 to vector<16xi32>
        %add3A_630 = arith.addi %iota3A, %add3A_629 : vector<16xi32>
        %gather3A_631 = tpu.vector_load_idx %arg5[%add3A_630, %broadcast_in_dim3A_579] : memref<128x201xi32, #tpu.memory_space<vmem>>[vector<16xi32>, vector<16xi32>], vector<16xi32>,
        %swap3A_632 = arith.constant 1 : i32
        %swap3A_633 = arith.index_cast %swap3A_632 : i32 to index
        %swap3A_634 = arith.constant 96 : index
        %swap3A_635 = tpu.vector_load %arg6[%swap3A_633, %swap3A_634] {strides = array<i32>} : memref<4x128xi32, #tpu.memory_space<vmem>>, vector<16xi32>,
        tpu.vector_store %arg6[%swap3A_633, %swap3A_634], %gather3A_631 {strides = array<i32>} : memref<4x128xi32, #tpu.memory_space<vmem>>, vector<16xi32>,
        %add3A_636 = arith.constant 112 : i32
        %add3A_637 = vector.broadcast %add3A_636 : i32 to vector<16xi32>
        %add3A_638 = arith.addi %iota3A, %add3A_637 : vector<16xi32>
        %gather3A_639 = tpu.vector_load_idx %arg5[%add3A_638, %broadcast_in_dim3A_579] : memref<128x201xi32, #tpu.memory_space<vmem>>[vector<16xi32>, vector<16xi32>], vector<16xi32>,
        %swap3A_640 = arith.constant 1 : i32
        %swap3A_641 = arith.index_cast %swap3A_640 : i32 to index
        %swap3A_642 = arith.constant 112 : index
        %swap3A_643 = tpu.vector_load %arg6[%swap3A_641, %swap3A_642] {strides = array<i32>} : memref<4x128xi32, #tpu.memory_space<vmem>>, vector<16xi32>,
        tpu.vector_store %arg6[%swap3A_641, %swap3A_642], %gather3A_639 {strides = array<i32>} : memref<4x128xi32, #tpu.memory_space<vmem>>, vector<16xi32>,
        %dma_start3A_644 = arith.constant 1 : i32
        %dma_start3A_645 = arith.constant 1 : i32
        %dma_start3A_646 = arith.constant 1 : i32
        %dma_start3A_647 = arith.constant 0 : i32
        %dma_start3A_648 = arith.constant 0 : i32
        %dma_start3A_649 = tpu.memref_slice %arg7[%dma_start3A_645, %dma_start3A_647, %dma_start3A_648] : memref<4x128x32xf32, #tpu.memory_space<vmem>> -> memref<1x128x32xf32, #tpu.memory_space<vmem>>
        %dma_start3A_650 = tpu.memref_squeeze %dma_start3A_649 : memref<1x128x32xf32, #tpu.memory_space<vmem>> -> memref<128x32xf32, #tpu.memory_space<vmem>>
        %dma_start3A_651 = arith.constant 0 : i32
        %dma_start3A_652 = tpu.memref_slice %arg6[%dma_start3A_644, %dma_start3A_651] : memref<4x128xi32, #tpu.memory_space<vmem>> -> memref<1x128xi32, #tpu.memory_space<vmem>>
        %dma_start3A_653 = tpu.memref_squeeze %dma_start3A_652 : memref<1x128xi32, #tpu.memory_space<vmem>> -> memref<128xi32, #tpu.memory_space<vmem>>
        %dma_start3A_654 = arith.constant 0 : i32
        %dma_start3A_655 = arith.constant 0 : i32
        %dma_start3A_656 = tpu.memref_slice %arg2[%dma_start3A_654, %dma_start3A_655] : memref<1000000x32xf32, #tpu.memory_space<hbm>> -> memref<1000000x32xf32, #tpu.memory_space<hbm>>
        %dma_start3A_657 = tpu.memref_slice %arg9[%dma_start3A_646] : memref<4x!tpu.dma_semaphore, #tpu.memory_space<semaphore_mem>> -> memref<1x!tpu.dma_semaphore, #tpu.memory_space<semaphore_mem>>
        %dma_start3A_658 = tpu.memref_squeeze %dma_start3A_657 : memref<1x!tpu.dma_semaphore, #tpu.memory_space<semaphore_mem>> -> memref<!tpu.dma_semaphore, #tpu.memory_space<semaphore_mem>>
        tpu.enqueue_indirect_dma source(%dma_start3A_656 : memref<1000000x32xf32, #tpu.memory_space<hbm>>) target(%dma_start3A_650 : memref<128x32xf32, #tpu.memory_space<vmem>>) offsets(%dma_start3A_653 : memref<128xi32, #tpu.memory_space<vmem>>) semaphore(%dma_start3A_658 : memref<!tpu.dma_semaphore, #tpu.memory_space<semaphore_mem>>)
      } else {
      }
      %dma_wait3A_456 = arith.constant 2 : i32
      %dma_wait3A_457 = arith.constant 2 : i32
      %dma_wait3A_458 = arith.constant 0 : i32
      %dma_wait3A_459 = arith.constant 0 : i32
      %dma_wait3A_460 = tpu.memref_slice %arg7[%dma_wait3A_456, %dma_wait3A_458, %dma_wait3A_459] : memref<4x128x32xf32, #tpu.memory_space<vmem>> -> memref<1x128x32xf32, #tpu.memory_space<vmem>>
      %dma_wait3A_461 = tpu.memref_squeeze %dma_wait3A_460 : memref<1x128x32xf32, #tpu.memory_space<vmem>> -> memref<128x32xf32, #tpu.memory_space<vmem>>
      %dma_wait3A_462 = arith.constant 0 : i32
      %dma_wait3A_463 = arith.constant 0 : i32
      %dma_wait3A_464 = tpu.memref_slice %arg2[%dma_wait3A_462, %dma_wait3A_463] : memref<1000000x32xf32, #tpu.memory_space<hbm>> -> memref<128x32xf32, #tpu.memory_space<hbm>>
      %dma_wait3A_465 = tpu.memref_slice %arg9[%dma_wait3A_457] : memref<4x!tpu.dma_semaphore, #tpu.memory_space<semaphore_mem>> -> memref<1x!tpu.dma_semaphore, #tpu.memory_space<semaphore_mem>>
      %dma_wait3A_466 = tpu.memref_squeeze %dma_wait3A_465 : memref<1x!tpu.dma_semaphore, #tpu.memory_space<semaphore_mem>> -> memref<!tpu.dma_semaphore, #tpu.memory_space<semaphore_mem>>
      %dma_wait3A_467 = arith.constant 0 : i32
      %dma_wait3A_468 = arith.constant 0 : i32
      %dma_wait3A_469 = tpu.memref_slice %arg7[%dma_wait3A_456, %dma_wait3A_467, %dma_wait3A_468] : memref<4x128x32xf32, #tpu.memory_space<vmem>> -> memref<1x128x32xf32, #tpu.memory_space<vmem>>
      %dma_wait3A_470 = tpu.memref_squeeze %dma_wait3A_469 : memref<1x128x32xf32, #tpu.memory_space<vmem>> -> memref<128x32xf32, #tpu.memory_space<vmem>>
      %dma_wait3A_471 = arith.constant 0 : i32
      %dma_wait3A_472 = arith.constant 0 : i32
      %dma_wait3A_473 = tpu.memref_slice %arg2[%dma_wait3A_471, %dma_wait3A_472] : memref<1000000x32xf32, #tpu.memory_space<hbm>> -> memref<128x32xf32, #tpu.memory_space<hbm>>
      tpu.wait_dma2 semaphore(%dma_wait3A_466 : memref<!tpu.dma_semaphore, #tpu.memory_space<semaphore_mem>>) src(%dma_wait3A_473 : memref<128x32xf32, #tpu.memory_space<hbm>>) dst(%dma_wait3A_470 : memref<128x32xf32, #tpu.memory_space<vmem>>)
      %ge3A_474 = arith.constant 2 : i32
      %ge3A_475 = arith.cmpi sge, %add3A_446, %ge3A_474 : i32
      %convert_element_type3A_476 = arith.extui %ge3A_475 : i1 to i32
      %cond3A_477 = arith.constant 0 : i32
      %cond3A_478 = arith.cmpi ne, %convert_element_type3A_476, %cond3A_477 : i32
      scf.if %cond3A_478 {
        %sub3A_575 = arith.constant 2 : i32
        %sub3A_576 = arith.subi %add3A_446, %sub3A_575 : i32
        %dma_wait3A_577 = arith.constant 0 : i32
        %dma_wait3A_578 = arith.constant 0 : i32
        %dma_wait3A_579 = arith.constant 0 : i32
        %dma_wait3A_580 = arith.constant 0 : i32
        %dma_wait3A_581 = arith.constant 0 : i32
        %dma_wait3A_582 = tpu.memref_slice %arg8[%dma_wait3A_577, %dma_wait3A_579, %dma_wait3A_580, %dma_wait3A_581] : memref<2x4x8x129xf32, #tpu.memory_space<vmem>> -> memref<1x4x8x128xf32, #tpu.memory_space<vmem>>
        %dma_wait3A_583 = tpu.memref_squeeze %dma_wait3A_582 : memref<1x4x8x128xf32, #tpu.memory_space<vmem>> -> memref<4x8x128xf32, #tpu.memory_space<vmem>>
        %dma_wait3A_584 = arith.constant 0 : i32
        %dma_wait3A_585 = arith.constant 0 : i32
        %dma_wait3A_586 = arith.constant 0 : i32
        %dma_wait3A_587 = tpu.memref_slice %arg4[%sub3A_576, %dma_wait3A_584, %add3A, %dma_wait3A_585, %dma_wait3A_586] : memref<200x4x32x8x128xf32, #tpu.memory_space<hbm>> -> memref<1x4x1x8x128xf32, #tpu.memory_space<hbm>>
        %dma_wait3A_588 = tpu.memref_squeeze %dma_wait3A_587 : memref<1x4x1x8x128xf32, #tpu.memory_space<hbm>> -> memref<4x8x128xf32, #tpu.memory_space<hbm>>
        %dma_wait3A_589 = tpu.memref_slice %arg10[%dma_wait3A_578] : memref<2x!tpu.dma_semaphore, #tpu.memory_space<semaphore_mem>> -> memref<1x!tpu.dma_semaphore, #tpu.memory_space<semaphore_mem>>
        %dma_wait3A_590 = tpu.memref_squeeze %dma_wait3A_589 : memref<1x!tpu.dma_semaphore, #tpu.memory_space<semaphore_mem>> -> memref<!tpu.dma_semaphore, #tpu.memory_space<semaphore_mem>>
        %dma_wait3A_591 = arith.constant 0 : i32
        %dma_wait3A_592 = arith.constant 0 : i32
        %dma_wait3A_593 = arith.constant 0 : i32
        %dma_wait3A_594 = tpu.memref_slice %arg4[%sub3A_576, %dma_wait3A_591, %add3A, %dma_wait3A_592, %dma_wait3A_593] : memref<200x4x32x8x128xf32, #tpu.memory_space<hbm>> -> memref<1x4x1x8x128xf32, #tpu.memory_space<hbm>>
        %dma_wait3A_595 = tpu.memref_squeeze %dma_wait3A_594 : memref<1x4x1x8x128xf32, #tpu.memory_space<hbm>> -> memref<4x8x128xf32, #tpu.memory_space<hbm>>
        %dma_wait3A_596 = arith.constant 0 : i32
        %dma_wait3A_597 = arith.constant 0 : i32
        %dma_wait3A_598 = arith.constant 0 : i32
        %dma_wait3A_599 = tpu.memref_slice %arg8[%dma_wait3A_577, %dma_wait3A_596, %dma_wait3A_597, %dma_wait3A_598] : memref<2x4x8x129xf32, #tpu.memory_space<vmem>> -> memref<1x4x8x128xf32, #tpu.memory_space<vmem>>
        %dma_wait3A_600 = tpu.memref_squeeze %dma_wait3A_599 : memref<1x4x8x128xf32, #tpu.memory_space<vmem>> -> memref<4x8x128xf32, #tpu.memory_space<vmem>>
        tpu.wait_dma2 semaphore(%dma_wait3A_590 : memref<!tpu.dma_semaphore, #tpu.memory_space<semaphore_mem>>) src(%dma_wait3A_600 : memref<4x8x128xf32, #tpu.memory_space<vmem>>) dst(%dma_wait3A_595 : memref<4x8x128xf32, #tpu.memory_space<hbm>>)
      } else {
      }
      %broadcast_in_dim3A_479 = arith.constant 0 : i32
      %broadcast_in_dim3A_480 = vector.broadcast %broadcast_in_dim3A_479 : i32 to vector<16xi32>
      %parallel_loop3A_481 = arith.constant 0 : i32
      %parallel_loop3A_482 = arith.constant 128 : i32
      %parallel_loop3A_483 = arith.constant 1 : i32
      %parallel_loop3A_484 = arith.constant 2 : i32
      scf.for %parallel_loop3A_575 = %parallel_loop3A_481 to %parallel_loop3A_482 step %parallel_loop3A_483  : i32 {
        %parallel_loop3A_576 = vector.broadcast %parallel_loop3A_575 : i32 to vector<16xi32>
        %parallel_loop3A_577 = arith.constant 0 : i32
        %parallel_loop3A_578 = arith.constant 0 : i32
        %parallel_loop3A_579 = tpu.memref_slice %arg7[%parallel_loop3A_484, %parallel_loop3A_577, %parallel_loop3A_578] : memref<4x128x32xf32, #tpu.memory_space<vmem>> -> memref<1x128x32xf32, #tpu.memory_space<vmem>>
        %parallel_loop3A_580 = tpu.memref_squeeze %parallel_loop3A_579 : memref<1x128x32xf32, #tpu.memory_space<vmem>> -> memref<128x32xf32, #tpu.memory_space<vmem>>
        %parallel_loop3A_581 = arith.index_cast %parallel_loop3A_575 : i32 to index
        %parallel_loop3A_582 = arith.constant 0 : index
        %parallel_loop3A_583 = tpu.vector_load %parallel_loop3A_580[%parallel_loop3A_581, %parallel_loop3A_582] {strides = array<i32>} : memref<128x32xf32, #tpu.memory_space<vmem>>, vector<16xf32>,
        tpu.vector_store_idx %arg8[%broadcast_in_dim3A_480, %shift_right_arithmetic3A_5, %and3A_16, %parallel_loop3A_576], %parallel_loop3A_583 : memref<2x4x8x129xf32, #tpu.memory_space<vmem>>[vector<16xi32>, vector<16xi32>, vector<16xi32>, vector<16xi32>], vector<16xf32>,
        %parallel_loop3A_584 = arith.constant 0 : i32
        %parallel_loop3A_585 = arith.constant 0 : i32
        %parallel_loop3A_586 = tpu.memref_slice %arg7[%parallel_loop3A_484, %parallel_loop3A_584, %parallel_loop3A_585] : memref<4x128x32xf32, #tpu.memory_space<vmem>> -> memref<1x128x32xf32, #tpu.memory_space<vmem>>
        %parallel_loop3A_587 = tpu.memref_squeeze %parallel_loop3A_586 : memref<1x128x32xf32, #tpu.memory_space<vmem>> -> memref<128x32xf32, #tpu.memory_space<vmem>>
        %parallel_loop3A_588 = arith.index_cast %parallel_loop3A_575 : i32 to index
        %parallel_loop3A_589 = arith.constant 16 : index
        %parallel_loop3A_590 = tpu.vector_load %parallel_loop3A_587[%parallel_loop3A_588, %parallel_loop3A_589] {strides = array<i32>} : memref<128x32xf32, #tpu.memory_space<vmem>>, vector<16xf32>,
        tpu.vector_store_idx %arg8[%broadcast_in_dim3A_480, %shift_right_arithmetic3A_11, %and3A_22, %parallel_loop3A_576], %parallel_loop3A_590 : memref<2x4x8x129xf32, #tpu.memory_space<vmem>>[vector<16xi32>, vector<16xi32>, vector<16xi32>, vector<16xi32>], vector<16xf32>,
      } {sc.loop_unroll_factor = 8 : i64, sc.parallel_access}
      %dma_start3A_485 = arith.constant 0 : i32
      %dma_start3A_486 = arith.constant 0 : i32
      %dma_start3A_487 = arith.constant 0 : i32
      %dma_start3A_488 = arith.constant 0 : i32
      %dma_start3A_489 = arith.constant 0 : i32
      %dma_start3A_490 = tpu.memref_slice %arg8[%dma_start3A_485, %dma_start3A_487, %dma_start3A_488, %dma_start3A_489] : memref<2x4x8x129xf32, #tpu.memory_space<vmem>> -> memref<1x4x8x128xf32, #tpu.memory_space<vmem>>
      %dma_start3A_491 = tpu.memref_squeeze %dma_start3A_490 : memref<1x4x8x128xf32, #tpu.memory_space<vmem>> -> memref<4x8x128xf32, #tpu.memory_space<vmem>>
      %dma_start3A_492 = arith.constant 0 : i32
      %dma_start3A_493 = arith.constant 0 : i32
      %dma_start3A_494 = arith.constant 0 : i32
      %dma_start3A_495 = tpu.memref_slice %arg4[%add3A_446, %dma_start3A_492, %add3A, %dma_start3A_493, %dma_start3A_494] : memref<200x4x32x8x128xf32, #tpu.memory_space<hbm>> -> memref<1x4x1x8x128xf32, #tpu.memory_space<hbm>>
      %dma_start3A_496 = tpu.memref_squeeze %dma_start3A_495 : memref<1x4x1x8x128xf32, #tpu.memory_space<hbm>> -> memref<4x8x128xf32, #tpu.memory_space<hbm>>
      %dma_start3A_497 = tpu.memref_slice %arg10[%dma_start3A_486] : memref<2x!tpu.dma_semaphore, #tpu.memory_space<semaphore_mem>> -> memref<1x!tpu.dma_semaphore, #tpu.memory_space<semaphore_mem>>
      %dma_start3A_498 = tpu.memref_squeeze %dma_start3A_497 : memref<1x!tpu.dma_semaphore, #tpu.memory_space<semaphore_mem>> -> memref<!tpu.dma_semaphore, #tpu.memory_space<semaphore_mem>>
      %dma_start3A_499 = arith.constant 0 : i32
      %dma_start3A_500 = arith.constant 0 : i32
      %dma_start3A_501 = arith.constant 0 : i32
      %dma_start3A_502 = tpu.memref_slice %arg4[%add3A_446, %dma_start3A_499, %add3A, %dma_start3A_500, %dma_start3A_501] : memref<200x4x32x8x128xf32, #tpu.memory_space<hbm>> -> memref<1x4x1x8x128xf32, #tpu.memory_space<hbm>>
      %dma_start3A_503 = tpu.memref_squeeze %dma_start3A_502 : memref<1x4x1x8x128xf32, #tpu.memory_space<hbm>> -> memref<4x8x128xf32, #tpu.memory_space<hbm>>
      %dma_start3A_504 = arith.constant 0 : i32
      %dma_start3A_505 = arith.constant 0 : i32
      %dma_start3A_506 = arith.constant 0 : i32
      %dma_start3A_507 = tpu.memref_slice %arg8[%dma_start3A_485, %dma_start3A_504, %dma_start3A_505, %dma_start3A_506] : memref<2x4x8x129xf32, #tpu.memory_space<vmem>> -> memref<1x4x8x128xf32, #tpu.memory_space<vmem>>
      %dma_start3A_508 = tpu.memref_squeeze %dma_start3A_507 : memref<1x4x8x128xf32, #tpu.memory_space<vmem>> -> memref<4x8x128xf32, #tpu.memory_space<vmem>>
      tpu.enqueue_dma source(%dma_start3A_508 : memref<4x8x128xf32, #tpu.memory_space<vmem>>) target(%dma_start3A_503 : memref<4x8x128xf32, #tpu.memory_space<hbm>>) target_semaphore(%dma_start3A_498 : memref<!tpu.dma_semaphore, #tpu.memory_space<semaphore_mem>>)
      %mul3A_509 = arith.constant 4 : i32
      %mul3A_510 = arith.muli %mul3A_509, %scan3A_316 : i32
      %add3A_511 = arith.constant 3 : i32
      %add3A_512 = arith.addi %mul3A_510, %add3A_511 : i32
      %add3A_513 = arith.constant 4 : i32
      %add3A_514 = arith.addi %add3A_512, %add3A_513 : i32
      %sub3A_515 = arith.constant 1 : i32
      %sub3A_516 = arith.subi %add3A_514, %sub3A_515 : i32
      %lt3A_517 = arith.constant 200 : i32
      %lt3A_518 = arith.cmpi slt, %sub3A_516, %lt3A_517 : i32
      %convert_element_type3A_519 = arith.extui %lt3A_518 : i1 to i32
      %cond3A_520 = arith.constant 0 : i32
      %cond3A_521 = arith.cmpi ne, %convert_element_type3A_519, %cond3A_520 : i32
      scf.if %cond3A_521 {
        %add3A_575 = arith.constant 4 : i32
        %add3A_576 = arith.addi %add3A_512, %add3A_575 : i32
        %sub3A_577 = arith.constant 1 : i32
        %sub3A_578 = arith.subi %add3A_576, %sub3A_577 : i32
        %broadcast_in_dim3A_579 = vector.broadcast %sub3A_578 : i32 to vector<16xi32>
        %add3A_580 = arith.constant 0 : i32
        %add3A_581 = vector.broadcast %add3A_580 : i32 to vector<16xi32>
        %add3A_582 = arith.addi %iota3A, %add3A_581 : vector<16xi32>
        %gather3A_583 = tpu.vector_load_idx %arg5[%add3A_582, %broadcast_in_dim3A_579] : memref<128x201xi32, #tpu.memory_space<vmem>>[vector<16xi32>, vector<16xi32>], vector<16xi32>,
        %swap3A_584 = arith.constant 2 : i32
        %swap3A_585 = arith.index_cast %swap3A_584 : i32 to index
        %swap3A_586 = arith.constant 0 : index
        %swap3A_587 = tpu.vector_load %arg6[%swap3A_585, %swap3A_586] {strides = array<i32>} : memref<4x128xi32, #tpu.memory_space<vmem>>, vector<16xi32>,
        tpu.vector_store %arg6[%swap3A_585, %swap3A_586], %gather3A_583 {strides = array<i32>} : memref<4x128xi32, #tpu.memory_space<vmem>>, vector<16xi32>,
        %add3A_588 = arith.constant 16 : i32
        %add3A_589 = vector.broadcast %add3A_588 : i32 to vector<16xi32>
        %add3A_590 = arith.addi %iota3A, %add3A_589 : vector<16xi32>
        %gather3A_591 = tpu.vector_load_idx %arg5[%add3A_590, %broadcast_in_dim3A_579] : memref<128x201xi32, #tpu.memory_space<vmem>>[vector<16xi32>, vector<16xi32>], vector<16xi32>,
        %swap3A_592 = arith.constant 2 : i32
        %swap3A_593 = arith.index_cast %swap3A_592 : i32 to index
        %swap3A_594 = arith.constant 16 : index
        %swap3A_595 = tpu.vector_load %arg6[%swap3A_593, %swap3A_594] {strides = array<i32>} : memref<4x128xi32, #tpu.memory_space<vmem>>, vector<16xi32>,
        tpu.vector_store %arg6[%swap3A_593, %swap3A_594], %gather3A_591 {strides = array<i32>} : memref<4x128xi32, #tpu.memory_space<vmem>>, vector<16xi32>,
        %add3A_596 = arith.constant 32 : i32
        %add3A_597 = vector.broadcast %add3A_596 : i32 to vector<16xi32>
        %add3A_598 = arith.addi %iota3A, %add3A_597 : vector<16xi32>
        %gather3A_599 = tpu.vector_load_idx %arg5[%add3A_598, %broadcast_in_dim3A_579] : memref<128x201xi32, #tpu.memory_space<vmem>>[vector<16xi32>, vector<16xi32>], vector<16xi32>,
        %swap3A_600 = arith.constant 2 : i32
        %swap3A_601 = arith.index_cast %swap3A_600 : i32 to index
        %swap3A_602 = arith.constant 32 : index
        %swap3A_603 = tpu.vector_load %arg6[%swap3A_601, %swap3A_602] {strides = array<i32>} : memref<4x128xi32, #tpu.memory_space<vmem>>, vector<16xi32>,
        tpu.vector_store %arg6[%swap3A_601, %swap3A_602], %gather3A_599 {strides = array<i32>} : memref<4x128xi32, #tpu.memory_space<vmem>>, vector<16xi32>,
        %add3A_604 = arith.constant 48 : i32
        %add3A_605 = vector.broadcast %add3A_604 : i32 to vector<16xi32>
        %add3A_606 = arith.addi %iota3A, %add3A_605 : vector<16xi32>
        %gather3A_607 = tpu.vector_load_idx %arg5[%add3A_606, %broadcast_in_dim3A_579] : memref<128x201xi32, #tpu.memory_space<vmem>>[vector<16xi32>, vector<16xi32>], vector<16xi32>,
        %swap3A_608 = arith.constant 2 : i32
        %swap3A_609 = arith.index_cast %swap3A_608 : i32 to index
        %swap3A_610 = arith.constant 48 : index
        %swap3A_611 = tpu.vector_load %arg6[%swap3A_609, %swap3A_610] {strides = array<i32>} : memref<4x128xi32, #tpu.memory_space<vmem>>, vector<16xi32>,
        tpu.vector_store %arg6[%swap3A_609, %swap3A_610], %gather3A_607 {strides = array<i32>} : memref<4x128xi32, #tpu.memory_space<vmem>>, vector<16xi32>,
        %add3A_612 = arith.constant 64 : i32
        %add3A_613 = vector.broadcast %add3A_612 : i32 to vector<16xi32>
        %add3A_614 = arith.addi %iota3A, %add3A_613 : vector<16xi32>
        %gather3A_615 = tpu.vector_load_idx %arg5[%add3A_614, %broadcast_in_dim3A_579] : memref<128x201xi32, #tpu.memory_space<vmem>>[vector<16xi32>, vector<16xi32>], vector<16xi32>,
        %swap3A_616 = arith.constant 2 : i32
        %swap3A_617 = arith.index_cast %swap3A_616 : i32 to index
        %swap3A_618 = arith.constant 64 : index
        %swap3A_619 = tpu.vector_load %arg6[%swap3A_617, %swap3A_618] {strides = array<i32>} : memref<4x128xi32, #tpu.memory_space<vmem>>, vector<16xi32>,
        tpu.vector_store %arg6[%swap3A_617, %swap3A_618], %gather3A_615 {strides = array<i32>} : memref<4x128xi32, #tpu.memory_space<vmem>>, vector<16xi32>,
        %add3A_620 = arith.constant 80 : i32
        %add3A_621 = vector.broadcast %add3A_620 : i32 to vector<16xi32>
        %add3A_622 = arith.addi %iota3A, %add3A_621 : vector<16xi32>
        %gather3A_623 = tpu.vector_load_idx %arg5[%add3A_622, %broadcast_in_dim3A_579] : memref<128x201xi32, #tpu.memory_space<vmem>>[vector<16xi32>, vector<16xi32>], vector<16xi32>,
        %swap3A_624 = arith.constant 2 : i32
        %swap3A_625 = arith.index_cast %swap3A_624 : i32 to index
        %swap3A_626 = arith.constant 80 : index
        %swap3A_627 = tpu.vector_load %arg6[%swap3A_625, %swap3A_626] {strides = array<i32>} : memref<4x128xi32, #tpu.memory_space<vmem>>, vector<16xi32>,
        tpu.vector_store %arg6[%swap3A_625, %swap3A_626], %gather3A_623 {strides = array<i32>} : memref<4x128xi32, #tpu.memory_space<vmem>>, vector<16xi32>,
        %add3A_628 = arith.constant 96 : i32
        %add3A_629 = vector.broadcast %add3A_628 : i32 to vector<16xi32>
        %add3A_630 = arith.addi %iota3A, %add3A_629 : vector<16xi32>
        %gather3A_631 = tpu.vector_load_idx %arg5[%add3A_630, %broadcast_in_dim3A_579] : memref<128x201xi32, #tpu.memory_space<vmem>>[vector<16xi32>, vector<16xi32>], vector<16xi32>,
        %swap3A_632 = arith.constant 2 : i32
        %swap3A_633 = arith.index_cast %swap3A_632 : i32 to index
        %swap3A_634 = arith.constant 96 : index
        %swap3A_635 = tpu.vector_load %arg6[%swap3A_633, %swap3A_634] {strides = array<i32>} : memref<4x128xi32, #tpu.memory_space<vmem>>, vector<16xi32>,
        tpu.vector_store %arg6[%swap3A_633, %swap3A_634], %gather3A_631 {strides = array<i32>} : memref<4x128xi32, #tpu.memory_space<vmem>>, vector<16xi32>,
        %add3A_636 = arith.constant 112 : i32
        %add3A_637 = vector.broadcast %add3A_636 : i32 to vector<16xi32>
        %add3A_638 = arith.addi %iota3A, %add3A_637 : vector<16xi32>
        %gather3A_639 = tpu.vector_load_idx %arg5[%add3A_638, %broadcast_in_dim3A_579] : memref<128x201xi32, #tpu.memory_space<vmem>>[vector<16xi32>, vector<16xi32>], vector<16xi32>,
        %swap3A_640 = arith.constant 2 : i32
        %swap3A_641 = arith.index_cast %swap3A_640 : i32 to index
        %swap3A_642 = arith.constant 112 : index
        %swap3A_643 = tpu.vector_load %arg6[%swap3A_641, %swap3A_642] {strides = array<i32>} : memref<4x128xi32, #tpu.memory_space<vmem>>, vector<16xi32>,
        tpu.vector_store %arg6[%swap3A_641, %swap3A_642], %gather3A_639 {strides = array<i32>} : memref<4x128xi32, #tpu.memory_space<vmem>>, vector<16xi32>,
        %dma_start3A_644 = arith.constant 2 : i32
        %dma_start3A_645 = arith.constant 2 : i32
        %dma_start3A_646 = arith.constant 2 : i32
        %dma_start3A_647 = arith.constant 0 : i32
        %dma_start3A_648 = arith.constant 0 : i32
        %dma_start3A_649 = tpu.memref_slice %arg7[%dma_start3A_645, %dma_start3A_647, %dma_start3A_648] : memref<4x128x32xf32, #tpu.memory_space<vmem>> -> memref<1x128x32xf32, #tpu.memory_space<vmem>>
        %dma_start3A_650 = tpu.memref_squeeze %dma_start3A_649 : memref<1x128x32xf32, #tpu.memory_space<vmem>> -> memref<128x32xf32, #tpu.memory_space<vmem>>
        %dma_start3A_651 = arith.constant 0 : i32
        %dma_start3A_652 = tpu.memref_slice %arg6[%dma_start3A_644, %dma_start3A_651] : memref<4x128xi32, #tpu.memory_space<vmem>> -> memref<1x128xi32, #tpu.memory_space<vmem>>
        %dma_start3A_653 = tpu.memref_squeeze %dma_start3A_652 : memref<1x128xi32, #tpu.memory_space<vmem>> -> memref<128xi32, #tpu.memory_space<vmem>>
        %dma_start3A_654 = arith.constant 0 : i32
        %dma_start3A_655 = arith.constant 0 : i32
        %dma_start3A_656 = tpu.memref_slice %arg2[%dma_start3A_654, %dma_start3A_655] : memref<1000000x32xf32, #tpu.memory_space<hbm>> -> memref<1000000x32xf32, #tpu.memory_space<hbm>>
        %dma_start3A_657 = tpu.memref_slice %arg9[%dma_start3A_646] : memref<4x!tpu.dma_semaphore, #tpu.memory_space<semaphore_mem>> -> memref<1x!tpu.dma_semaphore, #tpu.memory_space<semaphore_mem>>
        %dma_start3A_658 = tpu.memref_squeeze %dma_start3A_657 : memref<1x!tpu.dma_semaphore, #tpu.memory_space<semaphore_mem>> -> memref<!tpu.dma_semaphore, #tpu.memory_space<semaphore_mem>>
        tpu.enqueue_indirect_dma source(%dma_start3A_656 : memref<1000000x32xf32, #tpu.memory_space<hbm>>) target(%dma_start3A_650 : memref<128x32xf32, #tpu.memory_space<vmem>>) offsets(%dma_start3A_653 : memref<128xi32, #tpu.memory_space<vmem>>) semaphore(%dma_start3A_658 : memref<!tpu.dma_semaphore, #tpu.memory_space<semaphore_mem>>)
      } else {
      }
      %dma_wait3A_522 = arith.constant 3 : i32
      %dma_wait3A_523 = arith.constant 3 : i32
      %dma_wait3A_524 = arith.constant 0 : i32
      %dma_wait3A_525 = arith.constant 0 : i32
      %dma_wait3A_526 = tpu.memref_slice %arg7[%dma_wait3A_522, %dma_wait3A_524, %dma_wait3A_525] : memref<4x128x32xf32, #tpu.memory_space<vmem>> -> memref<1x128x32xf32, #tpu.memory_space<vmem>>
      %dma_wait3A_527 = tpu.memref_squeeze %dma_wait3A_526 : memref<1x128x32xf32, #tpu.memory_space<vmem>> -> memref<128x32xf32, #tpu.memory_space<vmem>>
      %dma_wait3A_528 = arith.constant 0 : i32
      %dma_wait3A_529 = arith.constant 0 : i32
      %dma_wait3A_530 = tpu.memref_slice %arg2[%dma_wait3A_528, %dma_wait3A_529] : memref<1000000x32xf32, #tpu.memory_space<hbm>> -> memref<128x32xf32, #tpu.memory_space<hbm>>
      %dma_wait3A_531 = tpu.memref_slice %arg9[%dma_wait3A_523] : memref<4x!tpu.dma_semaphore, #tpu.memory_space<semaphore_mem>> -> memref<1x!tpu.dma_semaphore, #tpu.memory_space<semaphore_mem>>
      %dma_wait3A_532 = tpu.memref_squeeze %dma_wait3A_531 : memref<1x!tpu.dma_semaphore, #tpu.memory_space<semaphore_mem>> -> memref<!tpu.dma_semaphore, #tpu.memory_space<semaphore_mem>>
      %dma_wait3A_533 = arith.constant 0 : i32
      %dma_wait3A_534 = arith.constant 0 : i32
      %dma_wait3A_535 = tpu.memref_slice %arg7[%dma_wait3A_522, %dma_wait3A_533, %dma_wait3A_534] : memref<4x128x32xf32, #tpu.memory_space<vmem>> -> memref<1x128x32xf32, #tpu.memory_space<vmem>>
      %dma_wait3A_536 = tpu.memref_squeeze %dma_wait3A_535 : memref<1x128x32xf32, #tpu.memory_space<vmem>> -> memref<128x32xf32, #tpu.memory_space<vmem>>
      %dma_wait3A_537 = arith.constant 0 : i32
      %dma_wait3A_538 = arith.constant 0 : i32
      %dma_wait3A_539 = tpu.memref_slice %arg2[%dma_wait3A_537, %dma_wait3A_538] : memref<1000000x32xf32, #tpu.memory_space<hbm>> -> memref<128x32xf32, #tpu.memory_space<hbm>>
      tpu.wait_dma2 semaphore(%dma_wait3A_532 : memref<!tpu.dma_semaphore, #tpu.memory_space<semaphore_mem>>) src(%dma_wait3A_539 : memref<128x32xf32, #tpu.memory_space<hbm>>) dst(%dma_wait3A_536 : memref<128x32xf32, #tpu.memory_space<vmem>>)
      %ge3A_540 = arith.constant 2 : i32
      %ge3A_541 = arith.cmpi sge, %add3A_512, %ge3A_540 : i32
      %convert_element_type3A_542 = arith.extui %ge3A_541 : i1 to i32
      %cond3A_543 = arith.constant 0 : i32
      %cond3A_544 = arith.cmpi ne, %convert_element_type3A_542, %cond3A_543 : i32
      scf.if %cond3A_544 {
        %sub3A_575 = arith.constant 2 : i32
        %sub3A_576 = arith.subi %add3A_512, %sub3A_575 : i32
        %dma_wait3A_577 = arith.constant 1 : i32
        %dma_wait3A_578 = arith.constant 1 : i32
        %dma_wait3A_579 = arith.constant 0 : i32
        %dma_wait3A_580 = arith.constant 0 : i32
        %dma_wait3A_581 = arith.constant 0 : i32
        %dma_wait3A_582 = tpu.memref_slice %arg8[%dma_wait3A_577, %dma_wait3A_579, %dma_wait3A_580, %dma_wait3A_581] : memref<2x4x8x129xf32, #tpu.memory_space<vmem>> -> memref<1x4x8x128xf32, #tpu.memory_space<vmem>>
        %dma_wait3A_583 = tpu.memref_squeeze %dma_wait3A_582 : memref<1x4x8x128xf32, #tpu.memory_space<vmem>> -> memref<4x8x128xf32, #tpu.memory_space<vmem>>
        %dma_wait3A_584 = arith.constant 0 : i32
        %dma_wait3A_585 = arith.constant 0 : i32
        %dma_wait3A_586 = arith.constant 0 : i32
        %dma_wait3A_587 = tpu.memref_slice %arg4[%sub3A_576, %dma_wait3A_584, %add3A, %dma_wait3A_585, %dma_wait3A_586] : memref<200x4x32x8x128xf32, #tpu.memory_space<hbm>> -> memref<1x4x1x8x128xf32, #tpu.memory_space<hbm>>
        %dma_wait3A_588 = tpu.memref_squeeze %dma_wait3A_587 : memref<1x4x1x8x128xf32, #tpu.memory_space<hbm>> -> memref<4x8x128xf32, #tpu.memory_space<hbm>>
        %dma_wait3A_589 = tpu.memref_slice %arg10[%dma_wait3A_578] : memref<2x!tpu.dma_semaphore, #tpu.memory_space<semaphore_mem>> -> memref<1x!tpu.dma_semaphore, #tpu.memory_space<semaphore_mem>>
        %dma_wait3A_590 = tpu.memref_squeeze %dma_wait3A_589 : memref<1x!tpu.dma_semaphore, #tpu.memory_space<semaphore_mem>> -> memref<!tpu.dma_semaphore, #tpu.memory_space<semaphore_mem>>
        %dma_wait3A_591 = arith.constant 0 : i32
        %dma_wait3A_592 = arith.constant 0 : i32
        %dma_wait3A_593 = arith.constant 0 : i32
        %dma_wait3A_594 = tpu.memref_slice %arg4[%sub3A_576, %dma_wait3A_591, %add3A, %dma_wait3A_592, %dma_wait3A_593] : memref<200x4x32x8x128xf32, #tpu.memory_space<hbm>> -> memref<1x4x1x8x128xf32, #tpu.memory_space<hbm>>
        %dma_wait3A_595 = tpu.memref_squeeze %dma_wait3A_594 : memref<1x4x1x8x128xf32, #tpu.memory_space<hbm>> -> memref<4x8x128xf32, #tpu.memory_space<hbm>>
        %dma_wait3A_596 = arith.constant 0 : i32
        %dma_wait3A_597 = arith.constant 0 : i32
        %dma_wait3A_598 = arith.constant 0 : i32
        %dma_wait3A_599 = tpu.memref_slice %arg8[%dma_wait3A_577, %dma_wait3A_596, %dma_wait3A_597, %dma_wait3A_598] : memref<2x4x8x129xf32, #tpu.memory_space<vmem>> -> memref<1x4x8x128xf32, #tpu.memory_space<vmem>>
        %dma_wait3A_600 = tpu.memref_squeeze %dma_wait3A_599 : memref<1x4x8x128xf32, #tpu.memory_space<vmem>> -> memref<4x8x128xf32, #tpu.memory_space<vmem>>
        tpu.wait_dma2 semaphore(%dma_wait3A_590 : memref<!tpu.dma_semaphore, #tpu.memory_space<semaphore_mem>>) src(%dma_wait3A_600 : memref<4x8x128xf32, #tpu.memory_space<vmem>>) dst(%dma_wait3A_595 : memref<4x8x128xf32, #tpu.memory_space<hbm>>)
      } else {
      }
      %broadcast_in_dim3A_545 = arith.constant 1 : i32
      %broadcast_in_dim3A_546 = vector.broadcast %broadcast_in_dim3A_545 : i32 to vector<16xi32>
      %parallel_loop3A_547 = arith.constant 0 : i32
      %parallel_loop3A_548 = arith.constant 128 : i32
      %parallel_loop3A_549 = arith.constant 1 : i32
      %parallel_loop3A_550 = arith.constant 3 : i32
      scf.for %parallel_loop3A_575 = %parallel_loop3A_547 to %parallel_loop3A_548 step %parallel_loop3A_549  : i32 {
        %parallel_loop3A_576 = vector.broadcast %parallel_loop3A_575 : i32 to vector<16xi32>
        %parallel_loop3A_577 = arith.constant 0 : i32
        %parallel_loop3A_578 = arith.constant 0 : i32
        %parallel_loop3A_579 = tpu.memref_slice %arg7[%parallel_loop3A_550, %parallel_loop3A_577, %parallel_loop3A_578] : memref<4x128x32xf32, #tpu.memory_space<vmem>> -> memref<1x128x32xf32, #tpu.memory_space<vmem>>
        %parallel_loop3A_580 = tpu.memref_squeeze %parallel_loop3A_579 : memref<1x128x32xf32, #tpu.memory_space<vmem>> -> memref<128x32xf32, #tpu.memory_space<vmem>>
        %parallel_loop3A_581 = arith.index_cast %parallel_loop3A_575 : i32 to index
        %parallel_loop3A_582 = arith.constant 0 : index
        %parallel_loop3A_583 = tpu.vector_load %parallel_loop3A_580[%parallel_loop3A_581, %parallel_loop3A_582] {strides = array<i32>} : memref<128x32xf32, #tpu.memory_space<vmem>>, vector<16xf32>,
        tpu.vector_store_idx %arg8[%broadcast_in_dim3A_546, %shift_right_arithmetic3A_5, %and3A_16, %parallel_loop3A_576], %parallel_loop3A_583 : memref<2x4x8x129xf32, #tpu.memory_space<vmem>>[vector<16xi32>, vector<16xi32>, vector<16xi32>, vector<16xi32>], vector<16xf32>,
        %parallel_loop3A_584 = arith.constant 0 : i32
        %parallel_loop3A_585 = arith.constant 0 : i32
        %parallel_loop3A_586 = tpu.memref_slice %arg7[%parallel_loop3A_550, %parallel_loop3A_584, %parallel_loop3A_585] : memref<4x128x32xf32, #tpu.memory_space<vmem>> -> memref<1x128x32xf32, #tpu.memory_space<vmem>>
        %parallel_loop3A_587 = tpu.memref_squeeze %parallel_loop3A_586 : memref<1x128x32xf32, #tpu.memory_space<vmem>> -> memref<128x32xf32, #tpu.memory_space<vmem>>
        %parallel_loop3A_588 = arith.index_cast %parallel_loop3A_575 : i32 to index
        %parallel_loop3A_589 = arith.constant 16 : index
        %parallel_loop3A_590 = tpu.vector_load %parallel_loop3A_587[%parallel_loop3A_588, %parallel_loop3A_589] {strides = array<i32>} : memref<128x32xf32, #tpu.memory_space<vmem>>, vector<16xf32>,
        tpu.vector_store_idx %arg8[%broadcast_in_dim3A_546, %shift_right_arithmetic3A_11, %and3A_22, %parallel_loop3A_576], %parallel_loop3A_590 : memref<2x4x8x129xf32, #tpu.memory_space<vmem>>[vector<16xi32>, vector<16xi32>, vector<16xi32>, vector<16xi32>], vector<16xf32>,
      } {sc.loop_unroll_factor = 8 : i64, sc.parallel_access}
      %dma_start3A_551 = arith.constant 1 : i32
      %dma_start3A_552 = arith.constant 1 : i32
      %dma_start3A_553 = arith.constant 0 : i32
      %dma_start3A_554 = arith.constant 0 : i32
      %dma_start3A_555 = arith.constant 0 : i32
      %dma_start3A_556 = tpu.memref_slice %arg8[%dma_start3A_551, %dma_start3A_553, %dma_start3A_554, %dma_start3A_555] : memref<2x4x8x129xf32, #tpu.memory_space<vmem>> -> memref<1x4x8x128xf32, #tpu.memory_space<vmem>>
      %dma_start3A_557 = tpu.memref_squeeze %dma_start3A_556 : memref<1x4x8x128xf32, #tpu.memory_space<vmem>> -> memref<4x8x128xf32, #tpu.memory_space<vmem>>
      %dma_start3A_558 = arith.constant 0 : i32
      %dma_start3A_559 = arith.constant 0 : i32
      %dma_start3A_560 = arith.constant 0 : i32
      %dma_start3A_561 = tpu.memref_slice %arg4[%add3A_512, %dma_start3A_558, %add3A, %dma_start3A_559, %dma_start3A_560] : memref<200x4x32x8x128xf32, #tpu.memory_space<hbm>> -> memref<1x4x1x8x128xf32, #tpu.memory_space<hbm>>
      %dma_start3A_562 = tpu.memref_squeeze %dma_start3A_561 : memref<1x4x1x8x128xf32, #tpu.memory_space<hbm>> -> memref<4x8x128xf32, #tpu.memory_space<hbm>>
      %dma_start3A_563 = tpu.memref_slice %arg10[%dma_start3A_552] : memref<2x!tpu.dma_semaphore, #tpu.memory_space<semaphore_mem>> -> memref<1x!tpu.dma_semaphore, #tpu.memory_space<semaphore_mem>>
      %dma_start3A_564 = tpu.memref_squeeze %dma_start3A_563 : memref<1x!tpu.dma_semaphore, #tpu.memory_space<semaphore_mem>> -> memref<!tpu.dma_semaphore, #tpu.memory_space<semaphore_mem>>
      %dma_start3A_565 = arith.constant 0 : i32
      %dma_start3A_566 = arith.constant 0 : i32
      %dma_start3A_567 = arith.constant 0 : i32
      %dma_start3A_568 = tpu.memref_slice %arg4[%add3A_512, %dma_start3A_565, %add3A, %dma_start3A_566, %dma_start3A_567] : memref<200x4x32x8x128xf32, #tpu.memory_space<hbm>> -> memref<1x4x1x8x128xf32, #tpu.memory_space<hbm>>
      %dma_start3A_569 = tpu.memref_squeeze %dma_start3A_568 : memref<1x4x1x8x128xf32, #tpu.memory_space<hbm>> -> memref<4x8x128xf32, #tpu.memory_space<hbm>>
      %dma_start3A_570 = arith.constant 0 : i32
      %dma_start3A_571 = arith.constant 0 : i32
      %dma_start3A_572 = arith.constant 0 : i32
      %dma_start3A_573 = tpu.memref_slice %arg8[%dma_start3A_551, %dma_start3A_570, %dma_start3A_571, %dma_start3A_572] : memref<2x4x8x129xf32, #tpu.memory_space<vmem>> -> memref<1x4x8x128xf32, #tpu.memory_space<vmem>>
      %dma_start3A_574 = tpu.memref_squeeze %dma_start3A_573 : memref<1x4x8x128xf32, #tpu.memory_space<vmem>> -> memref<4x8x128xf32, #tpu.memory_space<vmem>>
      tpu.enqueue_dma source(%dma_start3A_574 : memref<4x8x128xf32, #tpu.memory_space<vmem>>) target(%dma_start3A_569 : memref<4x8x128xf32, #tpu.memory_space<hbm>>) target_semaphore(%dma_start3A_564 : memref<!tpu.dma_semaphore, #tpu.memory_space<semaphore_mem>>)
    }
    %scan3A_266 = arith.constant 50 : i32
    %dma_wait3A = arith.constant 0 : i32
    %dma_wait3A_267 = arith.constant 198 : i32
    %dma_wait3A_268 = arith.constant 0 : i32
    %dma_wait3A_269 = arith.constant 0 : i32
    %dma_wait3A_270 = arith.constant 0 : i32
    %dma_wait3A_271 = arith.constant 0 : i32
    %dma_wait3A_272 = tpu.memref_slice %arg8[%dma_wait3A, %dma_wait3A_269, %dma_wait3A_270, %dma_wait3A_271] : memref<2x4x8x129xf32, #tpu.memory_space<vmem>> -> memref<1x4x8x128xf32, #tpu.memory_space<vmem>>
    %dma_wait3A_273 = tpu.memref_squeeze %dma_wait3A_272 : memref<1x4x8x128xf32, #tpu.memory_space<vmem>> -> memref<4x8x128xf32, #tpu.memory_space<vmem>>
    %dma_wait3A_274 = arith.constant 0 : i32
    %dma_wait3A_275 = arith.constant 0 : i32
    %dma_wait3A_276 = arith.constant 0 : i32
    %dma_wait3A_277 = tpu.memref_slice %arg4[%dma_wait3A_267, %dma_wait3A_274, %add3A, %dma_wait3A_275, %dma_wait3A_276] : memref<200x4x32x8x128xf32, #tpu.memory_space<hbm>> -> memref<1x4x1x8x128xf32, #tpu.memory_space<hbm>>
    %dma_wait3A_278 = tpu.memref_squeeze %dma_wait3A_277 : memref<1x4x1x8x128xf32, #tpu.memory_space<hbm>> -> memref<4x8x128xf32, #tpu.memory_space<hbm>>
    %dma_wait3A_279 = tpu.memref_slice %arg10[%dma_wait3A_268] : memref<2x!tpu.dma_semaphore, #tpu.memory_space<semaphore_mem>> -> memref<1x!tpu.dma_semaphore, #tpu.memory_space<semaphore_mem>>
    %dma_wait3A_280 = tpu.memref_squeeze %dma_wait3A_279 : memref<1x!tpu.dma_semaphore, #tpu.memory_space<semaphore_mem>> -> memref<!tpu.dma_semaphore, #tpu.memory_space<semaphore_mem>>
    %dma_wait3A_281 = arith.constant 0 : i32
    %dma_wait3A_282 = arith.constant 0 : i32
    %dma_wait3A_283 = arith.constant 0 : i32
    %dma_wait3A_284 = tpu.memref_slice %arg4[%dma_wait3A_267, %dma_wait3A_281, %add3A, %dma_wait3A_282, %dma_wait3A_283] : memref<200x4x32x8x128xf32, #tpu.memory_space<hbm>> -> memref<1x4x1x8x128xf32, #tpu.memory_space<hbm>>
    %dma_wait3A_285 = tpu.memref_squeeze %dma_wait3A_284 : memref<1x4x1x8x128xf32, #tpu.memory_space<hbm>> -> memref<4x8x128xf32, #tpu.memory_space<hbm>>
    %dma_wait3A_286 = arith.constant 0 : i32
    %dma_wait3A_287 = arith.constant 0 : i32
    %dma_wait3A_288 = arith.constant 0 : i32
    %dma_wait3A_289 = tpu.memref_slice %arg8[%dma_wait3A, %dma_wait3A_286, %dma_wait3A_287, %dma_wait3A_288] : memref<2x4x8x129xf32, #tpu.memory_space<vmem>> -> memref<1x4x8x128xf32, #tpu.memory_space<vmem>>
    %dma_wait3A_290 = tpu.memref_squeeze %dma_wait3A_289 : memref<1x4x8x128xf32, #tpu.memory_space<vmem>> -> memref<4x8x128xf32, #tpu.memory_space<vmem>>
    tpu.wait_dma2 semaphore(%dma_wait3A_280 : memref<!tpu.dma_semaphore, #tpu.memory_space<semaphore_mem>>) src(%dma_wait3A_290 : memref<4x8x128xf32, #tpu.memory_space<vmem>>) dst(%dma_wait3A_285 : memref<4x8x128xf32, #tpu.memory_space<hbm>>)
    %dma_wait3A_291 = arith.constant 1 : i32
    %dma_wait3A_292 = arith.constant 199 : i32
    %dma_wait3A_293 = arith.constant 1 : i32
    %dma_wait3A_294 = arith.constant 0 : i32
    %dma_wait3A_295 = arith.constant 0 : i32
    %dma_wait3A_296 = arith.constant 0 : i32
    %dma_wait3A_297 = tpu.memref_slice %arg8[%dma_wait3A_291, %dma_wait3A_294, %dma_wait3A_295, %dma_wait3A_296] : memref<2x4x8x129xf32, #tpu.memory_space<vmem>> -> memref<1x4x8x128xf32, #tpu.memory_space<vmem>>
    %dma_wait3A_298 = tpu.memref_squeeze %dma_wait3A_297 : memref<1x4x8x128xf32, #tpu.memory_space<vmem>> -> memref<4x8x128xf32, #tpu.memory_space<vmem>>
    %dma_wait3A_299 = arith.constant 0 : i32
    %dma_wait3A_300 = arith.constant 0 : i32
    %dma_wait3A_301 = arith.constant 0 : i32
    %dma_wait3A_302 = tpu.memref_slice %arg4[%dma_wait3A_292, %dma_wait3A_299, %add3A, %dma_wait3A_300, %dma_wait3A_301] : memref<200x4x32x8x128xf32, #tpu.memory_space<hbm>> -> memref<1x4x1x8x128xf32, #tpu.memory_space<hbm>>
    %dma_wait3A_303 = tpu.memref_squeeze %dma_wait3A_302 : memref<1x4x1x8x128xf32, #tpu.memory_space<hbm>> -> memref<4x8x128xf32, #tpu.memory_space<hbm>>
    %dma_wait3A_304 = tpu.memref_slice %arg10[%dma_wait3A_293] : memref<2x!tpu.dma_semaphore, #tpu.memory_space<semaphore_mem>> -> memref<1x!tpu.dma_semaphore, #tpu.memory_space<semaphore_mem>>
    %dma_wait3A_305 = tpu.memref_squeeze %dma_wait3A_304 : memref<1x!tpu.dma_semaphore, #tpu.memory_space<semaphore_mem>> -> memref<!tpu.dma_semaphore, #tpu.memory_space<semaphore_mem>>
    %dma_wait3A_306 = arith.constant 0 : i32
    %dma_wait3A_307 = arith.constant 0 : i32
    %dma_wait3A_308 = arith.constant 0 : i32
    %dma_wait3A_309 = tpu.memref_slice %arg4[%dma_wait3A_292, %dma_wait3A_306, %add3A, %dma_wait3A_307, %dma_wait3A_308] : memref<200x4x32x8x128xf32, #tpu.memory_space<hbm>> -> memref<1x4x1x8x128xf32, #tpu.memory_space<hbm>>
    %dma_wait3A_310 = tpu.memref_squeeze %dma_wait3A_309 : memref<1x4x1x8x128xf32, #tpu.memory_space<hbm>> -> memref<4x8x128xf32, #tpu.memory_space<hbm>>
    %dma_wait3A_311 = arith.constant 0 : i32
    %dma_wait3A_312 = arith.constant 0 : i32
    %dma_wait3A_313 = arith.constant 0 : i32
    %dma_wait3A_314 = tpu.memref_slice %arg8[%dma_wait3A_291, %dma_wait3A_311, %dma_wait3A_312, %dma_wait3A_313] : memref<2x4x8x129xf32, #tpu.memory_space<vmem>> -> memref<1x4x8x128xf32, #tpu.memory_space<vmem>>
    %dma_wait3A_315 = tpu.memref_squeeze %dma_wait3A_314 : memref<1x4x8x128xf32, #tpu.memory_space<vmem>> -> memref<4x8x128xf32, #tpu.memory_space<vmem>>
    tpu.wait_dma2 semaphore(%dma_wait3A_305 : memref<!tpu.dma_semaphore, #tpu.memory_space<semaphore_mem>>) src(%dma_wait3A_315 : memref<4x8x128xf32, #tpu.memory_space<vmem>>) dst(%dma_wait3A_310 : memref<4x8x128xf32, #tpu.memory_space<hbm>>)
    return
  }
}

</mosaic_0001>

<sc_bundles>
// kernel: kernel.3.cloned.1.call-start
scs
__scs_entry_jumppad:
0x0: {  	(pc) =	sbr.rel $0x88, $3  }
0x1: {  	(tag) =	ssettag $0x0;
	lr =	simm.s32 $0x1  }
0x2: {  	[smem:$0x3F9F] =	sst lr;
	_ =	strace $0xD0000000  }
0x3: {  	_ = 	snop  }
0x4: {  	_ = 	snop  }
0x5: {  	_ = 	snop  }
0x6: {  	_ = 	snop  }
0x7: {  	_ = 	snop  }
__scs_overlays_trampoline_lowered:
0x8: {  	[smem:$0x3FAE] =	sst s0  }
0x9: {  	[smem:$0x3FAF] =	sst s1  }
0xa: {  	[smem:$0x3FB0] =	sst s2  }
0xb: {  	[smem:$0x3FB1] =	sst s3  }
0xc: {  	[smem:$0x3FB2] =	sst s4  }
0xd: {  	[smem:$0x3FB3] =	sst s5  }
0xe: {  	[smem:$0x3FB4] =	sst s6  }
0xf: {  	[smem:$0x3FB5] =	sst s7  }
0x10: {  	[smem:$0x3FB6] =	sst s8  }
0x11: {  	[smem:$0x3FB7] =	sst s9;
	s0 =	simm.s32 @!p0 $0x0  }
0x12: {  	s1 =	sld [smem:$0x3F9D];
	s0 =	simm.s32 @p0 $0x1  }
0x13: {  	[smem:$0x3FB8] =	sst s0;
	s0 =	simm.s32 @!p1 $0x0  }
0x14: {  	s2 =	sld [smem:$0x3F9C];
	s0 =	simm.s32 @p1 $0x1  }
0x15: {  	[smem:$0x3FB9] =	sst s0;
	s0 =	simm.s32 @!p2 $0x0  }
0x16: {  	s3 =	sld [smem:$0x3FDB];
	s0 =	simm.s32 @p2 $0x1  }
0x17: {  	s4 =	simm.s32 $0x1BF5;
	[smem:$0x3FBB] =	sst s0  }
0x18: {  	s0 =	sld [smem:$0x3F9E];
	_ =	swait.ge [sflag:s4], $0x0  }
0x19: {  	s7 =	sld [smem:$0x3F9F]  }
0x1a: {  	s8 =	sadd.s32 $0xFFFFE003, lr  }
0x1b: {  	s9 =	sadd.s32 $0xFFFFFEF7, lr;
	s5 =	simm.s32 $0xFFFFFFFF;
	p2 =	slt.u32 s8, $0xFFFFF086  }
0x1c: {  	p1 =	slt.u32 s9, $0xF7A;
	s5 =	simm.s32 @!p2 $0x0  }
0x1d: {  	s5 =	simm.s32 @p1 $0x1;
	p0 =	seq.s32 s7, s2  }
0x1e: {  	s7 =	smul.u32 @!p0 $0xF7A, s2;
	p2 =	seq.s32 @!p0 s5, $0x0  }
0x1f: {  	s9 =	smul.u32 $0xF7A, s1;
	s8 =	simm.s32 @!p0 $0x1BF5;
	p2 =	por !p2, p0  }
0x20: {  	[sflag:s8] =	ssyncset.s32 @!p0 $0xFFFFF086;
	s6 =	sadd.s32 @!p0 s3, s7;
	s7 =	simm.s32 @!p0 $0x108  }
0x21: {  	s3 =	sadd.s32 s3, s9;
	s6 =	sadd.s32 @!p0 $0x88, s6;
	s7 =	simm.s32 @p2 $0x1082  }
0x22: {  	[simem:s7], [sflag:s8] =	dma.local @!p0 [hbm:s6], $0xF7A  }
0x23: {  	s9 =	sor.u32 $0xD0000000, s2;
	s6 =	simm.s32 $0x108;
	_ =	swait.ge @!p0 [sflag:s8], $0x0  }
0x24: {  	s3 =	sadd.s32 $0x88, s3;
	s6 =	simm.s32 @!p1 $0x1082;
	[sflag:s4] =	ssyncset.s32 $0xFFFFF086  }
0x25: {  	[simem:s6], [sflag:s4] =	dma.local [hbm:s3], $0xF7A  }
0x26: {  	[smem:$0x3F9F] =	sst s1;
	(tag) =	ssettag s2;
	_ =	strace s9  }
0x27: {  	s1 =	sld [smem:$0x3FAF]  }
0x28: {  	s2 =	sld [smem:$0x3FB0]  }
0x29: {  	s4 =	sld [smem:$0x3FB2]  }
0x2a: {  	p0 =	seq.s32 s5, $0x0;
	s5 =	sld [smem:$0x3FB3]  }
0x2b: {  	s6 =	sld [smem:$0x3FB4]  }
0x2c: {  	s7 =	sld [smem:$0x3FB5]  }
0x2d: {  	s3 =	simm.s32 $0x108;
	s8 =	sld [smem:$0x3FB6]  }
0x2e: {  	s3 =	simm.s32 @!p0 $0x1082;
	s9 =	sld [smem:$0x3FB7]  }
0x2f: {  	lr =	sadd.s32 s0, s3;
	s0 =	sld [smem:$0x3FAE]  }
0x30: {  	s3 =	sld [smem:$0x3FB1]  }
0x31: {  	[smem:$0x3FBA] =	sst s10  }
0x32: {  	s10 =	sld [smem:$0x3FB8];
	_ =	sdelay $0x3  }
0x33: {  	p0 =	seq.s32 s10, $0x1;
	s10 =	sld [smem:$0x3FBA];
	_ =	sdelay $0x3  }
0x34: {  	[smem:$0x3FBA] =	sst s10  }
0x35: {  	s10 =	sld [smem:$0x3FB9];
	_ =	sdelay $0x3  }
0x36: {  	p1 =	seq.s32 s10, $0x1;
	s10 =	sld [smem:$0x3FBA];
	_ =	sdelay $0x3  }
0x37: {  	[smem:$0x3FBA] =	sst s10  }
0x38: {  	s10 =	sld [smem:$0x3FBB]  }
0x39: {  	_ = 	snop;
	(pc) =	sbr.ind lr, $3  }
0x3a: {  	_ = 	snop  }
0x3b: {  	_ = 	snop  }
0x3c: {  	p2 =	seq.s32 s10, $0x1;
	s10 =	sld [smem:$0x3FBA]  }
0x3d: {  	_ =	shalt  }
0x3e: {  	_ =	shalt  }
0x3f: {  	_ =	shalt  }
0x40: {  	_ =	shalt  }
0x41: {  	_ =	shalt  }
0x42: {  	_ =	shalt  }
0x43: {  	_ =	shalt  }
0x44: {  	_ =	shalt  }
0x45: {  	_ =	shalt  }
0x46: {  	_ =	shalt  }
0x47: {  	_ =	shalt  }
0x48: {  	_ =	shalt  }
0x49: {  	_ =	shalt  }
0x4a: {  	_ =	shalt  }
0x4b: {  	_ =	shalt  }
0x4c: {  	_ =	shalt  }
0x4d: {  	_ =	shalt  }
0x4e: {  	_ =	shalt  }
0x4f: {  	_ =	shalt  }
0x50: {  	_ =	shalt  }
0x51: {  	_ =	shalt  }
0x52: {  	_ =	shalt  }
0x53: {  	_ =	shalt  }
0x54: {  	_ =	shalt  }
0x55: {  	_ =	shalt  }
0x56: {  	_ =	shalt  }
0x57: {  	_ =	shalt  }
0x58: {  	_ =	shalt  }
0x59: {  	_ =	shalt  }
0x5a: {  	_ =	shalt  }
0x5b: {  	_ =	shalt  }
0x5c: {  	_ =	shalt  }
0x5d: {  	_ =	shalt  }
0x5e: {  	_ =	shalt  }
0x5f: {  	_ =	shalt  }
0x60: {  	_ =	shalt  }
0x61: {  	_ =	shalt  }
0x62: {  	_ =	shalt  }
0x63: {  	_ =	shalt  }
0x64: {  	_ =	shalt  }
0x65: {  	_ =	shalt  }
0x66: {  	_ =	shalt  }
0x67: {  	_ =	shalt  }
0x68: {  	_ =	shalt  }
0x69: {  	_ =	shalt  }
0x6a: {  	_ =	shalt  }
0x6b: {  	_ =	shalt  }
0x6c: {  	_ =	shalt  }
0x6d: {  	_ =	shalt  }
0x6e: {  	_ =	shalt  }
0x6f: {  	_ =	shalt  }
0x70: {  	_ =	shalt  }
0x71: {  	_ =	shalt  }
0x72: {  	_ =	shalt  }
0x73: {  	_ =	shalt  }
0x74: {  	_ =	shalt  }
0x75: {  	_ =	shalt  }
0x76: {  	_ =	shalt  }
0x77: {  	_ =	shalt  }
0x78: {  	_ =	shalt  }
0x79: {  	_ =	shalt  }
0x7a: {  	_ =	shalt  }
0x7b: {  	_ =	shalt  }
0x7c: {  	_ =	shalt  }
0x7d: {  	_ =	shalt  }
0x7e: {  	_ =	shalt  }
0x7f: {  	_ =	shalt  }
0x80: {  	_ =	shalt  }
0x81: {  	_ =	shalt  }
0x82: {  	_ =	shalt  }
0x83: {  	_ =	shalt  }
0x84: {  	_ =	shalt  }
0x85: {  	_ =	shalt  }
0x86: {  	_ =	shalt  }
0x87: {  	_ =	shalt  }
.Lfunc_end0:
.L_simem_size_0:
called_computation_lowered:
.L_overlay_start_0:
0x88: {  	s2 =	sld [smem:$0x3FD9]  }
0x89: {  	s3 =	sld [smem:$0x3FFE];
	_ =	sdelay $0x1  }
0x8a: {  	s1 =	srdreg.scid  }
0x8b: {  	s0 =	sand.u32 $0x1, s1  }
0x8c: {  	s17 =	sshll.u32 s0, $0xA;
	s2 =	sadd.s32 s3, s2  }
0x8d: {  	s2 =	sadd.s32 s2, s17  }
0x8e: {  	[smem:$0x3FC6] =	sst s2  }
0x8f: {  	_ = 	snop  }
0x90: {  	s2 =	sld [smem:$0x3FD0];
	(tm) =	ssettm $0x1  }
0x91: {  	s18 =	sld [smem:$0x3FFB];
	_ =	sdelay $0x3  }
0x92: {  	_ =	strace s18  }
0x93: {  	s3 =	sld [smem:$0x3FFC];
	_ =	sdelay $0x3  }
0x94: {  	_ =	strace s3  }
0x95: {  	s3 =	sld [smem:$0x3FFD];
	_ =	sdelay $0x3  }
0x96: {  	_ =	strace s3  }
0x97: {  	_ =	strace $0x8FFFFFFF  }
0x98: {  	s19 =	sld [smem:$0x3FDB];
	_ =	sdelay $0x1  }
0x99: {  	s4 =	simm.s32 $_scs_section_size  }
0x9a: {  	s5 =	simm.s32 $_size__tile_overlayer_lowered;
	s6 =	simm.s32 $_tile_overlayer_lowered  }
0x9b: {  	s22 =	simm.s32 $0x1BFF;
	s21 =	sshll.u32 s6, $0x1;
	s3 =	sadd.s32 s4, s19  }
0x9c: {  	s7 =	simm.s32 $0x0;
	s20 =	sshll.u32 s5, $0x1;
	s5 =	sadd.s32 s21, s3  }
0x9d: {  	[timem:s7], [sflag:s22] =	dma.local [hbm:s5], s20  }
0x9e: {  	_ =	swait.ge [sflag:s22], s20  }
0x9f: {  	s4 =	ssub.s32 $0x0, s20;
	[sflag:s22] =	ssyncset.done $0x0  }
0xa0: {  	[sflag:s22] =	ssyncadd.s32 s4;
	_ =	sdelay $0x1  }
0xa1: {  	s23 =	simm.s32 $0x1B8B  }
0xa2: {  	_ =	swait.ge [sflag:s23], $0x1  }
0xa3: {  	[sflag:s23] =	ssyncset.done $0x0  }
0xa4: {  	s25 =	simm.s32 $0x1B8E;
	s24 =	sld [smem:$0x3FFE];
	[sflag:s23] =	ssyncadd.s32 $0xFFFFFFFF  }
0xa5: {  	s26 =	simm.s32 $execute0_lowered;
	[smem:$0x3FD2] =	sst s25  }
0xa6: {  	s5 =	sshll.u32 s26, $0x1;
	_ =	strace $0x80000046;
	[dreg:$0x1] =	wrdreg $0xFFFFFFFF  }
0xa7: {  	s28 =	simm.s32 $_size_execute0_lowered;
	s3 =	sadd.s32 s3, s5;
	[dreg:$0x0] =	wrdreg $0x0  }
0xa8: {  	s5 =	sshll.u32 s28, $0x1;
	[dreg:$0x2] =	wrdreg s3  }
0xa9: {  	[dreg:$0x3] =	wrdreg s5  }
0xaa: {  	[dreg:$0x4] =	wrdreg $0xC0  }
0xab: {  	_ =	task [dreg:s7], $0x5FFFF  }
0xac: {  	[dreg:$0x1] =	wrdreg $0xFFFFFFFF  }
0xad: {  	[dreg:$0x0] =	wrdreg $0x60  }
0xae: {  	[dreg:$0x2] =	wrdreg s24  }
0xaf: {  	[dreg:$0x3] =	wrdreg s2  }
0xb0: {  	[dreg:$0x4] =	wrdreg $0x9  }
0xb1: {  	_ =	task.clear_ibuf [dreg:s7], $0x5FFFF;
	_ =	strace $0x90000046  }
0xb2: {  	s29 =	simm.s32 $0x9;
	_ =	strace $0x80000048  }
0xb3: {  	_ =	swait.ge [sflag:s29], $0x1  }
0xb4: {  	[sflag:s29] =	ssyncadd.s32 $0xFFFFFFFF  }
0xb5: {  	_ =	strace $0x90000048  }
0xb6: {  	_ =	sfence  }
0xb7: {  	s30 =	sld [smem:$0x0];
	_ =	sdelay $0x2  }
0xb8: {  	s31 =	sshll.u32 s1, $0xD;
	s1 =	sshrl.u32 s1, $0x2  }
0xb9: {  	s3 =	sand.u32 $0x4000, s31;
	s1 =	sadd.s32 s1, s30  }
0xba: {  	s0 =	sor.u32 s3, s0;
	s1 =	sshll.u32 s1, $0x11  }
0xbb: {  	s0 =	sor.u32 s1, s0  }
0xbc: {  	s0 =	sadd.s32 $0x8F2B, s0  }
0xbd: {  	[sflag:s0] =	ssyncadd.remote.s32 $0x1  }
0xbe: {  	_ =	sfence.sel $0xFFFF  }
0xbf: {  	[dreg:$0x0] =	wrdreg $0xFFFFFFFF;
	(pc) =	sbr.abs _section_cstart, $3  }
0xc0: {  	[dreg:$0x1] =	wrdreg $0xFFFFFFFF  }
0xc1: {  	_ =	task.clear_ibuf [dreg:s7], $0x2FFFF;
	_ =	strace $0x9FFFFFFF  }
0xc2: {  	(tm) =	ssettm $0x7FFFFFFF  }
0xc3: {  	_ =	shalt  }
tec
execute0_lowered:
.L_overlay_start_1:
0x0: {  	(tag) =	ssettag $0x1  }
0x1: {  	v8 =	vlaneseq.u32  }
0x2: {  	s0 =	rddreg [dreg:$0x0];
	s3 =	simm.s32 $0x0;
	v0 =	vmul.u32 $0xD0, v8  }
0x3: {  	[smem:$0x7FF] =	sst s3;
	v22 =	vmul.u32 $0x88, v8  }
0x4: {  	s25 =	rddreg [dreg:$0x1];
	_ =	strace $0x80000047;
	[tilespmem:$0x1FED0] =	vst v0  }
0x5: {  	v1 =	vadd.s32 $0xD00, v0;
	[tilespmem:$0x1FF00] =	vst v22  }
0x6: {  	v41 =	vadd.s32 $0x1A00, v0;
	[tilespmem:$0x1FD70] =	vst v1  }
0x7: {  	v42 =	vadd.s32 $0x2700, v0;
	[tilespmem:$0x1FD80] =	vst v41  }
0x8: {  	v43 =	vadd.s32 $0x3400, v0;
	[tilespmem:$0x1FD90] =	vst v42  }
0x9: {  	v44 =	vadd.s32 $0x4100, v0;
	[tilespmem:$0x1FDA0] =	vst v43  }
0xa: {  	v45 =	vadd.s32 $0x4E00, v0;
	[tilespmem:$0x1FDB0] =	vst v44  }
0xb: {  	v46 =	vadd.s32 $0x5B00, v0;
	[tilespmem:$0x1FDC0] =	vst v45  }
0xc: {  	v47 =	vor.u32 $0x1, v0;
	[tilespmem:$0x1FDD0] =	vst v46  }
0xd: {  	v48 =	vadd.s32 $0xD01, v0;
	[tilespmem:$0x1FDE0] =	vst v47  }
0xe: {  	v49 =	vadd.s32 $0x1A01, v0;
	[tilespmem:$0x1FDF0] =	vst v48  }
0xf: {  	v50 =	vadd.s32 $0x2701, v0;
	[tilespmem:$0x1FE00] =	vst v49  }
0x10: {  	v51 =	vadd.s32 $0x3401, v0;
	[tilespmem:$0x1FE10] =	vst v50  }
0x11: {  	v52 =	vadd.s32 $0x4101, v0;
	[tilespmem:$0x1FE20] =	vst v51  }
0x12: {  	v53 =	vadd.s32 $0x4E01, v0;
	[tilespmem:$0x1FE30] =	vst v52  }
0x13: {  	v54 =	vadd.s32 $0x5B01, v0;
	[tilespmem:$0x1FE40] =	vst v53  }
0x14: {  	v55 =	vor.u32 $0x2, v0;
	[tilespmem:$0x1FE50] =	vst v54  }
0x15: {  	v56 =	vadd.s32 $0xD02, v0;
	[tilespmem:$0x1FE60] =	vst v55  }
0x16: {  	v57 =	vadd.s32 $0x1A02, v0;
	[tilespmem:$0x1FE70] =	vst v56  }
0x17: {  	v58 =	vadd.s32 $0x2702, v0;
	[tilespmem:$0x1FE80] =	vst v57  }
0x18: {  	v59 =	vadd.s32 $0x3402, v0;
	[tilespmem:$0x1FE90] =	vst v58  }
0x19: {  	v60 =	vadd.s32 $0x4102, v0;
	[tilespmem:$0x1FEA0] =	vst v59  }
0x1a: {  	v61 =	vadd.s32 $0x4E02, v0;
	[tilespmem:$0x1FEB0] =	vst v60  }
0x1b: {  	v0 =	vadd.s32 $0x5B02, v0;
	[tilespmem:$0x1FEC0] =	vst v61  }
0x1c: {  	v63 =	vadd.s32 $0x880, v22;
	[tilespmem:$0x1FEE0] =	vst v0  }
0x1d: {  	v27 =	vor.u32 $0x1, v22;
	[tilespmem:$0x1FEF0] =	vst v63  }
0x1e: {  	v28 =	vadd.s32 $0x881, v22;
	[tilespmem:$0x1FF10] =	vst v27  }
0x1f: {  	v29 =	vor.u32 $0x2, v22;
	[tilespmem:$0x1FF20] =	vst v28  }
0x20: {  	s1 =	srdreg.scid;
	s2 =	stileid.u32;
	s20 =	simm.s32 $0x1;
	v30 =	vadd.s32 $0x882, v22;
	[tilespmem:$0x1FF30] =	vst v29  }
0x21: {  	s21 =	simm.s32 $0xAA00;
	s29 =	simm.s32 $0x2;
	s30 =	simm.s32 $0x6;
	v31 =	vor.u32 $0x3, v22;
	[tilespmem:$0x1FF40] =	vst v30  }
0x22: {  	s28 =	simm.s32 $0xC6B0;
	s31 =	simm.s32 $0xC738;
	s14 =	simm.s32 $0xC8D0;
	v26 =	vadd.s32 $0x883, v22;
	[tilespmem:$0x1FF50] =	vst v31  }
0x23: {  	s15 =	simm.s32 $0xC958;
	s16 =	simm.s32 $0xC9E0;
	s17 =	simm.s32 $0xCA68;
	v32 =	vor.u32 $0x4, v22;
	[tilespmem:$0x1FF60] =	vst v26  }
0x24: {  	v62 =	vimm.s32 $0x0;
	vm0 =	vcmask $0x300;
	s9 =	simm.s32 $0xCAF0;
	s10 =	simm.s32 $0xCB78;
	s12 =	simm.s32 $0x3;
	v33 =	vadd.s32 $0x884, v22;
	[tilespmem:$0x1FF70] =	vst v32  }
0x25: {  	s13 =	simm.s32 $0x5;
	s18 =	simm.s32 $0x4;
	s7 =	simm.s32 $0x0;
	v25 =	vsel vm0, $0x3, v62;
	v34 =	vor.u32 $0x5, v22;
	[tilespmem:$0x1FF80] =	vst v33  }
0x26: {  	s1 =	sand.u32 $0x1, s1;
	s2 =	sshll.u32 s2, $0x1;
	s4 =	sadd.s32 $0xF42A00, s0;
	v35 =	vadd.s32 $0x885, v22;
	v36 =	vor.u32 $0x6, v22;
	v38 =	vor.u32 $0x7, v22;
	[tilespmem:$0x1FF90] =	vst v34  }
0x27: {  	s23 =	sadd.s32 $0x4000, s25;
	s24 =	sadd.s32 $0x8000, s25;
	s2 =	sor.u32 s1, s2;
	v39 =	vadd.s32 $0x887, v22;
	v40 =	vadd.s32 $0x1100, v22;
	v41 =	vadd.s32 $0x886, v22;
	[tilespmem:$0x1FFA0] =	vst v35  }
0x28: {  	s1 =	ssub.s32 $0x2, s1;
	[dreg:$0x3] =	wrdreg s23;
	s5 =	smul.u32 $0xC80, s2;
	v42 =	vadd.s32 $0x1980, v22;
	v43 =	vadd.s32 $0x1101, v22;
	v44 =	vadd.s32 $0x1981, v22;
	[tilespmem:$0x1FFB0] =	vst v36  }
0x29: {  	[dreg:$0x4] =	wrdreg s24;
	s24 =	simm.s32 $0xAA88;
	s22 =	sshrl.u32 s1, $0x1;
	v45 =	vadd.s32 $0x1102, v22;
	v46 =	vadd.s32 $0x1982, v22;
	v47 =	vadd.s32 $0x1103, v22;
	[tilespmem:$0x1FFD0] =	vst v38  }
0x2a: {  	s6 =	sshll.u32 s2, $0xA;
	s1 =	ssub.s32 s1, s22;
	v48 =	vadd.s32 $0x1983, v22;
	v49 =	vadd.s32 $0x1104, v22;
	v50 =	vadd.s32 $0x1984, v22;
	[tilespmem:$0x1FFE0] =	vst v39;
	s0 =	sadd.s32 s5, s0  }
0x2b: {  	v51 =	vadd.s32 $0x1105, v22;
	v52 =	vadd.s32 $0x1985, v22;
	v53 =	vadd.s32 $0x1106, v22;
	[tilespmem:$0x1FFF0] =	vst v40;
	s26 =	smax.u32 s1, $0x1;
	s1 =	simm.s32 $0xC7C0;
	s5 =	sadd.s32 $0x600, s0  }
0x2c: {  	v54 =	vadd.s32 $0x1986, v22;
	v55 =	vadd.s32 $0x1107, v22;
	v56 =	vadd.s32 $0x1987, v22;
	[tilespmem:$0x1FFC0] =	vst v41;
	[dreg:$0x5] =	wrdreg s26;
	s26 =	simm.s32 $0xC628;
	s0 =	simm.s32 $0xC848  }
.LBB2_1:
0x2d: {  	[dreg:$0x6] =	wrdreg s7;
	s2 =	simm.s32 $0x19  }
0x2e: {  	s11 =	sadd.s32 $0x0, s5;
	s7 =	simm.s32 $0xD0;
	s8 =	simm.s32 $0x0  }
.LBB2_2:
0x2f: {  	[tilespmem:s8], [sflag:$0x7] =	stream.linear.gather [hbm4b:s11+s3], $0xC8, $0x38;
	[tilespmem:$0xCC00] =	vst v63  }
0x30: {  	s11 =	smov.u32 s2;
	s8 =	smov.u32 s7;
	p0 =	sne.s32 s2, $0xC67  }
.Ltmp0:
0x31: {  	s2 =	sadd.s32 $0x19, s2;
	(pc) =	sbr.rel @p0 .LBB2_2-.Ltmp0, $2  }
0x32: {  	_ =	sdelay $0x2  }
0x33: {  	s7 =	sadd.s32 $0xD0, s7;
	s11 =	sadd.s32 s11, s5  }
0x34: {  	[tilespmem:s8], [sflag:$0x7] =	stream.linear.gather [hbm4b:s11+s3], $0xC8, $0x38;
	[tilespmem:$0xCC00] =	vst v63  }
0x35: {  	s2 =	simm.s32 $0x7  }
0x36: {  	_ =	swait.ge [sflag:s2], $0x6400  }
0x37: {  	v0 =	vld [tilespmem:$0x1FED0];
	_ =	sdelay $0x5  }
0x38: {  	[sflag:s2] =	ssyncset.done $0x0;
	v5 =	vld [tilespmem:$0x1FD70]  }
0x39: {  	s22 =	simm.s32 $0x0;
	[sflag:s2] =	ssyncadd.s32 $0xFFFF9C00  }
0x3a: {  	v8 =	vld.idx.msk [tilespmem:v0+s22+$0x0], $0xffff;
	_ =	sdelay $0x3  }
0x3b: {  	v6 =	vld [tilespmem:$0x1FD80]  }
0x3c: {  	[tilespmem:$0x6800] =	vst v8  }
0x3d: {  	v8 =	vld.idx.msk [tilespmem:v5+s22+$0x0], $0xffff;
	_ =	sdelay $0x3  }
0x3e: {  	v7 =	vld [tilespmem:$0x1FD90]  }
0x3f: {  	[tilespmem:$0x6810] =	vst v8  }
0x40: {  	v8 =	vld.idx.msk [tilespmem:v6+s22+$0x0], $0xffff;
	_ =	sdelay $0x4  }
0x41: {  	[tilespmem:$0x6820] =	vst v8  }
0x42: {  	v8 =	vld.idx.msk [tilespmem:v7+s22+$0x0], $0xffff;
	_ =	sdelay $0x4  }
0x43: {  	[tilespmem:$0x6830] =	vst v8;
	v8 =	vld [tilespmem:$0x1FDA0];
	_ =	sdelay $0x5  }
0x44: {  	v9 =	vld [tilespmem:$0x1FDB0];
	_ =	sdelay $0x1  }
0x45: {  	v8 =	vld.idx.msk [tilespmem:v8+s22+$0x0], $0xffff;
	_ =	sdelay $0x3  }
0x46: {  	v10 =	vld [tilespmem:$0x1FDC0]  }
0x47: {  	[tilespmem:$0x6840] =	vst v8  }
0x48: {  	v8 =	vld.idx.msk [tilespmem:v9+s22+$0x0], $0xffff;
	_ =	sdelay $0x3  }
0x49: {  	v11 =	vld [tilespmem:$0x1FDD0]  }
0x4a: {  	[tilespmem:$0x6850] =	vst v8  }
0x4b: {  	v8 =	vld.idx.msk [tilespmem:v10+s22+$0x0], $0xffff;
	_ =	sdelay $0x4  }
0x4c: {  	v12 =	vld [tilespmem:$0x1FDE0];
	[tilespmem:$0x6860] =	vst v8  }
0x4d: {  	v8 =	vld.idx.msk [tilespmem:v11+s22+$0x0], $0xffff;
	_ =	sdelay $0x4  }
0x4e: {  	s7 =	simm.s32 $0x6800;
	s23 =	simm.s32 $0x6A00;
	v13 =	vld [tilespmem:$0x1FDF0];
	s2 =	simm.s32 $0x80;
	[tilespmem:$0x6870] =	vst v8  }
0x4f: {  	[tilespmem:s23], [sflag:$0x1] =	stream.indirect.gather [hbm4b:s4+s2], $0x20, s7, s2, $0xb8;
	[tilespmem:$0xCC00] =	vst v63  }
0x50: {  	v8 =	vld.idx.msk [tilespmem:v12+s22+$0x0], $0xffff;
	_ =	sdelay $0x3  }
0x51: {  	v14 =	vld [tilespmem:$0x1FE00]  }
0x52: {  	[tilespmem:$0x6880] =	vst v8  }
0x53: {  	v8 =	vld.idx.msk [tilespmem:v13+s22+$0x0], $0xffff;
	_ =	sdelay $0x3  }
0x54: {  	v15 =	vld [tilespmem:$0x1FE10]  }
0x55: {  	[tilespmem:$0x6890] =	vst v8  }
0x56: {  	v8 =	vld.idx.msk [tilespmem:v14+s22+$0x0], $0xffff;
	_ =	sdelay $0x3  }
0x57: {  	v16 =	vld [tilespmem:$0x1FE20]  }
0x58: {  	[tilespmem:$0x68A0] =	vst v8  }
0x59: {  	v8 =	vld.idx.msk [tilespmem:v15+s22+$0x0], $0xffff;
	_ =	sdelay $0x3  }
0x5a: {  	v17 =	vld [tilespmem:$0x1FE30]  }
0x5b: {  	[tilespmem:$0x68B0] =	vst v8  }
0x5c: {  	v8 =	vld.idx.msk [tilespmem:v16+s22+$0x0], $0xffff;
	_ =	sdelay $0x3  }
0x5d: {  	v18 =	vld [tilespmem:$0x1FE40]  }
0x5e: {  	[tilespmem:$0x68C0] =	vst v8  }
0x5f: {  	v8 =	vld.idx.msk [tilespmem:v17+s22+$0x0], $0xffff;
	_ =	sdelay $0x3  }
0x60: {  	v19 =	vld [tilespmem:$0x1FE50]  }
0x61: {  	[tilespmem:$0x68D0] =	vst v8  }
0x62: {  	v8 =	vld.idx.msk [tilespmem:v18+s22+$0x0], $0xffff;
	_ =	sdelay $0x4  }
0x63: {  	v37 =	vld [tilespmem:$0x1FE60];
	[tilespmem:$0x68E0] =	vst v8  }
0x64: {  	v8 =	vld.idx.msk [tilespmem:v19+s22+$0x0], $0xffff;
	_ =	sdelay $0x4  }
0x65: {  	s8 =	simm.s32 $0x6880;
	s19 =	simm.s32 $0x7A00;
	v57 =	vld [tilespmem:$0x1FE70];
	[tilespmem:$0x68F0] =	vst v8  }
0x66: {  	[tilespmem:s19], [sflag:$0x2] =	stream.indirect.gather [hbm4b:s4+s2], $0x20, s8, s2, $0xb8;
	[tilespmem:$0xCC00] =	vst v63  }
0x67: {  	v8 =	vld.idx.msk [tilespmem:v37+s22+$0x0], $0xffff;
	_ =	sdelay $0x3  }
0x68: {  	v58 =	vld [tilespmem:$0x1FE80]  }
0x69: {  	[tilespmem:$0x6900] =	vst v8  }
0x6a: {  	v8 =	vld.idx.msk [tilespmem:v57+s22+$0x0], $0xffff;
	_ =	sdelay $0x3  }
0x6b: {  	v59 =	vld [tilespmem:$0x1FE90]  }
0x6c: {  	[tilespmem:$0x6910] =	vst v8  }
0x6d: {  	v8 =	vld.idx.msk [tilespmem:v58+s22+$0x0], $0xffff;
	_ =	sdelay $0x3  }
0x6e: {  	v60 =	vld [tilespmem:$0x1FEA0]  }
0x6f: {  	[tilespmem:$0x6920] =	vst v8  }
0x70: {  	v8 =	vld.idx.msk [tilespmem:v59+s22+$0x0], $0xffff;
	_ =	sdelay $0x3  }
0x71: {  	v61 =	vld [tilespmem:$0x1FEB0]  }
0x72: {  	[tilespmem:$0x6930] =	vst v8  }
0x73: {  	v8 =	vld.idx.msk [tilespmem:v60+s22+$0x0], $0xffff;
	_ =	sdelay $0x3  }
0x74: {  	v62 =	vld [tilespmem:$0x1FEC0]  }
0x75: {  	[tilespmem:$0x6940] =	vst v8  }
0x76: {  	v8 =	vld.idx.msk [tilespmem:v61+s22+$0x0], $0xffff;
	_ =	sdelay $0x3  }
0x77: {  	v63 =	vld [tilespmem:$0x1FEE0]  }
0x78: {  	[tilespmem:$0x6950] =	vst v8  }
0x79: {  	v8 =	vld.idx.msk [tilespmem:v62+s22+$0x0], $0xffff;
	_ =	sdelay $0x4  }
0x7a: {  	[tilespmem:$0x6960] =	vst v8  }
0x7b: {  	v8 =	vld.idx.msk [tilespmem:v63+s22+$0x0], $0xffff;
	_ =	sdelay $0x4  }
0x7c: {  	s23 =	simm.s32 $0x8A00;
	s19 =	simm.s32 $0x0;
	s22 =	simm.s32 $0x6900;
	[tilespmem:$0x6970] =	vst v8  }
0x7d: {  	[tilespmem:s23], [sflag:$0x3] =	stream.indirect.gather [hbm4b:s4+s2], $0x20, s22, s2, $0xb8;
	[tilespmem:$0xCC00] =	vst v63  }
.LBB2_4:
0x7e: {  	v0 =	vld [tilespmem:$0x1FED0];
	_ =	sdelay $0x1  }
0x7f: {  	s11 =	sshllo.u32 s19, $0x2  }
0x80: {  	v8 =	vmov s11  }
0x81: {  	v8 =	vand.u32 $0xFF, v8  }
0x82: {  	v9 =	vadd.s32 v0, v8  }
0x83: {  	v0 =	vld [tilespmem:$0x1FD70];
	_ =	sdelay $0x3  }
0x84: {  	v9 =	vld.idx.msk [tilespmem:v9+s3+$0x0], $0xffff  }
0x85: {  	v10 =	vadd.s32 v0, v8  }
0x86: {  	v0 =	vld [tilespmem:$0x1FD80];
	_ =	sdelay $0x2  }
0x87: {  	[tilespmem:$0x6980] =	vst v9  }
0x88: {  	v9 =	vld.idx.msk [tilespmem:v10+s3+$0x0], $0xffff  }
0x89: {  	v10 =	vadd.s32 v0, v8  }
0x8a: {  	v0 =	vld [tilespmem:$0x1FD90];
	_ =	sdelay $0x2  }
0x8b: {  	[tilespmem:$0x6990] =	vst v9  }
0x8c: {  	v9 =	vld.idx.msk [tilespmem:v10+s3+$0x0], $0xffff  }
0x8d: {  	v10 =	vadd.s32 v0, v8  }
0x8e: {  	v0 =	vld [tilespmem:$0x1FDA0];
	_ =	sdelay $0x2  }
0x8f: {  	[tilespmem:$0x69A0] =	vst v9  }
0x90: {  	v9 =	vld.idx.msk [tilespmem:v10+s3+$0x0], $0xffff  }
0x91: {  	v10 =	vadd.s32 v0, v8  }
0x92: {  	v0 =	vld [tilespmem:$0x1FDB0];
	_ =	sdelay $0x2  }
0x93: {  	[tilespmem:$0x69B0] =	vst v9  }
0x94: {  	v9 =	vld.idx.msk [tilespmem:v10+s3+$0x0], $0xffff  }
0x95: {  	v10 =	vadd.s32 v0, v8  }
0x96: {  	v0 =	vld [tilespmem:$0x1FDC0];
	_ =	sdelay $0x2  }
0x97: {  	[tilespmem:$0x69C0] =	vst v9  }
0x98: {  	v9 =	vld.idx.msk [tilespmem:v10+s3+$0x0], $0xffff  }
0x99: {  	v10 =	vadd.s32 v0, v8  }
0x9a: {  	v0 =	vld [tilespmem:$0x1FDD0];
	_ =	sdelay $0x2  }
0x9b: {  	[tilespmem:$0x69D0] =	vst v9  }
0x9c: {  	v9 =	vld.idx.msk [tilespmem:v10+s3+$0x0], $0xffff  }
0x9d: {  	v8 =	vadd.s32 v0, v8;
	_ =	sdelay $0x3  }
0x9e: {  	[tilespmem:$0x69E0] =	vst v9  }
0x9f: {  	v8 =	vld.idx.msk [tilespmem:v8+s3+$0x0], $0xffff;
	_ =	sdelay $0x3  }
0xa0: {  	s2 =	simm.s32 $0x80;
	s7 =	simm.s32 $0x6980;
	s22 =	simm.s32 $0x2  }
0xa1: {  	s8 =	simm.s32 $0x9A00;
	s23 =	simm.s32 $0x3;
	v10 =	vmov s22;
	s22 =	simm.s32 $0x7;
	[tilespmem:$0x69F0] =	vst v8  }
0xa2: {  	[tilespmem:s8], [sflag:$0x4] =	stream.indirect.gather [hbm4b:s4+s2], $0x20, s7, s2, $0xb8;
	[tilespmem:$0xCC00] =	vst v63  }
0xa3: {  	v11 =	vmov s23;
	v13 =	vmov s22;
	_ =	swait.ge [sflag:s20], $0x1000  }
0xa4: {  	p0 =	seq.s32 s19, $0x0;
	v11 =	vshrl.u32 v11, $0x3;
	v13 =	vshrl.u32 v13, $0x3;
	s7 =	simm.s32 $0x0;
	[sflag:s20] =	ssyncset.done $0x0  }
0xa5: {  	v10 =	vshrl.u32 v10, $0x3;
	v13 =	vshll.u32 v13, v25;
	s8 =	simm.s32 $0x1;
	v8 =	vmov s7;
	s7 =	simm.s32 @!p0 $0x5;
	[sflag:s20] =	ssyncadd.s32 $0xFFFFF000  }
0xa6: {  	v13 =	vbroadcast v13, $0x0;
	v9 =	vmov s8;
	s8 =	simm.s32 $0x4;
	v8 =	vshrl.u32 v8, $0x3;
	_ =	swait.ge @!p0 [sflag:s7], $0x1000  }
0xa7: {  	v12 =	vmov s8;
	v9 =	vshrl.u32 v9, $0x3;
	v8 =	vshll.u32 v8, v25;
	[sflag:s7] =	ssyncset.done @!p0 $0x0  }
0xa8: {  	v12 =	vshrl.u32 v12, $0x3;
	v57 =	vbroadcast v8, $0x0;
	v8 =	vshll.u32 v9, v25;
	[sflag:s7] =	ssyncadd.s32 @!p0 $0xFFFFF000;
	s7 =	simm.s32 $0x6A80  }
0xa9: {  	v16 =	vbroadcast v8, $0x0;
	v8 =	vshll.u32 v10, v25;
	v10 =	vadd.s32 v38, v13;
	v9 =	vld [tilespmem:s7+$0x60]  }
0xaa: {  	v18 =	vadd.s32 v22, v57;
	v21 =	vbroadcast v8, $0x0;
	v8 =	vshll.u32 v11, v25;
	v17 =	vld [tilespmem:s7+$0xFFFFFF80]  }
0xab: {  	s23 =	simm.s32 $0x5;
	v11 =	vld [tilespmem:s7+$0xFFFFFFA0];
	v19 =	vadd.s32 v27, v16;
	v61 =	vbroadcast v8, $0x0;
	v8 =	vshll.u32 v12, v25  }
0xac: {  	v14 =	vmov s23;
	s22 =	simm.s32 $0x6;
	v58 =	vld [tilespmem:s7+$0xFFFFFFC0];
	v59 =	vadd.s32 v29, v21;
	v60 =	vbroadcast v8, $0x0  }
0xad: {  	v15 =	vmov s22;
	v24 =	vld [tilespmem:s7+$0xFFFFFFE0];
	v8 =	vshrl.u32 v14, $0x3;
	v1 =	vadd.s32 v31, v61  }
0xae: {  	v12 =	vshrl.u32 v15, $0x3;
	v2 =	vld [tilespmem:s7+$0x0];
	v8 =	vshll.u32 v8, v25;
	v3 =	vadd.s32 v32, v60;
	[tilespmem:v10+s21+$0x0] =	vst.idx.msk $0xffff, v9  }
0xaf: {  	s23 =	simm.s32 $0x8;
	v62 =	vbroadcast v8, $0x0;
	v8 =	vshll.u32 v12, v25;
	[tilespmem:v18+s21+$0x0] =	vst.idx.msk $0xffff, v17;
	v9 =	vadd.s32 v39, v13;
	v13 =	vld [tilespmem:s7+$0x40]  }
0xb0: {  	s8 =	simm.s32 $0x9;
	v63 =	vbroadcast v8, $0x0;
	v10 =	vmov s23;
	[tilespmem:v19+s21+$0x0] =	vst.idx.msk $0xffff, v11;
	v8 =	vld [tilespmem:s7+$0x70]  }
0xb1: {  	s22 =	simm.s32 $0xA;
	v20 =	vmov s8;
	s8 =	simm.s32 $0xC;
	v11 =	vadd.s32 v34, v62;
	v18 =	vshrl.u32 v10, $0x3;
	v10 =	vld [tilespmem:s7+$0x20];
	[tilespmem:v59+s21+$0x0] =	vst.idx.msk $0xffff, v58  }
0xb2: {  	v23 =	vmov s22;
	v15 =	vmov s8;
	s23 =	simm.s32 $0xB;
	v14 =	vadd.s32 v36, v63;
	v17 =	vld [tilespmem:s7+$0xFFFFFFB0];
	[tilespmem:v1+s21+$0x0] =	vst.idx.msk $0xffff, v24  }
0xb3: {  	s22 =	simm.s32 $0xD;
	v19 =	vadd.s32 v28, v16;
	v12 =	vmov s23;
	s23 =	simm.s32 $0xE;
	v16 =	vshll.u32 v18, v25;
	v18 =	vld [tilespmem:s7+$0xFFFFFFD0];
	[tilespmem:v3+s21+$0x0] =	vst.idx.msk $0xffff, v2  }
0xb4: {  	s2 =	sshll.u32 s19, $0x2;
	s8 =	simm.s32 $0x10;
	v21 =	vadd.s32 v30, v21;
	v58 =	vmov s22;
	s22 =	simm.s32 $0xF;
	v59 =	vmov s23;
	v0 =	vld [tilespmem:$0x1FEF0]  }
.LBB2_5:
0xb5: {  	p1 =	slt.u32 s8, $0x78;
	v1 =	vshrl.u32 v20, $0x3;
	v2 =	vmov s22;
	v3 =	vld [tilespmem:s7+$0xFFFFFFF0];
	v20 =	vadd.s32 v26, v61;
	[tilespmem:v9+s21+$0x0] =	vst.idx.msk $0xffff, v8  }
0xb6: {  	v8 =	vshrl.u32 v23, $0x3;
	v23 =	vadd.s32 v33, v60;
	v2 =	vshrl.u32 v2, $0x3;
	v9 =	vld [tilespmem:s7+$0x10];
	[tilespmem:v11+s21+$0x0] =	vst.idx.msk $0xffff, v10  }
0xb7: {  	v10 =	vshrl.u32 v12, $0x3;
	v12 =	vadd.s32 v35, v62;
	v2 =	vshll.u32 v2, v25;
	v11 =	vld [tilespmem:s7+$0x30];
	[tilespmem:v14+s21+$0x0] =	vst.idx.msk $0xffff, v13  }
0xb8: {  	v13 =	vshrl.u32 v15, $0x3;
	v15 =	vadd.s32 v41, v63;
	v2 =	vbroadcast v2, $0x0;
	[tilespmem:v19+s21+$0x0] =	vst.idx.msk $0xffff, v17;
	v14 =	vld [tilespmem:s7+$0x50]  }
0xb9: {  	v1 =	vshll.u32 v1, v25;
	v19 =	vadd.s32 v0, v57;
	v57 =	vbroadcast v16, $0x0;
	v17 =	vld [tilespmem:s7+$0xFFFFFF90];
	[tilespmem:v21+s21+$0x0] =	vst.idx.msk $0xffff, v18;
	s7 =	sadd.s32 $0x100, s7  }
0xba: {  	v8 =	vshll.u32 v8, v25;
	v1 =	vbroadcast v1, $0x0;
	v16 =	vld [tilespmem:s7+$0x60];
	v18 =	vadd.s32 v38, v2;
	[tilespmem:v20+s21+$0x0] =	vst.idx.msk $0xffff, v3  }
0xbb: {  	v21 =	vbroadcast v8, $0x0;
	v8 =	vshll.u32 v10, v25;
	v20 =	vadd.s32 v22, v57;
	v3 =	vld [tilespmem:s7+$0xFFFFFF80];
	[tilespmem:v23+s21+$0x0] =	vst.idx.msk $0xffff, v9  }
0xbc: {  	v61 =	vbroadcast v8, $0x0;
	v8 =	vshll.u32 v13, v25;
	v23 =	vadd.s32 v27, v1;
	v10 =	vld [tilespmem:s7+$0xFFFFFFA0];
	[tilespmem:v12+s21+$0x0] =	vst.idx.msk $0xffff, v11  }
0xbd: {  	v24 =	vadd.s32 v29, v21;
	v60 =	vbroadcast v8, $0x0;
	v8 =	vshrl.u32 v58, $0x3;
	v13 =	vld [tilespmem:s7+$0xFFFFFFC0];
	[tilespmem:v15+s21+$0x0] =	vst.idx.msk $0xffff, v14  }
0xbe: {  	v9 =	vshrl.u32 v59, $0x3;
	v5 =	vadd.s32 v31, v61;
	v8 =	vshll.u32 v8, v25;
	v4 =	vld [tilespmem:s7+$0xFFFFFFE0];
	[tilespmem:v19+s21+$0x0] =	vst.idx.msk $0xffff, v17  }
0xbf: {  	v7 =	vadd.s32 v32, v60;
	v62 =	vbroadcast v8, $0x0;
	v8 =	vshll.u32 v9, v25;
	v6 =	vld [tilespmem:s7+$0x0];
	[tilespmem:v18+s21+$0x0] =	vst.idx.msk $0xffff, v16  }
.Ltmp1:
0xc0: {  	s22 =	sadd.s32 $0x1, s8;
	v11 =	vmov s8;
	v9 =	vadd.s32 v39, v2;
	v63 =	vbroadcast v8, $0x0;
	[tilespmem:v20+s21+$0x0] =	vst.idx.msk $0xffff, v3;
	v8 =	vld [tilespmem:s7+$0x70];
	(pc) =	sbr.rel @p1 .LBB2_5-.Ltmp1, $4  }
0xc1: {  	s23 =	sadd.s32 $0x3, s8;
	v2 =	vshrl.u32 v11, $0x3;
	v11 =	vadd.s32 v34, v62;
	v20 =	vmov s22;
	s22 =	sadd.s32 $0x2, s8;
	[tilespmem:v23+s21+$0x0] =	vst.idx.msk $0xffff, v10;
	v10 =	vld [tilespmem:s7+$0x20]  }
0xc2: {  	v12 =	vmov s23;
	s23 =	sadd.s32 $0x5, s8;
	v14 =	vadd.s32 v36, v63;
	v23 =	vmov s22;
	s22 =	sadd.s32 $0x4, s8;
	[tilespmem:v24+s21+$0x0] =	vst.idx.msk $0xffff, v13;
	v13 =	vld [tilespmem:s7+$0x40]  }
0xc3: {  	v58 =	vmov s23;
	v19 =	vadd.s32 v28, v1;
	v15 =	vmov s22;
	s22 =	sadd.s32 $0x6, s8;
	v17 =	vld [tilespmem:s7+$0xFFFFFFB0];
	[tilespmem:v5+s21+$0x0] =	vst.idx.msk $0xffff, v4  }
0xc4: {  	v21 =	vadd.s32 v30, v21;
	v16 =	vshll.u32 v2, v25;
	v59 =	vmov s22;
	s22 =	sadd.s32 $0x7, s8;
	s8 =	sadd.s32 $0x8, s8;
	v18 =	vld [tilespmem:s7+$0xFFFFFFD0];
	[tilespmem:v7+s21+$0x0] =	vst.idx.msk $0xffff, v6  }
0xc5: {  	_ =	sdelay $0x2  }
0xc6: {  	v1 =	vshrl.u32 v20, $0x3  }
0xc7: {  	v2 =	vmov s22;
	v3 =	vld [tilespmem:s7+$0xFFFFFFF0];
	v4 =	vadd.s32 v26, v61;
	[tilespmem:v9+s21+$0x0] =	vst.idx.msk $0xffff, v8;
	v5 =	vshrl.u32 v23, $0x3  }
0xc8: {  	v6 =	vld [tilespmem:s7+$0x10];
	v7 =	vadd.s32 v33, v60;
	v8 =	vshrl.u32 v12, $0x3;
	v37 =	vshrl.u32 v15, $0x3;
	[tilespmem:v11+s21+$0x0] =	vst.idx.msk $0xffff, v10  }
0xc9: {  	v23 =	vadd.s32 v41, v63;
	v60 =	vld [tilespmem:s7+$0xFFFFFF90];
	v61 =	vadd.s32 v0, v57;
	v2 =	vshrl.u32 v2, $0x3;
	[tilespmem:v14+s21+$0x0] =	vst.idx.msk $0xffff, v13  }
0xca: {  	v10 =	vadd.s32 v35, v62;
	v8 =	vshll.u32 v8, v25;
	v9 =	vld [tilespmem:s7+$0x30];
	v14 =	vbroadcast v16, $0x0;
	[tilespmem:v19+s21+$0x0] =	vst.idx.msk $0xffff, v17  }
0xcb: {  	s8 =	sadd.s32 $0x100, s7;
	v1 =	vshll.u32 v1, v25;
	v2 =	vshll.u32 v2, v25;
	v8 =	vbroadcast v8, $0x0;
	v12 =	vld [tilespmem:s7+$0x50];
	[tilespmem:v21+s21+$0x0] =	vst.idx.msk $0xffff, v18  }
0xcc: {  	v62 =	vld [tilespmem:s8+$0xFFFFFF80];
	v11 =	vshll.u32 v37, v25;
	v2 =	vbroadcast v2, $0x0;
	v63 =	vadd.s32 v22, v14;
	[tilespmem:v4+s21+$0x0] =	vst.idx.msk $0xffff, v3  }
0xcd: {  	v37 =	vshrl.u32 v58, $0x3;
	v57 =	vld [tilespmem:s8+$0xFFFFFFE0];
	v1 =	vbroadcast v1, $0x0;
	v58 =	vadd.s32 v31, v8;
	[tilespmem:v7+s21+$0x0] =	vst.idx.msk $0xffff, v6  }
0xce: {  	v5 =	vshll.u32 v5, v25;
	v11 =	vbroadcast v11, $0x0;
	v17 =	vld [tilespmem:s8+$0x60];
	v18 =	vadd.s32 v38, v2;
	[tilespmem:v61+s21+$0x0] =	vst.idx.msk $0xffff, v60  }
0xcf: {  	v5 =	vbroadcast v5, $0x0;
	v19 =	vshll.u32 v37, v25;
	v6 =	vld [tilespmem:s8+$0xFFFFFFA0];
	v7 =	vadd.s32 v27, v1;
	[tilespmem:v10+s21+$0x0] =	vst.idx.msk $0xffff, v9  }
0xd0: {  	v59 =	vshrl.u32 v59, $0x3;
	v19 =	vbroadcast v19, $0x0;
	v60 =	vld [tilespmem:s8+$0x0];
	v61 =	vadd.s32 v32, v11;
	[tilespmem:v23+s21+$0x0] =	vst.idx.msk $0xffff, v12  }
0xd1: {  	v20 =	vshll.u32 v59, v25;
	v9 =	vld [tilespmem:s8+$0xFFFFFFC0];
	v10 =	vadd.s32 v29, v5;
	[tilespmem:v63+s21+$0x0] =	vst.idx.msk $0xffff, v62  }
0xd2: {  	v21 =	vadd.s32 v34, v19;
	v62 =	vbroadcast v20, $0x0;
	v20 =	vld [tilespmem:s8+$0x20];
	[tilespmem:v58+s21+$0x0] =	vst.idx.msk $0xffff, v57  }
0xd3: {  	v8 =	vadd.s32 v26, v8;
	[tilespmem:v18+s21+$0x0] =	vst.idx.msk $0xffff, v17;
	v13 =	vld [tilespmem:s8+$0xFFFFFFF0]  }
0xd4: {  	v2 =	vadd.s32 v39, v2;
	[tilespmem:v7+s21+$0x0] =	vst.idx.msk $0xffff, v6;
	v63 =	vld [tilespmem:s8+$0x70]  }
0xd5: {  	v22 =	vld [tilespmem:s8+$0x40];
	[tilespmem:v61+s21+$0x0] =	vst.idx.msk $0xffff, v60;
	v23 =	vadd.s32 v36, v62  }
0xd6: {  	v1 =	vadd.s32 v28, v1;
	v37 =	vld [tilespmem:s8+$0xFFFFFFB0];
	[tilespmem:v10+s21+$0x0] =	vst.idx.msk $0xffff, v9  }
0xd7: {  	v59 =	vadd.s32 v33, v11;
	v58 =	vld [tilespmem:s8+$0x10];
	[tilespmem:v21+s21+$0x0] =	vst.idx.msk $0xffff, v20  }
0xd8: {  	v5 =	vadd.s32 v30, v5;
	v57 =	vld [tilespmem:s8+$0xFFFFFFD0];
	[tilespmem:v8+s21+$0x0] =	vst.idx.msk $0xffff, v13  }
0xd9: {  	v60 =	vadd.s32 v35, v19;
	v6 =	vld [tilespmem:s8+$0x30];
	[tilespmem:v2+s21+$0x0] =	vst.idx.msk $0xffff, v63  }
0xda: {  	v3 =	vadd.s32 v41, v62;
	v62 =	vld [tilespmem:s8+$0xFFFFFF90];
	[tilespmem:v23+s21+$0x0] =	vst.idx.msk $0xffff, v22;
	v63 =	vadd.s32 v0, v14  }
0xdb: {  	[tilespmem:v1+s21+$0x0] =	vst.idx.msk $0xffff, v37;
	v61 =	vld [tilespmem:s8+$0x50]  }
0xdc: {  	[tilespmem:v59+s21+$0x0] =	vst.idx.msk $0xffff, v58  }
0xdd: {  	s22 =	sshll.u32 s19, $0x13;
	[tilespmem:v5+s21+$0x0] =	vst.idx.msk $0xffff, v57  }
0xde: {  	s7 =	sor.u32 s6, s22;
	[tilespmem:v60+s21+$0x0] =	vst.idx.msk $0xffff, v6  }
0xdf: {  	s7 =	sshrl.u32 s7, $0x3;
	[tilespmem:v63+s21+$0x0] =	vst.idx.msk $0xffff, v62  }
0xe0: {  	s8 =	sadd.s32 s25, s7;
	[tilespmem:v3+s21+$0x0] =	vst.idx.msk $0xffff, v61  }
0xe1: {  	[hbm4b:s8+s3] =	stream.linear.scatter [tilespmem:s21], [sflag:$0x5], $0x80, $0x38;
	[tilespmem:$0xCC00] =	vst v63  }
0xe2: {  	s23 =	sadd.s32 $0x10, s8  }
0xe3: {  	[hbm4b:s23+s3] =	stream.linear.scatter [tilespmem:s24], [sflag:$0x5], $0x80, $0x38;
	[tilespmem:$0xCC00] =	vst v63  }
0xe4: {  	s24 =	sadd.s32 $0x20, s8;
	s23 =	simm.s32 $0xAB10  }
0xe5: {  	[hbm4b:s24+s3] =	stream.linear.scatter [tilespmem:s23], [sflag:$0x5], $0x80, $0x38;
	[tilespmem:$0xCC00] =	vst v63  }
0xe6: {  	s23 =	sadd.s32 $0x30, s8;
	s24 =	simm.s32 $0xAB98  }
0xe7: {  	[hbm4b:s23+s3] =	stream.linear.scatter [tilespmem:s24], [sflag:$0x5], $0x80, $0x38;
	[tilespmem:$0xCC00] =	vst v63  }
0xe8: {  	s23 =	sadd.s32 $0x40, s8;
	s24 =	simm.s32 $0xAC20  }
0xe9: {  	[hbm4b:s23+s3] =	stream.linear.scatter [tilespmem:s24], [sflag:$0x5], $0x80, $0x38;
	[tilespmem:$0xCC00] =	vst v63  }
0xea: {  	s23 =	sadd.s32 $0x50, s8;
	s24 =	simm.s32 $0xACA8  }
0xeb: {  	[hbm4b:s23+s3] =	stream.linear.scatter [tilespmem:s24], [sflag:$0x5], $0x80, $0x38;
	[tilespmem:$0xCC00] =	vst v63  }
0xec: {  	s23 =	sadd.s32 $0x60, s8;
	s24 =	simm.s32 $0xAD30  }
0xed: {  	[hbm4b:s23+s3] =	stream.linear.scatter [tilespmem:s24], [sflag:$0x5], $0x80, $0x38;
	[tilespmem:$0xCC00] =	vst v63  }
0xee: {  	s23 =	sadd.s32 $0x70, s8;
	s24 =	simm.s32 $0xADB8  }
0xef: {  	[hbm4b:s23+s3] =	stream.linear.scatter [tilespmem:s24], [sflag:$0x5], $0x80, $0x38;
	[tilespmem:$0xCC00] =	vst v63  }
0xf0: {  	s23 =	sadd.s32 $0x1000, s8;
	s24 =	simm.s32 $0xAE40  }
0xf1: {  	[hbm4b:s23+s3] =	stream.linear.scatter [tilespmem:s24], [sflag:$0x5], $0x80, $0x38;
	[tilespmem:$0xCC00] =	vst v63  }
0xf2: {  	s23 =	sadd.s32 $0x1010, s8;
	s24 =	simm.s32 $0xAEC8  }
0xf3: {  	[hbm4b:s23+s3] =	stream.linear.scatter [tilespmem:s24], [sflag:$0x5], $0x80, $0x38;
	[tilespmem:$0xCC00] =	vst v63  }
0xf4: {  	s23 =	sadd.s32 $0x1020, s8;
	s24 =	simm.s32 $0xAF50  }
0xf5: {  	[hbm4b:s23+s3] =	stream.linear.scatter [tilespmem:s24], [sflag:$0x5], $0x80, $0x38;
	[tilespmem:$0xCC00] =	vst v63  }
0xf6: {  	s23 =	sadd.s32 $0x1030, s8;
	s24 =	simm.s32 $0xAFD8  }
0xf7: {  	[hbm4b:s23+s3] =	stream.linear.scatter [tilespmem:s24], [sflag:$0x5], $0x80, $0x38;
	[tilespmem:$0xCC00] =	vst v63  }
0xf8: {  	s23 =	sadd.s32 $0x1040, s8;
	s24 =	simm.s32 $0xB060  }
0xf9: {  	[hbm4b:s23+s3] =	stream.linear.scatter [tilespmem:s24], [sflag:$0x5], $0x80, $0x38;
	[tilespmem:$0xCC00] =	vst v63  }
0xfa: {  	s23 =	sadd.s32 $0x1050, s8;
	s24 =	simm.s32 $0xB0E8  }
0xfb: {  	[hbm4b:s23+s3] =	stream.linear.scatter [tilespmem:s24], [sflag:$0x5], $0x80, $0x38;
	[tilespmem:$0xCC00] =	vst v63  }
0xfc: {  	s23 =	sadd.s32 $0x1060, s8;
	s24 =	simm.s32 $0xB170  }
0xfd: {  	[hbm4b:s23+s3] =	stream.linear.scatter [tilespmem:s24], [sflag:$0x5], $0x80, $0x38;
	[tilespmem:$0xCC00] =	vst v63  }
0xfe: {  	s23 =	sadd.s32 $0x1070, s8;
	s24 =	simm.s32 $0xB1F8  }
0xff: {  	[hbm4b:s23+s3] =	stream.linear.scatter [tilespmem:s24], [sflag:$0x5], $0x80, $0x38;
	[tilespmem:$0xCC00] =	vst v63  }
0x100: {  	s23 =	sadd.s32 $0x2000, s8;
	s24 =	simm.s32 $0xB280  }
0x101: {  	[hbm4b:s23+s3] =	stream.linear.scatter [tilespmem:s24], [sflag:$0x5], $0x80, $0x38;
	[tilespmem:$0xCC00] =	vst v63  }
0x102: {  	s23 =	sadd.s32 $0x2010, s8;
	s24 =	simm.s32 $0xB308  }
0x103: {  	[hbm4b:s23+s3] =	stream.linear.scatter [tilespmem:s24], [sflag:$0x5], $0x80, $0x38;
	[tilespmem:$0xCC00] =	vst v63  }
0x104: {  	s23 =	sadd.s32 $0x2020, s8;
	s24 =	simm.s32 $0xB390  }
0x105: {  	[hbm4b:s23+s3] =	stream.linear.scatter [tilespmem:s24], [sflag:$0x5], $0x80, $0x38;
	[tilespmem:$0xCC00] =	vst v63  }
0x106: {  	s23 =	sadd.s32 $0x2030, s8;
	s24 =	simm.s32 $0xB418  }
0x107: {  	[hbm4b:s23+s3] =	stream.linear.scatter [tilespmem:s24], [sflag:$0x5], $0x80, $0x38;
	[tilespmem:$0xCC00] =	vst v63  }
0x108: {  	s23 =	sadd.s32 $0x2040, s8;
	s24 =	simm.s32 $0xB4A0  }
0x109: {  	[hbm4b:s23+s3] =	stream.linear.scatter [tilespmem:s24], [sflag:$0x5], $0x80, $0x38;
	[tilespmem:$0xCC00] =	vst v63  }
0x10a: {  	s23 =	sadd.s32 $0x2050, s8;
	s24 =	simm.s32 $0xB528  }
0x10b: {  	[hbm4b:s23+s3] =	stream.linear.scatter [tilespmem:s24], [sflag:$0x5], $0x80, $0x38;
	[tilespmem:$0xCC00] =	vst v63  }
0x10c: {  	s23 =	sadd.s32 $0x2060, s8;
	s24 =	simm.s32 $0xB5B0  }
0x10d: {  	[hbm4b:s23+s3] =	stream.linear.scatter [tilespmem:s24], [sflag:$0x5], $0x80, $0x38;
	[tilespmem:$0xCC00] =	vst v63  }
0x10e: {  	s23 =	sadd.s32 $0x2070, s8;
	s24 =	simm.s32 $0xB638  }
0x10f: {  	[hbm4b:s23+s3] =	stream.linear.scatter [tilespmem:s24], [sflag:$0x5], $0x80, $0x38;
	[tilespmem:$0xCC00] =	vst v63  }
0x110: {  	s23 =	sadd.s32 $0x3000, s8;
	s24 =	simm.s32 $0xB6C0  }
0x111: {  	[hbm4b:s23+s3] =	stream.linear.scatter [tilespmem:s24], [sflag:$0x5], $0x80, $0x38;
	[tilespmem:$0xCC00] =	vst v63  }
0x112: {  	s23 =	sadd.s32 $0x3010, s8;
	s24 =	simm.s32 $0xB748  }
0x113: {  	[hbm4b:s23+s3] =	stream.linear.scatter [tilespmem:s24], [sflag:$0x5], $0x80, $0x38;
	[tilespmem:$0xCC00] =	vst v63  }
0x114: {  	s23 =	sadd.s32 $0x3020, s8;
	s24 =	simm.s32 $0xB7D0  }
0x115: {  	[hbm4b:s23+s3] =	stream.linear.scatter [tilespmem:s24], [sflag:$0x5], $0x80, $0x38;
	[tilespmem:$0xCC00] =	vst v63  }
0x116: {  	s23 =	sadd.s32 $0x3030, s8;
	s24 =	simm.s32 $0xB858  }
0x117: {  	[hbm4b:s23+s3] =	stream.linear.scatter [tilespmem:s24], [sflag:$0x5], $0x80, $0x38;
	[tilespmem:$0xCC00] =	vst v63  }
0x118: {  	s23 =	sadd.s32 $0x3040, s8;
	s24 =	simm.s32 $0xB8E0  }
0x119: {  	[hbm4b:s23+s3] =	stream.linear.scatter [tilespmem:s24], [sflag:$0x5], $0x80, $0x38;
	[tilespmem:$0xCC00] =	vst v63  }
0x11a: {  	p1 =	sne.s32 s19, $0x31;
	s23 =	sadd.s32 $0x3050, s8;
	s24 =	simm.s32 $0xB968  }
0x11b: {  	[hbm4b:s23+s3] =	stream.linear.scatter [tilespmem:s24], [sflag:$0x5], $0x80, $0x38;
	[tilespmem:$0xCC00] =	vst v63  }
.Ltmp2:
0x11c: {  	_ = 	snop;
	(pc) =	sbr.rel @p1 .LBB2_8-.Ltmp2, $4  }
0x11d: {  	s23 =	sadd.s32 $0x3060, s8;
	s24 =	simm.s32 $0xB9F0  }
0x11e: {  	[hbm4b:s23+s3] =	stream.linear.scatter [tilespmem:s24], [sflag:$0x5], $0x80, $0x38;
	[tilespmem:$0xCC00] =	vst v63  }
0x11f: {  	s8 =	sadd.s32 $0x3070, s8;
	s24 =	simm.s32 $0xBA78  }
0x120: {  	[hbm4b:s8+s3] =	stream.linear.scatter [tilespmem:s24], [sflag:$0x5], $0x80, $0x38;
	[tilespmem:$0xCC00] =	vst v63  }
.Ltmp3:
0x121: {  	(pc) =	sbr.rel .LBB2_9-.Ltmp3, $4  }
0x122: {  	_ = 	snop  }
0x123: {  	_ =	swait.ge [sflag:s29], $0x1000  }
0x124: {  	[sflag:s29] =	ssyncset.done $0x0  }
0x125: {  	[sflag:s29] =	ssyncadd.s32 $0xFFFFF000  }
.LBB2_8:
0x126: {  	v0 =	vld [tilespmem:$0x1FED0];
	_ =	sdelay $0x1  }
0x127: {  	s8 =	sadd.s32 $0x4, s2  }
0x128: {  	v1 =	vmov s8  }
0x129: {  	v1 =	vand.u32 $0x1FC, v1  }
0x12a: {  	v2 =	vadd.s32 v0, v1  }
0x12b: {  	v23 =	vld [tilespmem:$0x1FD70];
	_ =	sdelay $0x3  }
0x12c: {  	v2 =	vld.idx.msk [tilespmem:v2+s3+$0x0], $0xffff  }
0x12d: {  	v3 =	vadd.s32 v23, v1  }
0x12e: {  	v33 =	vld [tilespmem:$0x1FD80];
	_ =	sdelay $0x2  }
0x12f: {  	[tilespmem:$0x6800] =	vst v2  }
0x130: {  	v2 =	vld.idx.msk [tilespmem:v3+s3+$0x0], $0xffff  }
0x131: {  	v35 =	vadd.s32 v33, v1  }
0x132: {  	v37 =	vld [tilespmem:$0x1FD90];
	_ =	sdelay $0x2  }
0x133: {  	[tilespmem:$0x6810] =	vst v2  }
0x134: {  	v2 =	vld.idx.msk [tilespmem:v35+s3+$0x0], $0xffff  }
0x135: {  	v41 =	vadd.s32 v37, v1  }
0x136: {  	v57 =	vld [tilespmem:$0x1FDA0];
	_ =	sdelay $0x2  }
0x137: {  	[tilespmem:$0x6820] =	vst v2  }
0x138: {  	v2 =	vld.idx.msk [tilespmem:v41+s3+$0x0], $0xffff  }
0x139: {  	v58 =	vadd.s32 v57, v1  }
0x13a: {  	v59 =	vld [tilespmem:$0x1FDB0];
	_ =	sdelay $0x2  }
0x13b: {  	[tilespmem:$0x6830] =	vst v2  }
0x13c: {  	v2 =	vld.idx.msk [tilespmem:v58+s3+$0x0], $0xffff  }
0x13d: {  	v60 =	vadd.s32 v59, v1  }
0x13e: {  	v61 =	vld [tilespmem:$0x1FDC0];
	_ =	sdelay $0x2  }
0x13f: {  	[tilespmem:$0x6840] =	vst v2  }
0x140: {  	v2 =	vld.idx.msk [tilespmem:v60+s3+$0x0], $0xffff  }
0x141: {  	v62 =	vadd.s32 v61, v1  }
0x142: {  	v63 =	vld [tilespmem:$0x1FDD0];
	_ =	sdelay $0x2  }
0x143: {  	[tilespmem:$0x6850] =	vst v2  }
0x144: {  	v2 =	vld.idx.msk [tilespmem:v62+s3+$0x0], $0xffff  }
0x145: {  	v1 =	vadd.s32 v63, v1;
	_ =	sdelay $0x3  }
0x146: {  	[tilespmem:$0x6860] =	vst v2  }
0x147: {  	v1 =	vld.idx.msk [tilespmem:v1+s3+$0x0], $0xffff;
	_ =	sdelay $0x3  }
0x148: {  	s24 =	simm.s32 $0x80  }
.Ltmp4:
0x149: {  	s22 =	simm.s32 $0x6800;
	s23 =	simm.s32 $0x6A00;
	[tilespmem:$0x6870] =	vst v1;
	(pc) =	sbr.rel @p0 .LBB2_10-.Ltmp4, $4  }
0x14a: {  	[tilespmem:s23], [sflag:$0x1] =	stream.indirect.gather [hbm4b:s4+s24], $0x20, s22, s24, $0xb8;
	[tilespmem:$0xCC00] =	vst v63  }
0x14b: {  	_ =	swait.ge [sflag:s29], $0x1000  }
0x14c: {  	[sflag:s29] =	ssyncset.done $0x0  }
0x14d: {  	[sflag:s29] =	ssyncadd.s32 $0xFFFFF000  }
.LBB2_9:
0x14e: {  	_ =	swait.ge [sflag:s30], $0x1000  }
0x14f: {  	[sflag:s30] =	ssyncset.done $0x0  }
0x150: {  	[sflag:s30] =	ssyncadd.s32 $0xFFFFF000  }
.LBB2_10:
0x151: {  	s8 =	simm.s32 $0x0  }
0x152: {  	s23 =	simm.s32 $0x1;
	s22 =	simm.s32 $0x2;
	s24 =	simm.s32 $0x3;
	v1 =	vmov s8  }
0x153: {  	v2 =	vmov s23;
	v3 =	vmov s22;
	s22 =	simm.s32 $0x4;
	s23 =	simm.s32 $0x7;
	v4 =	vmov s24  }
0x154: {  	s24 =	simm.s32 $0x5;
	v1 =	vshrl.u32 v1, $0x3;
	v5 =	vmov s22;
	v6 =	vmov s23  }
0x155: {  	v7 =	vmov s24;
	v2 =	vshrl.u32 v2, $0x3;
	v6 =	vshrl.u32 v6, $0x3  }
0x156: {  	s22 =	simm.s32 $0x6;
	v3 =	vshrl.u32 v3, $0x3;
	v4 =	vshrl.u32 v4, $0x3;
	v6 =	vshll.u32 v6, v25  }
0x157: {  	v1 =	vshll.u32 v1, v25;
	v8 =	vmov s22;
	v6 =	vbroadcast v6, $0x0  }
0x158: {  	s8 =	simm.s32 $0x7AF0;
	v5 =	vshrl.u32 v5, $0x3;
	v62 =	vshll.u32 v2, v25;
	v57 =	vbroadcast v1, $0x0  }
0x159: {  	v33 =	vld [tilespmem:s8+$0xFFFFFFF0];
	v63 =	vshll.u32 v3, v25;
	v1 =	vbroadcast v62, $0x0;
	v9 =	vadd.s32 v55, v6  }
0x15a: {  	v10 =	vld [tilespmem:s8+$0xFFFFFF10];
	v4 =	vshll.u32 v4, v25;
	v2 =	vbroadcast v63, $0x0;
	v11 =	vadd.s32 v40, v57  }
0x15b: {  	v12 =	vld [tilespmem:s8+$0xFFFFFF30];
	v61 =	vbroadcast v4, $0x0;
	v35 =	vshll.u32 v5, v25;
	v13 =	vadd.s32 v43, v1  }
0x15c: {  	v37 =	vld [tilespmem:s8+$0xFFFFFF50];
	v41 =	vshrl.u32 v7, $0x3;
	v60 =	vbroadcast v35, $0x0;
	v14 =	vadd.s32 v45, v2  }
0x15d: {  	v7 =	vld [tilespmem:s8+$0xFFFFFF70];
	v4 =	vshll.u32 v41, v25;
	v8 =	vshrl.u32 v8, $0x3;
	v18 =	vadd.s32 v47, v61  }
0x15e: {  	s23 =	simm.s32 $0x8;
	v24 =	vld [tilespmem:s8+$0xFFFFFF90];
	v62 =	vbroadcast v4, $0x0;
	v58 =	vshll.u32 v8, v25;
	v0 =	vadd.s32 v49, v60;
	[tilespmem:v9+s21+$0x0] =	vst.idx.msk $0xffff, v33  }
0x15f: {  	s24 =	simm.s32 $0x9;
	v59 =	vmov s23;
	v63 =	vbroadcast v58, $0x0;
	[tilespmem:v11+s21+$0x0] =	vst.idx.msk $0xffff, v10;
	v9 =	vadd.s32 v56, v6;
	v8 =	vld [tilespmem:s8+$0x0]  }
0x160: {  	v21 =	vmov s24;
	s23 =	simm.s32 $0xA;
	s24 =	simm.s32 $0xB;
	v3 =	vshrl.u32 v59, $0x3;
	[tilespmem:v13+s21+$0x0] =	vst.idx.msk $0xffff, v12;
	v10 =	vld [tilespmem:s8+$0xFFFFFFB0];
	v11 =	vadd.s32 v51, v62  }
0x161: {  	v23 =	vmov s23;
	s23 =	simm.s32 $0xC;
	v15 =	vadd.s32 v53, v63;
	v12 =	vmov s24;
	s24 =	simm.s32 $0xD;
	[tilespmem:v14+s21+$0x0] =	vst.idx.msk $0xffff, v37;
	v13 =	vld [tilespmem:s8+$0xFFFFFFD0]  }
0x162: {  	v16 =	vmov s23;
	v19 =	vadd.s32 v44, v1;
	[tilespmem:v18+s21+$0x0] =	vst.idx.msk $0xffff, v7;
	v58 =	vmov s24;
	s24 =	simm.s32 $0xE;
	v17 =	vld [tilespmem:s8+$0xFFFFFF40]  }
0x163: {  	s22 =	simm.s32 $0x10;
	s23 =	simm.s32 $0xF;
	v20 =	vadd.s32 v46, v2;
	v14 =	vshll.u32 v3, v25;
	v18 =	vld [tilespmem:s8+$0xFFFFFF60];
	[tilespmem:v0+s21+$0x0] =	vst.idx.msk $0xffff, v24;
	v59 =	vmov s24  }
.LBB2_11:
0x164: {  	p0 =	slt.u32 s22, $0x78;
	v0 =	vshrl.u32 v21, $0x3;
	v1 =	vmov s23;
	v2 =	vld [tilespmem:s8+$0xFFFFFF80];
	v3 =	vadd.s32 v48, v61;
	[tilespmem:v9+s21+$0x0] =	vst.idx.msk $0xffff, v8  }
0x165: {  	v4 =	vshrl.u32 v23, $0x3;
	v6 =	vadd.s32 v50, v60;
	v1 =	vshrl.u32 v1, $0x3;
	v5 =	vld [tilespmem:s8+$0xFFFFFFA0];
	[tilespmem:v11+s21+$0x0] =	vst.idx.msk $0xffff, v10  }
0x166: {  	v7 =	vshrl.u32 v12, $0x3;
	v9 =	vadd.s32 v52, v62;
	v1 =	vshll.u32 v1, v25;
	v8 =	vld [tilespmem:s8+$0xFFFFFFC0];
	[tilespmem:v15+s21+$0x0] =	vst.idx.msk $0xffff, v13  }
0x167: {  	v12 =	vadd.s32 v54, v63;
	v10 =	vshrl.u32 v16, $0x3;
	v1 =	vbroadcast v1, $0x0;
	[tilespmem:v19+s21+$0x0] =	vst.idx.msk $0xffff, v17;
	v11 =	vld [tilespmem:s8+$0xFFFFFFE0]  }
0x168: {  	v0 =	vshll.u32 v0, v25;
	v15 =	vadd.s32 v42, v57;
	v57 =	vbroadcast v14, $0x0;
	v13 =	vld [tilespmem:s8+$0xFFFFFF20];
	[tilespmem:v20+s21+$0x0] =	vst.idx.msk $0xffff, v18;
	s8 =	sadd.s32 $0x100, s8  }
0x169: {  	v4 =	vshll.u32 v4, v25;
	v0 =	vbroadcast v0, $0x0;
	v14 =	vld [tilespmem:s8+$0xFFFFFFF0];
	v16 =	vadd.s32 v55, v1;
	[tilespmem:v3+s21+$0x0] =	vst.idx.msk $0xffff, v2  }
0x16a: {  	v7 =	vshll.u32 v7, v25;
	v4 =	vbroadcast v4, $0x0;
	v3 =	vadd.s32 v40, v57;
	v2 =	vld [tilespmem:s8+$0xFFFFFF10];
	[tilespmem:v6+s21+$0x0] =	vst.idx.msk $0xffff, v5  }
0x16b: {  	v61 =	vbroadcast v7, $0x0;
	v7 =	vshll.u32 v10, v25;
	v6 =	vadd.s32 v43, v0;
	v5 =	vld [tilespmem:s8+$0xFFFFFF30];
	[tilespmem:v9+s21+$0x0] =	vst.idx.msk $0xffff, v8  }
0x16c: {  	v60 =	vbroadcast v7, $0x0;
	v7 =	vshrl.u32 v58, $0x3;
	v18 =	vadd.s32 v45, v4;
	v17 =	vld [tilespmem:s8+$0xFFFFFF50];
	[tilespmem:v12+s21+$0x0] =	vst.idx.msk $0xffff, v11  }
0x16d: {  	v24 =	vadd.s32 v47, v61;
	v7 =	vshll.u32 v7, v25;
	v8 =	vshrl.u32 v59, $0x3;
	v20 =	vld [tilespmem:s8+$0xFFFFFF70];
	[tilespmem:v15+s21+$0x0] =	vst.idx.msk $0xffff, v13  }
0x16e: {  	v26 =	vadd.s32 v49, v60;
	v62 =	vbroadcast v7, $0x0;
	v7 =	vshll.u32 v8, v25;
	v22 =	vld [tilespmem:s8+$0xFFFFFF90];
	[tilespmem:v16+s21+$0x0] =	vst.idx.msk $0xffff, v14  }
.Ltmp5:
0x16f: {  	s23 =	sadd.s32 $0x1, s22;
	v10 =	vmov s22;
	v9 =	vadd.s32 v56, v1;
	v63 =	vbroadcast v7, $0x0;
	[tilespmem:v3+s21+$0x0] =	vst.idx.msk $0xffff, v2;
	v8 =	vld [tilespmem:s8+$0x0];
	(pc) =	sbr.rel @p0 .LBB2_11-.Ltmp5, $4  }
0x170: {  	s24 =	sadd.s32 $0x3, s22;
	v21 =	vmov s23;
	s23 =	sadd.s32 $0x2, s22;
	v1 =	vshrl.u32 v10, $0x3;
	v11 =	vadd.s32 v51, v62;
	[tilespmem:v6+s21+$0x0] =	vst.idx.msk $0xffff, v5;
	v10 =	vld [tilespmem:s8+$0xFFFFFFB0]  }
0x171: {  	v23 =	vmov s23;
	s23 =	sadd.s32 $0x4, s22;
	v12 =	vmov s24;
	s24 =	sadd.s32 $0x5, s22;
	v15 =	vadd.s32 v53, v63;
	[tilespmem:v18+s21+$0x0] =	vst.idx.msk $0xffff, v17;
	v13 =	vld [tilespmem:s8+$0xFFFFFFD0]  }
0x172: {  	v19 =	vadd.s32 v44, v0;
	v58 =	vmov s24;
	v16 =	vmov s23;
	s23 =	sadd.s32 $0x6, s22;
	v17 =	vld [tilespmem:s8+$0xFFFFFF40];
	[tilespmem:v24+s21+$0x0] =	vst.idx.msk $0xffff, v20  }
0x173: {  	v14 =	vshll.u32 v1, v25;
	v59 =	vmov s23;
	s23 =	sadd.s32 $0x7, s22;
	s22 =	sadd.s32 $0x8, s22;
	v20 =	vadd.s32 v46, v4;
	v18 =	vld [tilespmem:s8+$0xFFFFFF60];
	[tilespmem:v26+s21+$0x0] =	vst.idx.msk $0xffff, v22  }
0x174: {  	_ =	sdelay $0x2  }
0x175: {  	v0 =	vshrl.u32 v21, $0x3  }
0x176: {  	v1 =	vmov s23;
	v2 =	vld [tilespmem:s8+$0xFFFFFF80];
	v3 =	vadd.s32 v48, v61;
	[tilespmem:v9+s21+$0x0] =	vst.idx.msk $0xffff, v8;
	v4 =	vshrl.u32 v23, $0x3  }
0x177: {  	v5 =	vld [tilespmem:s8+$0xFFFFFFA0];
	v6 =	vadd.s32 v50, v60;
	v9 =	vadd.s32 v52, v62;
	v1 =	vshrl.u32 v1, $0x3;
	[tilespmem:v11+s21+$0x0] =	vst.idx.msk $0xffff, v10  }
0x178: {  	v7 =	vshrl.u32 v12, $0x3;
	v0 =	vshll.u32 v0, v25;
	v1 =	vshll.u32 v1, v25;
	v8 =	vld [tilespmem:s8+$0xFFFFFFC0];
	[tilespmem:v15+s21+$0x0] =	vst.idx.msk $0xffff, v13  }
0x179: {  	v13 =	vbroadcast v14, $0x0;
	v14 =	vld [tilespmem:s8+$0xFFFFFF20];
	v15 =	vadd.s32 v42, v57;
	v1 =	vbroadcast v1, $0x0;
	[tilespmem:v19+s21+$0x0] =	vst.idx.msk $0xffff, v17  }
0x17a: {  	v12 =	vadd.s32 v54, v63;
	s24 =	sadd.s32 $0x100, s8;
	v4 =	vshll.u32 v4, v25;
	v0 =	vbroadcast v0, $0x0;
	v11 =	vld [tilespmem:s8+$0xFFFFFFE0];
	[tilespmem:v20+s21+$0x0] =	vst.idx.msk $0xffff, v18  }
0x17b: {  	v10 =	vshrl.u32 v16, $0x3;
	v16 =	vld [tilespmem:s24+$0xFFFFFFF0];
	v7 =	vshll.u32 v7, v25;
	v17 =	vadd.s32 v55, v1;
	[tilespmem:v3+s21+$0x0] =	vst.idx.msk $0xffff, v2  }
0x17c: {  	v62 =	vld [tilespmem:s24+$0xFFFFFF30];
	v4 =	vbroadcast v4, $0x0;
	v10 =	vshll.u32 v10, v25;
	[tilespmem:v6+s21+$0x0] =	vst.idx.msk $0xffff, v5;
	v6 =	vadd.s32 v43, v0  }
0x17d: {  	v60 =	vld [tilespmem:s24+$0xFFFFFF10];
	v10 =	vbroadcast v10, $0x0;
	v61 =	vadd.s32 v40, v13;
	v18 =	vshrl.u32 v58, $0x3;
	[tilespmem:v9+s21+$0x0] =	vst.idx.msk $0xffff, v8  }
0x17e: {  	v7 =	vbroadcast v7, $0x0;
	v18 =	vshll.u32 v18, v25;
	v8 =	vld [tilespmem:s24+$0xFFFFFF50];
	v9 =	vadd.s32 v45, v4;
	[tilespmem:v15+s21+$0x0] =	vst.idx.msk $0xffff, v14  }
0x17f: {  	v18 =	vbroadcast v18, $0x0;
	v14 =	vld [tilespmem:s24+$0xFFFFFF90];
	v15 =	vadd.s32 v49, v10;
	[tilespmem:v12+s21+$0x0] =	vst.idx.msk $0xffff, v11  }
0x180: {  	v19 =	vshrl.u32 v59, $0x3;
	v11 =	vld [tilespmem:s24+$0xFFFFFF70];
	v12 =	vadd.s32 v47, v7;
	[tilespmem:v17+s21+$0x0] =	vst.idx.msk $0xffff, v16  }
0x181: {  	v35 =	vld [tilespmem:s24+$0xFFFFFFB0];
	v19 =	vshll.u32 v19, v25;
	[tilespmem:v6+s21+$0x0] =	vst.idx.msk $0xffff, v62;
	v6 =	vadd.s32 v51, v18  }
0x182: {  	v63 =	vbroadcast v19, $0x0;
	v1 =	vadd.s32 v56, v1;
	[tilespmem:v61+s21+$0x0] =	vst.idx.msk $0xffff, v60;
	v33 =	vld [tilespmem:s24+$0x0]  }
0x183: {  	v0 =	vadd.s32 v44, v0;
	v16 =	vld [tilespmem:s24+$0xFFFFFF40];
	[tilespmem:v9+s21+$0x0] =	vst.idx.msk $0xffff, v8  }
0x184: {  	v8 =	vld [tilespmem:s24+$0xFFFFFFD0];
	v9 =	vadd.s32 v53, v63;
	[tilespmem:v15+s21+$0x0] =	vst.idx.msk $0xffff, v14  }
0x185: {  	v4 =	vadd.s32 v46, v4;
	[tilespmem:v12+s21+$0x0] =	vst.idx.msk $0xffff, v11;
	v11 =	vld [tilespmem:s24+$0xFFFFFF60]  }
0x186: {  	v40 =	vadd.s32 v50, v10;
	v37 =	vld [tilespmem:s24+$0xFFFFFFA0];
	[tilespmem:v6+s21+$0x0] =	vst.idx.msk $0xffff, v35  }
0x187: {  	v7 =	vadd.s32 v48, v7;
	v12 =	vld [tilespmem:s24+$0xFFFFFF80];
	[tilespmem:v1+s21+$0x0] =	vst.idx.msk $0xffff, v33  }
0x188: {  	v6 =	vadd.s32 v52, v18;
	v5 =	vld [tilespmem:s24+$0xFFFFFFC0];
	[tilespmem:v0+s21+$0x0] =	vst.idx.msk $0xffff, v16  }
0x189: {  	[tilespmem:v9+s21+$0x0] =	vst.idx.msk $0xffff, v8;
	v8 =	vld [tilespmem:s24+$0xFFFFFF20];
	v9 =	vadd.s32 v42, v13  }
0x18a: {  	v2 =	vadd.s32 v54, v63;
	v41 =	vld [tilespmem:s24+$0xFFFFFFE0];
	[tilespmem:v4+s21+$0x0] =	vst.idx.msk $0xffff, v11  }
0x18b: {  	[tilespmem:v40+s21+$0x0] =	vst.idx.msk $0xffff, v37  }
0x18c: {  	[tilespmem:v7+s21+$0x0] =	vst.idx.msk $0xffff, v12  }
0x18d: {  	[tilespmem:v6+s21+$0x0] =	vst.idx.msk $0xffff, v5  }
0x18e: {  	[tilespmem:v9+s21+$0x0] =	vst.idx.msk $0xffff, v8  }
0x18f: {  	[tilespmem:v2+s21+$0x0] =	vst.idx.msk $0xffff, v41  }
0x190: {  	s22 =	rddreg [dreg:$0x3]  }
0x191: {  	s8 =	sadd.s32 s7, s22;
	s22 =	simm.s32 $0xBB00  }
0x192: {  	[hbm4b:s8+s3] =	stream.linear.scatter [tilespmem:s22], [sflag:$0x6], $0x80, $0x38;
	[tilespmem:$0xCC00] =	vst v63  }
0x193: {  	s24 =	simm.s32 $0xBB88;
	s23 =	sadd.s32 $0x10, s8  }
0x194: {  	[hbm4b:s23+s3] =	stream.linear.scatter [tilespmem:s24], [sflag:$0x6], $0x80, $0x38;
	[tilespmem:$0xCC00] =	vst v63  }
0x195: {  	s23 =	sadd.s32 $0x20, s8;
	s24 =	simm.s32 $0xBC10  }
0x196: {  	[hbm4b:s23+s3] =	stream.linear.scatter [tilespmem:s24], [sflag:$0x6], $0x80, $0x38;
	[tilespmem:$0xCC00] =	vst v63  }
0x197: {  	s23 =	sadd.s32 $0x30, s8;
	s24 =	simm.s32 $0xBC98  }
0x198: {  	[hbm4b:s23+s3] =	stream.linear.scatter [tilespmem:s24], [sflag:$0x6], $0x80, $0x38;
	[tilespmem:$0xCC00] =	vst v63  }
0x199: {  	s23 =	sadd.s32 $0x40, s8;
	s24 =	simm.s32 $0xBD20  }
0x19a: {  	[hbm4b:s23+s3] =	stream.linear.scatter [tilespmem:s24], [sflag:$0x6], $0x80, $0x38;
	[tilespmem:$0xCC00] =	vst v63  }
0x19b: {  	s23 =	sadd.s32 $0x50, s8;
	s24 =	simm.s32 $0xBDA8  }
0x19c: {  	[hbm4b:s23+s3] =	stream.linear.scatter [tilespmem:s24], [sflag:$0x6], $0x80, $0x38;
	[tilespmem:$0xCC00] =	vst v63  }
0x19d: {  	s23 =	sadd.s32 $0x60, s8;
	s24 =	simm.s32 $0xBE30  }
0x19e: {  	[hbm4b:s23+s3] =	stream.linear.scatter [tilespmem:s24], [sflag:$0x6], $0x80, $0x38;
	[tilespmem:$0xCC00] =	vst v63  }
0x19f: {  	s23 =	sadd.s32 $0x70, s8;
	s24 =	simm.s32 $0xBEB8  }
0x1a0: {  	[hbm4b:s23+s3] =	stream.linear.scatter [tilespmem:s24], [sflag:$0x6], $0x80, $0x38;
	[tilespmem:$0xCC00] =	vst v63  }
0x1a1: {  	s23 =	sadd.s32 $0x1000, s8;
	s24 =	simm.s32 $0xBF40  }
0x1a2: {  	[hbm4b:s23+s3] =	stream.linear.scatter [tilespmem:s24], [sflag:$0x6], $0x80, $0x38;
	[tilespmem:$0xCC00] =	vst v63  }
0x1a3: {  	s23 =	sadd.s32 $0x1010, s8;
	s24 =	simm.s32 $0xBFC8  }
0x1a4: {  	[hbm4b:s23+s3] =	stream.linear.scatter [tilespmem:s24], [sflag:$0x6], $0x80, $0x38;
	[tilespmem:$0xCC00] =	vst v63  }
0x1a5: {  	s23 =	sadd.s32 $0x1020, s8;
	s24 =	simm.s32 $0xC050  }
0x1a6: {  	[hbm4b:s23+s3] =	stream.linear.scatter [tilespmem:s24], [sflag:$0x6], $0x80, $0x38;
	[tilespmem:$0xCC00] =	vst v63  }
0x1a7: {  	s23 =	sadd.s32 $0x1030, s8;
	s24 =	simm.s32 $0xC0D8  }
0x1a8: {  	[hbm4b:s23+s3] =	stream.linear.scatter [tilespmem:s24], [sflag:$0x6], $0x80, $0x38;
	[tilespmem:$0xCC00] =	vst v63  }
0x1a9: {  	s23 =	sadd.s32 $0x1040, s8;
	s24 =	simm.s32 $0xC160  }
0x1aa: {  	[hbm4b:s23+s3] =	stream.linear.scatter [tilespmem:s24], [sflag:$0x6], $0x80, $0x38;
	[tilespmem:$0xCC00] =	vst v63  }
0x1ab: {  	s23 =	sadd.s32 $0x1050, s8;
	s24 =	simm.s32 $0xC1E8  }
0x1ac: {  	[hbm4b:s23+s3] =	stream.linear.scatter [tilespmem:s24], [sflag:$0x6], $0x80, $0x38;
	[tilespmem:$0xCC00] =	vst v63  }
0x1ad: {  	s23 =	sadd.s32 $0x1060, s8;
	s24 =	simm.s32 $0xC270  }
0x1ae: {  	[hbm4b:s23+s3] =	stream.linear.scatter [tilespmem:s24], [sflag:$0x6], $0x80, $0x38;
	[tilespmem:$0xCC00] =	vst v63  }
0x1af: {  	s23 =	sadd.s32 $0x1070, s8;
	s24 =	simm.s32 $0xC2F8  }
0x1b0: {  	[hbm4b:s23+s3] =	stream.linear.scatter [tilespmem:s24], [sflag:$0x6], $0x80, $0x38;
	[tilespmem:$0xCC00] =	vst v63  }
0x1b1: {  	s23 =	sadd.s32 $0x2000, s8;
	s24 =	simm.s32 $0xC380  }
0x1b2: {  	[hbm4b:s23+s3] =	stream.linear.scatter [tilespmem:s24], [sflag:$0x6], $0x80, $0x38;
	[tilespmem:$0xCC00] =	vst v63  }
0x1b3: {  	s23 =	sadd.s32 $0x2010, s8;
	s24 =	simm.s32 $0xC408  }
0x1b4: {  	[hbm4b:s23+s3] =	stream.linear.scatter [tilespmem:s24], [sflag:$0x6], $0x80, $0x38;
	[tilespmem:$0xCC00] =	vst v63  }
0x1b5: {  	s23 =	sadd.s32 $0x2020, s8;
	s24 =	simm.s32 $0xC490  }
0x1b6: {  	[hbm4b:s23+s3] =	stream.linear.scatter [tilespmem:s24], [sflag:$0x6], $0x80, $0x38;
	[tilespmem:$0xCC00] =	vst v63  }
0x1b7: {  	s23 =	sadd.s32 $0x2030, s8;
	s24 =	simm.s32 $0xC518  }
0x1b8: {  	[hbm4b:s23+s3] =	stream.linear.scatter [tilespmem:s24], [sflag:$0x6], $0x80, $0x38;
	[tilespmem:$0xCC00] =	vst v63  }
0x1b9: {  	s23 =	sadd.s32 $0x2040, s8;
	s24 =	simm.s32 $0xC5A0  }
0x1ba: {  	[hbm4b:s23+s3] =	stream.linear.scatter [tilespmem:s24], [sflag:$0x6], $0x80, $0x38;
	[tilespmem:$0xCC00] =	vst v63  }
0x1bb: {  	s24 =	sadd.s32 $0x2050, s8  }
0x1bc: {  	[hbm4b:s24+s3] =	stream.linear.scatter [tilespmem:s26], [sflag:$0x6], $0x80, $0x38;
	[tilespmem:$0xCC00] =	vst v63  }
0x1bd: {  	s23 =	sadd.s32 $0x2060, s8  }
0x1be: {  	[hbm4b:s23+s3] =	stream.linear.scatter [tilespmem:s28], [sflag:$0x6], $0x80, $0x38;
	[tilespmem:$0xCC00] =	vst v63  }
0x1bf: {  	s24 =	sadd.s32 $0x2070, s8  }
0x1c0: {  	[hbm4b:s24+s3] =	stream.linear.scatter [tilespmem:s31], [sflag:$0x6], $0x80, $0x38;
	[tilespmem:$0xCC00] =	vst v63  }
0x1c1: {  	s23 =	sadd.s32 $0x3000, s8  }
0x1c2: {  	[hbm4b:s23+s3] =	stream.linear.scatter [tilespmem:s1], [sflag:$0x6], $0x80, $0x38;
	[tilespmem:$0xCC00] =	vst v63  }
0x1c3: {  	s24 =	sadd.s32 $0x3010, s8  }
0x1c4: {  	[hbm4b:s24+s3] =	stream.linear.scatter [tilespmem:s0], [sflag:$0x6], $0x80, $0x38;
	[tilespmem:$0xCC00] =	vst v63  }
0x1c5: {  	s23 =	sadd.s32 $0x3020, s8  }
0x1c6: {  	[hbm4b:s23+s3] =	stream.linear.scatter [tilespmem:s14], [sflag:$0x6], $0x80, $0x38;
	[tilespmem:$0xCC00] =	vst v63  }
0x1c7: {  	p0 =	seq.s32 s19, $0x31;
	s24 =	sadd.s32 $0x3030, s8  }
0x1c8: {  	[hbm4b:s24+s3] =	stream.linear.scatter [tilespmem:s15], [sflag:$0x6], $0x80, $0x38;
	[tilespmem:$0xCC00] =	vst v63  }
0x1c9: {  	s22 =	sadd.s32 @!p0 $0x5, s2;
	s23 =	sadd.s32 $0x3040, s8  }
0x1ca: {  	v0 =	vlaneseq.u32 @!p0;
	[hbm4b:s23+s3] =	stream.linear.scatter [tilespmem:s16], [sflag:$0x6], $0x80, $0x38;
	[tilespmem:$0xCC00] =	vst v63  }
0x1cb: {  	v0 =	vmul.u32 @!p0 $0xD0, v0;
	v1 =	vmov @!p0 s22;
	s24 =	sadd.s32 $0x3050, s8  }
0x1cc: {  	v1 =	vand.u32 @!p0 $0x1FD, v1;
	[hbm4b:s24+s3] =	stream.linear.scatter [tilespmem:s17], [sflag:$0x6], $0x80, $0x38;
	[tilespmem:$0xCC00] =	vst v63  }
0x1cd: {  	v2 =	vadd.s32 @!p0 v0, v1;
	s23 =	sadd.s32 $0x3060, s8  }
0x1ce: {  	[hbm4b:s23+s3] =	stream.linear.scatter [tilespmem:s9], [sflag:$0x6], $0x80, $0x38;
	[tilespmem:$0xCC00] =	vst v63  }
0x1cf: {  	s8 =	sadd.s32 $0x3070, s8  }
0x1d0: {  	[hbm4b:s8+s3] =	stream.linear.scatter [tilespmem:s10], [sflag:$0x6], $0x80, $0x38;
	[tilespmem:$0xCC00] =	vst v63  }
0x1d1: {  	s8 =	simm.s32 @!p0 $0x0  }
0x1d2: {  	v3 =	vadd.s32 @!p0 $0xD00, v0;
	v2 =	vld.idx.msk @!p0 [tilespmem:v2+s8+$0x0], $0xffff  }
0x1d3: {  	v3 =	vadd.s32 @!p0 v3, v1;
	_ =	sdelay $0x3  }
0x1d4: {  	[tilespmem:$0x6880] =	vst @!p0 v2  }
0x1d5: {  	v2 =	vld.idx.msk @!p0 [tilespmem:v3+s8+$0x0], $0xffff;
	v3 =	vadd.s32 @!p0 $0x1A00, v0  }
0x1d6: {  	v3 =	vadd.s32 @!p0 v3, v1;
	_ =	sdelay $0x3  }
0x1d7: {  	[tilespmem:$0x6890] =	vst @!p0 v2  }
0x1d8: {  	v2 =	vld.idx.msk @!p0 [tilespmem:v3+s8+$0x0], $0xffff;
	v3 =	vadd.s32 @!p0 $0x2700, v0  }
0x1d9: {  	v3 =	vadd.s32 @!p0 v3, v1;
	_ =	sdelay $0x3  }
0x1da: {  	[tilespmem:$0x68A0] =	vst @!p0 v2  }
0x1db: {  	v2 =	vld.idx.msk @!p0 [tilespmem:v3+s8+$0x0], $0xffff;
	v3 =	vadd.s32 @!p0 $0x3400, v0  }
0x1dc: {  	v3 =	vadd.s32 @!p0 v3, v1;
	_ =	sdelay $0x3  }
0x1dd: {  	[tilespmem:$0x68B0] =	vst @!p0 v2  }
0x1de: {  	v2 =	vld.idx.msk @!p0 [tilespmem:v3+s8+$0x0], $0xffff;
	v3 =	vadd.s32 @!p0 $0x4100, v0  }
0x1df: {  	v3 =	vadd.s32 @!p0 v3, v1;
	_ =	sdelay $0x3  }
0x1e0: {  	[tilespmem:$0x68C0] =	vst @!p0 v2  }
0x1e1: {  	v2 =	vld.idx.msk @!p0 [tilespmem:v3+s8+$0x0], $0xffff;
	v3 =	vadd.s32 @!p0 $0x4E00, v0  }
0x1e2: {  	v3 =	vadd.s32 @!p0 v3, v1;
	_ =	sdelay $0x3  }
0x1e3: {  	[tilespmem:$0x68D0] =	vst @!p0 v2  }
0x1e4: {  	v0 =	vadd.s32 @!p0 $0x5B00, v0;
	v2 =	vld.idx.msk @!p0 [tilespmem:v3+s8+$0x0], $0xffff  }
0x1e5: {  	v0 =	vadd.s32 @!p0 v0, v1;
	_ =	sdelay $0x3  }
0x1e6: {  	[tilespmem:$0x68E0] =	vst @!p0 v2  }
0x1e7: {  	v0 =	vld.idx.msk @!p0 [tilespmem:v0+s8+$0x0], $0xffff;
	_ =	sdelay $0x3  }
0x1e8: {  	s22 =	simm.s32 @!p0 $0x6880;
	s24 =	simm.s32 $0x0  }
0x1e9: {  	v57 =	vmov s24;
	s24 =	simm.s32 $0x3;
	s23 =	simm.s32 @!p0 $0x7A00;
	s8 =	simm.s32 @!p0 $0x80;
	[tilespmem:$0x68F0] =	vst @!p0 v0  }
0x1ea: {  	[tilespmem:s23], [sflag:$0x2] =	stream.indirect.gather @!p0 [hbm4b:s4+s8], $0x20, s22, s8, $0xb8;
	[tilespmem:$0xCC00] =	vst v63  }
0x1eb: {  	v60 =	vmov s24;
	s23 =	simm.s32 $0x2  }
0x1ec: {  	v3 =	vshrl.u32 v60, $0x3;
	_ =	swait.ge [sflag:s12], $0x1000;
	v59 =	vmov s23;
	s23 =	simm.s32 $0x7  }
0x1ed: {  	v3 =	vshll.u32 v3, v25;
	v0 =	vshrl.u32 v57, $0x3;
	s22 =	simm.s32 $0x1;
	[sflag:s12] =	ssyncset.done $0x0;
	v62 =	vmov s23  }
0x1ee: {  	v0 =	vshll.u32 v0, v25;
	v58 =	vmov s22;
	[sflag:s12] =	ssyncadd.s32 $0xFFFFF000;
	v5 =	vshrl.u32 v62, $0x3  }
0x1ef: {  	v57 =	vbroadcast v0, $0x0;
	v2 =	vshrl.u32 v59, $0x3;
	_ =	swait.ge [sflag:s13], $0x1000;
	v5 =	vshll.u32 v5, v25  }
0x1f0: {  	s22 =	simm.s32 $0x4;
	v1 =	vshrl.u32 v58, $0x3;
	v33 =	vshll.u32 v2, v25;
	[sflag:s13] =	ssyncset.done $0x0;
	v5 =	vbroadcast v5, $0x0  }
0x1f1: {  	s8 =	simm.s32 $0x8AF0;
	v61 =	vmov s22;
	v63 =	vshll.u32 v1, v25;
	v1 =	vbroadcast v33, $0x0;
	v26 =	vld [tilespmem:$0x1FF00];
	[sflag:s13] =	ssyncadd.s32 $0xFFFFF000  }
0x1f2: {  	v4 =	vshrl.u32 v61, $0x3;
	v0 =	vbroadcast v63, $0x0;
	v35 =	vld [tilespmem:s8+$0xFFFFFFF0];
	v8 =	vadd.s32 v38, v5  }
0x1f3: {  	s24 =	simm.s32 $0x5;
	v61 =	vbroadcast v3, $0x0;
	v37 =	vshll.u32 v4, v25;
	v13 =	vadd.s32 v29, v1;
	v40 =	vld [tilespmem:s8+$0xFFFFFF50]  }
0x1f4: {  	v6 =	vmov s24;
	v60 =	vbroadcast v37, $0x0;
	v12 =	vadd.s32 v27, v0;
	v11 =	vld [tilespmem:s8+$0xFFFFFF30]  }
0x1f5: {  	v41 =	vshrl.u32 v6, $0x3;
	v14 =	vadd.s32 v31, v61;
	v6 =	vld [tilespmem:s8+$0xFFFFFF70]  }
0x1f6: {  	v22 =	vld [tilespmem:s8+$0xFFFFFF90];
	v24 =	vadd.s32 v32, v60  }
0x1f7: {  	v9 =	vld [tilespmem:s8+$0xFFFFFF10];
	v10 =	vadd.s32 v26, v57;
	[tilespmem:v8+s21+$0x0] =	vst.idx.msk $0xffff, v35  }
0x1f8: {  	[tilespmem:v13+s21+$0x0] =	vst.idx.msk $0xffff, v40;
	v13 =	vld [tilespmem:s8+$0xFFFFFFD0]  }
0x1f9: {  	[tilespmem:v12+s21+$0x0] =	vst.idx.msk $0xffff, v11;
	v8 =	vld [tilespmem:s8+$0x0]  }
0x1fa: {  	s24 =	simm.s32 $0x9;
	s22 =	simm.s32 $0x6;
	[tilespmem:v14+s21+$0x0] =	vst.idx.msk $0xffff, v6;
	v17 =	vld [tilespmem:s8+$0xFFFFFF40]  }
0x1fb: {  	v19 =	vmov s24;
	s23 =	simm.s32 $0x8;
	v7 =	vmov s22;
	[tilespmem:v24+s21+$0x0] =	vst.idx.msk $0xffff, v22;
	v18 =	vld [tilespmem:s8+$0xFFFFFF60]  }
0x1fc: {  	v3 =	vshll.u32 v41, v25;
	v59 =	vmov s23;
	s23 =	simm.s32 $0xA;
	v7 =	vshrl.u32 v7, $0x3;
	[tilespmem:v10+s21+$0x0] =	vst.idx.msk $0xffff, v9;
	v10 =	vld [tilespmem:s8+$0xFFFFFFB0]  }
0x1fd: {  	v62 =	vbroadcast v3, $0x0;
	v23 =	vmov s23;
	s23 =	simm.s32 $0xC;
	v58 =	vshll.u32 v7, v25;
	v40 =	vld [tilespmem:$0x1FEF0]  }
0x1fe: {  	s24 =	simm.s32 $0xB;
	v2 =	vshrl.u32 v59, $0x3;
	v16 =	vmov s23;
	v63 =	vbroadcast v58, $0x0;
	v33 =	vld [tilespmem:$0x1FF60]  }
0x1ff: {  	v20 =	vadd.s32 v28, v0;
	v21 =	vadd.s32 v30, v1;
	v12 =	vmov s24;
	s24 =	simm.s32 $0xD;
	v35 =	vld [tilespmem:$0x1FF80]  }
0x200: {  	v15 =	vadd.s32 v36, v63;
	v11 =	vadd.s32 v34, v62;
	v58 =	vmov s24;
	s24 =	simm.s32 $0xE;
	v41 =	vld [tilespmem:$0x1FFC0]  }
0x201: {  	s22 =	simm.s32 $0x10;
	s23 =	simm.s32 $0xF;
	v14 =	vshll.u32 v2, v25;
	v59 =	vmov s24;
	v9 =	vadd.s32 v39, v5;
	v37 =	vld [tilespmem:$0x1FFA0]  }
.LBB2_13:
0x202: {  	_ =	sdelay $0x1  }
0x203: {  	v2 =	vld [tilespmem:s8+$0xFFFFFF80]  }
0x204: {  	v0 =	vshrl.u32 v19, $0x3;
	v1 =	vmov s23;
	v3 =	vadd.s32 v33, v61;
	v5 =	vld [tilespmem:s8+$0xFFFFFFA0];
	[tilespmem:v11+s21+$0x0] =	vst.idx.msk $0xffff, v10  }
0x205: {  	v4 =	vshrl.u32 v23, $0x3;
	v6 =	vadd.s32 v35, v60;
	v1 =	vshrl.u32 v1, $0x3;
	[tilespmem:v15+s21+$0x0] =	vst.idx.msk $0xffff, v13;
	v13 =	vld [tilespmem:s8+$0xFFFFFF20]  }
0x206: {  	v7 =	vshrl.u32 v12, $0x3;
	v1 =	vshll.u32 v1, v25;
	[tilespmem:v9+s21+$0x0] =	vst.idx.msk $0xffff, v8;
	v15 =	vadd.s32 v40, v57;
	v8 =	vld [tilespmem:s8+$0xFFFFFFC0]  }
0x207: {  	v12 =	vadd.s32 v41, v63;
	v1 =	vbroadcast v1, $0x0;
	v9 =	vadd.s32 v37, v62;
	[tilespmem:v20+s21+$0x0] =	vst.idx.msk $0xffff, v17;
	v11 =	vld [tilespmem:s8+$0xFFFFFFE0];
	s8 =	sadd.s32 $0x100, s8  }
0x208: {  	v0 =	vshll.u32 v0, v25;
	v4 =	vshll.u32 v4, v25;
	v57 =	vbroadcast v14, $0x0;
	[tilespmem:v21+s21+$0x0] =	vst.idx.msk $0xffff, v18;
	v14 =	vld [tilespmem:s8+$0xFFFFFFF0]  }
0x209: {  	v0 =	vbroadcast v0, $0x0;
	v10 =	vshrl.u32 v16, $0x3;
	v16 =	vadd.s32 v38, v1;
	[tilespmem:v3+s21+$0x0] =	vst.idx.msk $0xffff, v2;
	v2 =	vld [tilespmem:s8+$0xFFFFFF10]  }
0x20a: {  	v7 =	vshll.u32 v7, v25;
	v4 =	vbroadcast v4, $0x0;
	[tilespmem:v6+s21+$0x0] =	vst.idx.msk $0xffff, v5;
	v3 =	vadd.s32 v26, v57;
	v5 =	vld [tilespmem:s8+$0xFFFFFF30]  }
0x20b: {  	v61 =	vbroadcast v7, $0x0;
	v6 =	vadd.s32 v27, v0;
	v7 =	vshll.u32 v10, v25;
	v17 =	vld [tilespmem:s8+$0xFFFFFF50];
	[tilespmem:v15+s21+$0x0] =	vst.idx.msk $0xffff, v13  }
0x20c: {  	v18 =	vadd.s32 v29, v4;
	v60 =	vbroadcast v7, $0x0;
	v7 =	vshrl.u32 v58, $0x3;
	v21 =	vld [tilespmem:s8+$0xFFFFFF70];
	[tilespmem:v9+s21+$0x0] =	vst.idx.msk $0xffff, v8  }
0x20d: {  	v22 =	vadd.s32 v31, v61;
	v10 =	vmov s22;
	v24 =	vld [tilespmem:s8+$0xFFFFFF90];
	v7 =	vshll.u32 v7, v25;
	[tilespmem:v12+s21+$0x0] =	vst.idx.msk $0xffff, v11  }
0x20e: {  	p1 =	slt.u32 s22, $0x78;
	s24 =	sadd.s32 $0x1, s22;
	v26 =	vadd.s32 v32, v60;
	v9 =	vadd.s32 v39, v1;
	v1 =	vshrl.u32 v10, $0x3;
	[tilespmem:v16+s21+$0x0] =	vst.idx.msk $0xffff, v14;
	v10 =	vld [tilespmem:s8+$0xFFFFFFB0]  }
.Ltmp6:
0x20f: {  	s23 =	sadd.s32 $0x2, s22;
	v19 =	vmov s24;
	v62 =	vbroadcast v7, $0x0;
	v8 =	vshrl.u32 v59, $0x3;
	[tilespmem:v3+s21+$0x0] =	vst.idx.msk $0xffff, v2;
	v13 =	vld [tilespmem:s8+$0xFFFFFFD0];
	(pc) =	sbr.rel @p1 .LBB2_13-.Ltmp6, $4  }
0x210: {  	s24 =	sadd.s32 $0x3, s22;
	v23 =	vmov s23;
	v20 =	vadd.s32 v28, v0;
	v7 =	vshll.u32 v8, v25;
	[tilespmem:v6+s21+$0x0] =	vst.idx.msk $0xffff, v5;
	v8 =	vld [tilespmem:s8+$0x0]  }
0x211: {  	s23 =	sadd.s32 $0x4, s22;
	v11 =	vadd.s32 v34, v62;
	v12 =	vmov s24;
	s24 =	sadd.s32 $0x5, s22;
	[tilespmem:v18+s21+$0x0] =	vst.idx.msk $0xffff, v17;
	v63 =	vbroadcast v7, $0x0;
	v17 =	vld [tilespmem:s8+$0xFFFFFF40]  }
0x212: {  	v16 =	vmov s23;
	v58 =	vmov s24;
	s24 =	sadd.s32 $0x6, s22;
	[tilespmem:v22+s21+$0x0] =	vst.idx.msk $0xffff, v21;
	v14 =	vshll.u32 v1, v25;
	v18 =	vld [tilespmem:s8+$0xFFFFFF60]  }
0x213: {  	s23 =	sadd.s32 $0x7, s22;
	s22 =	sadd.s32 $0x8, s22;
	v21 =	vadd.s32 v30, v4;
	v59 =	vmov s24;
	[tilespmem:v26+s21+$0x0] =	vst.idx.msk $0xffff, v24;
	v26 =	vld [tilespmem:$0x1FF00];
	v15 =	vadd.s32 v36, v63  }
0x214: {  	_ =	sdelay $0x2  }
0x215: {  	v0 =	vmov s23  }
0x216: {  	v1 =	vshrl.u32 v19, $0x3;
	v2 =	vld [tilespmem:s8+$0xFFFFFF80];
	v3 =	vadd.s32 v33, v61;
	v4 =	vshrl.u32 v23, $0x3;
	[tilespmem:v11+s21+$0x0] =	vst.idx.msk $0xffff, v10  }
0x217: {  	v5 =	vld [tilespmem:s8+$0xFFFFFFA0];
	v6 =	vadd.s32 v35, v60;
	v7 =	vshrl.u32 v12, $0x3;
	[tilespmem:v15+s21+$0x0] =	vst.idx.msk $0xffff, v13;
	v0 =	vshrl.u32 v0, $0x3  }
0x218: {  	v13 =	vbroadcast v14, $0x0;
	v14 =	vld [tilespmem:s8+$0xFFFFFF20];
	v15 =	vadd.s32 v40, v57;
	[tilespmem:v9+s21+$0x0] =	vst.idx.msk $0xffff, v8;
	v0 =	vshll.u32 v0, v25  }
0x219: {  	v8 =	vld [tilespmem:s8+$0xFFFFFFC0];
	v9 =	vadd.s32 v37, v62;
	v1 =	vshll.u32 v1, v25;
	[tilespmem:v20+s21+$0x0] =	vst.idx.msk $0xffff, v17;
	v0 =	vbroadcast v0, $0x0  }
0x21a: {  	v12 =	vadd.s32 v41, v63;
	s24 =	sadd.s32 $0x100, s8;
	v11 =	vld [tilespmem:s8+$0xFFFFFFE0];
	v4 =	vshll.u32 v4, v25;
	v1 =	vbroadcast v1, $0x0;
	[tilespmem:v21+s21+$0x0] =	vst.idx.msk $0xffff, v18  }
0x21b: {  	v10 =	vshrl.u32 v16, $0x3;
	v16 =	vld [tilespmem:s24+$0xFFFFFFF0];
	v7 =	vshll.u32 v7, v25;
	v17 =	vadd.s32 v38, v0;
	[tilespmem:v3+s21+$0x0] =	vst.idx.msk $0xffff, v2  }
0x21c: {  	v57 =	vld [tilespmem:s24+$0xFFFFFF30];
	v10 =	vshll.u32 v10, v25;
	v4 =	vbroadcast v4, $0x0;
	[tilespmem:v6+s21+$0x0] =	vst.idx.msk $0xffff, v5;
	v6 =	vadd.s32 v27, v1  }
0x21d: {  	v63 =	vld [tilespmem:s24+$0xFFFFFF10];
	v10 =	vbroadcast v10, $0x0;
	v18 =	vshrl.u32 v58, $0x3;
	v38 =	vadd.s32 v26, v13;
	[tilespmem:v15+s21+$0x0] =	vst.idx.msk $0xffff, v14  }
0x21e: {  	v7 =	vbroadcast v7, $0x0;
	v18 =	vshll.u32 v18, v25;
	[tilespmem:v9+s21+$0x0] =	vst.idx.msk $0xffff, v8;
	v8 =	vld [tilespmem:s24+$0xFFFFFF50];
	v9 =	vadd.s32 v29, v4  }
0x21f: {  	v19 =	vshrl.u32 v59, $0x3;
	v14 =	vld [tilespmem:s24+$0xFFFFFF90];
	v15 =	vadd.s32 v32, v10;
	v18 =	vbroadcast v18, $0x0;
	[tilespmem:v12+s21+$0x0] =	vst.idx.msk $0xffff, v11  }
0x220: {  	v19 =	vshll.u32 v19, v25;
	v11 =	vld [tilespmem:s24+$0xFFFFFF70];
	v12 =	vadd.s32 v31, v7;
	[tilespmem:v17+s21+$0x0] =	vst.idx.msk $0xffff, v16  }
0x221: {  	v60 =	vld [tilespmem:s24+$0xFFFFFFB0];
	v58 =	vbroadcast v19, $0x0;
	[tilespmem:v6+s21+$0x0] =	vst.idx.msk $0xffff, v57;
	v6 =	vadd.s32 v34, v18  }
0x222: {  	v0 =	vadd.s32 v39, v0;
	[tilespmem:v38+s21+$0x0] =	vst.idx.msk $0xffff, v63;
	v59 =	vld [tilespmem:s24+$0x0]  }
0x223: {  	[tilespmem:v9+s21+$0x0] =	vst.idx.msk $0xffff, v8;
	v8 =	vld [tilespmem:s24+$0xFFFFFFD0];
	v9 =	vadd.s32 v36, v58  }
0x224: {  	v1 =	vadd.s32 v28, v1;
	[tilespmem:v15+s21+$0x0] =	vst.idx.msk $0xffff, v14;
	v16 =	vld [tilespmem:s24+$0xFFFFFF40]  }
0x225: {  	v62 =	vadd.s32 v35, v10;
	[tilespmem:v12+s21+$0x0] =	vst.idx.msk $0xffff, v11;
	v61 =	vld [tilespmem:s24+$0xFFFFFFA0]  }
0x226: {  	v4 =	vadd.s32 v30, v4;
	v11 =	vld [tilespmem:s24+$0xFFFFFF60];
	[tilespmem:v6+s21+$0x0] =	vst.idx.msk $0xffff, v60  }
0x227: {  	v7 =	vadd.s32 v33, v7;
	v12 =	vld [tilespmem:s24+$0xFFFFFF80];
	[tilespmem:v0+s21+$0x0] =	vst.idx.msk $0xffff, v59  }
0x228: {  	v6 =	vadd.s32 v37, v18;
	v5 =	vld [tilespmem:s24+$0xFFFFFFC0];
	[tilespmem:v9+s21+$0x0] =	vst.idx.msk $0xffff, v8  }
0x229: {  	[tilespmem:v1+s21+$0x0] =	vst.idx.msk $0xffff, v16;
	v8 =	vld [tilespmem:s24+$0xFFFFFF20];
	v9 =	vadd.s32 v40, v13  }
0x22a: {  	v2 =	vadd.s32 v41, v58;
	[tilespmem:v62+s21+$0x0] =	vst.idx.msk $0xffff, v61;
	v63 =	vld [tilespmem:s24+$0xFFFFFFE0]  }
0x22b: {  	[tilespmem:v4+s21+$0x0] =	vst.idx.msk $0xffff, v11  }
0x22c: {  	[tilespmem:v7+s21+$0x0] =	vst.idx.msk $0xffff, v12  }
0x22d: {  	[tilespmem:v6+s21+$0x0] =	vst.idx.msk $0xffff, v5  }
0x22e: {  	[tilespmem:v9+s21+$0x0] =	vst.idx.msk $0xffff, v8  }
0x22f: {  	[tilespmem:v2+s21+$0x0] =	vst.idx.msk $0xffff, v63  }
0x230: {  	s22 =	rddreg [dreg:$0x4]  }
0x231: {  	s7 =	sadd.s32 s7, s22  }
0x232: {  	[hbm4b:s7+s3] =	stream.linear.scatter [tilespmem:s21], [sflag:$0x5], $0x80, $0x38;
	[tilespmem:$0xCC00] =	vst v63  }
0x233: {  	s24 =	simm.s32 $0xAA88;
	s8 =	sadd.s32 $0x10, s7  }
0x234: {  	[hbm4b:s8+s3] =	stream.linear.scatter [tilespmem:s24], [sflag:$0x5], $0x80, $0x38;
	[tilespmem:$0xCC00] =	vst v63  }
0x235: {  	s22 =	simm.s32 $0xAB10;
	s23 =	sadd.s32 $0x20, s7  }
0x236: {  	[hbm4b:s23+s3] =	stream.linear.scatter [tilespmem:s22], [sflag:$0x5], $0x80, $0x38;
	[tilespmem:$0xCC00] =	vst v63  }
0x237: {  	s22 =	sadd.s32 $0x30, s7;
	s23 =	simm.s32 $0xAB98  }
0x238: {  	[hbm4b:s22+s3] =	stream.linear.scatter [tilespmem:s23], [sflag:$0x5], $0x80, $0x38;
	[tilespmem:$0xCC00] =	vst v63  }
0x239: {  	s22 =	sadd.s32 $0x40, s7;
	s23 =	simm.s32 $0xAC20  }
0x23a: {  	[hbm4b:s22+s3] =	stream.linear.scatter [tilespmem:s23], [sflag:$0x5], $0x80, $0x38;
	[tilespmem:$0xCC00] =	vst v63  }
0x23b: {  	s22 =	sadd.s32 $0x50, s7;
	s23 =	simm.s32 $0xACA8  }
0x23c: {  	[hbm4b:s22+s3] =	stream.linear.scatter [tilespmem:s23], [sflag:$0x5], $0x80, $0x38;
	[tilespmem:$0xCC00] =	vst v63  }
0x23d: {  	s22 =	sadd.s32 $0x60, s7;
	s23 =	simm.s32 $0xAD30  }
0x23e: {  	[hbm4b:s22+s3] =	stream.linear.scatter [tilespmem:s23], [sflag:$0x5], $0x80, $0x38;
	[tilespmem:$0xCC00] =	vst v63  }
0x23f: {  	s22 =	sadd.s32 $0x70, s7;
	s23 =	simm.s32 $0xADB8  }
0x240: {  	[hbm4b:s22+s3] =	stream.linear.scatter [tilespmem:s23], [sflag:$0x5], $0x80, $0x38;
	[tilespmem:$0xCC00] =	vst v63  }
0x241: {  	s22 =	sadd.s32 $0x1000, s7;
	s23 =	simm.s32 $0xAE40  }
0x242: {  	[hbm4b:s22+s3] =	stream.linear.scatter [tilespmem:s23], [sflag:$0x5], $0x80, $0x38;
	[tilespmem:$0xCC00] =	vst v63  }
0x243: {  	s22 =	sadd.s32 $0x1010, s7;
	s23 =	simm.s32 $0xAEC8  }
0x244: {  	[hbm4b:s22+s3] =	stream.linear.scatter [tilespmem:s23], [sflag:$0x5], $0x80, $0x38;
	[tilespmem:$0xCC00] =	vst v63  }
0x245: {  	s22 =	sadd.s32 $0x1020, s7;
	s23 =	simm.s32 $0xAF50  }
0x246: {  	[hbm4b:s22+s3] =	stream.linear.scatter [tilespmem:s23], [sflag:$0x5], $0x80, $0x38;
	[tilespmem:$0xCC00] =	vst v63  }
0x247: {  	s22 =	sadd.s32 $0x1030, s7;
	s23 =	simm.s32 $0xAFD8  }
0x248: {  	[hbm4b:s22+s3] =	stream.linear.scatter [tilespmem:s23], [sflag:$0x5], $0x80, $0x38;
	[tilespmem:$0xCC00] =	vst v63  }
0x249: {  	s22 =	sadd.s32 $0x1040, s7;
	s23 =	simm.s32 $0xB060  }
0x24a: {  	[hbm4b:s22+s3] =	stream.linear.scatter [tilespmem:s23], [sflag:$0x5], $0x80, $0x38;
	[tilespmem:$0xCC00] =	vst v63  }
0x24b: {  	s22 =	sadd.s32 $0x1050, s7;
	s23 =	simm.s32 $0xB0E8  }
0x24c: {  	[hbm4b:s22+s3] =	stream.linear.scatter [tilespmem:s23], [sflag:$0x5], $0x80, $0x38;
	[tilespmem:$0xCC00] =	vst v63  }
0x24d: {  	s22 =	sadd.s32 $0x1060, s7;
	s23 =	simm.s32 $0xB170  }
0x24e: {  	[hbm4b:s22+s3] =	stream.linear.scatter [tilespmem:s23], [sflag:$0x5], $0x80, $0x38;
	[tilespmem:$0xCC00] =	vst v63  }
0x24f: {  	s22 =	sadd.s32 $0x1070, s7;
	s23 =	simm.s32 $0xB1F8  }
0x250: {  	[hbm4b:s22+s3] =	stream.linear.scatter [tilespmem:s23], [sflag:$0x5], $0x80, $0x38;
	[tilespmem:$0xCC00] =	vst v63  }
0x251: {  	s22 =	sadd.s32 $0x2000, s7;
	s23 =	simm.s32 $0xB280  }
0x252: {  	[hbm4b:s22+s3] =	stream.linear.scatter [tilespmem:s23], [sflag:$0x5], $0x80, $0x38;
	[tilespmem:$0xCC00] =	vst v63  }
0x253: {  	s22 =	sadd.s32 $0x2010, s7;
	s23 =	simm.s32 $0xB308  }
0x254: {  	[hbm4b:s22+s3] =	stream.linear.scatter [tilespmem:s23], [sflag:$0x5], $0x80, $0x38;
	[tilespmem:$0xCC00] =	vst v63  }
0x255: {  	s22 =	sadd.s32 $0x2020, s7;
	s23 =	simm.s32 $0xB390  }
0x256: {  	[hbm4b:s22+s3] =	stream.linear.scatter [tilespmem:s23], [sflag:$0x5], $0x80, $0x38;
	[tilespmem:$0xCC00] =	vst v63  }
0x257: {  	s22 =	sadd.s32 $0x2030, s7;
	s23 =	simm.s32 $0xB418  }
0x258: {  	[hbm4b:s22+s3] =	stream.linear.scatter [tilespmem:s23], [sflag:$0x5], $0x80, $0x38;
	[tilespmem:$0xCC00] =	vst v63  }
0x259: {  	s22 =	sadd.s32 $0x2040, s7;
	s23 =	simm.s32 $0xB4A0  }
0x25a: {  	[hbm4b:s22+s3] =	stream.linear.scatter [tilespmem:s23], [sflag:$0x5], $0x80, $0x38;
	[tilespmem:$0xCC00] =	vst v63  }
0x25b: {  	s22 =	sadd.s32 $0x2050, s7;
	s23 =	simm.s32 $0xB528  }
0x25c: {  	[hbm4b:s22+s3] =	stream.linear.scatter [tilespmem:s23], [sflag:$0x5], $0x80, $0x38;
	[tilespmem:$0xCC00] =	vst v63  }
0x25d: {  	s22 =	sadd.s32 $0x2060, s7;
	s23 =	simm.s32 $0xB5B0  }
0x25e: {  	[hbm4b:s22+s3] =	stream.linear.scatter [tilespmem:s23], [sflag:$0x5], $0x80, $0x38;
	[tilespmem:$0xCC00] =	vst v63  }
0x25f: {  	s22 =	sadd.s32 $0x2070, s7;
	s23 =	simm.s32 $0xB638  }
0x260: {  	[hbm4b:s22+s3] =	stream.linear.scatter [tilespmem:s23], [sflag:$0x5], $0x80, $0x38;
	[tilespmem:$0xCC00] =	vst v63  }
0x261: {  	s22 =	sadd.s32 $0x3000, s7;
	s23 =	simm.s32 $0xB6C0  }
0x262: {  	[hbm4b:s22+s3] =	stream.linear.scatter [tilespmem:s23], [sflag:$0x5], $0x80, $0x38;
	[tilespmem:$0xCC00] =	vst v63  }
0x263: {  	s22 =	sadd.s32 $0x3010, s7;
	s23 =	simm.s32 $0xB748  }
0x264: {  	[hbm4b:s22+s3] =	stream.linear.scatter [tilespmem:s23], [sflag:$0x5], $0x80, $0x38;
	[tilespmem:$0xCC00] =	vst v63  }
0x265: {  	s22 =	sadd.s32 $0x3020, s7;
	s23 =	simm.s32 $0xB7D0  }
0x266: {  	[hbm4b:s22+s3] =	stream.linear.scatter [tilespmem:s23], [sflag:$0x5], $0x80, $0x38;
	[tilespmem:$0xCC00] =	vst v63  }
0x267: {  	s22 =	sadd.s32 $0x3030, s7;
	s23 =	simm.s32 $0xB858  }
0x268: {  	[hbm4b:s22+s3] =	stream.linear.scatter [tilespmem:s23], [sflag:$0x5], $0x80, $0x38;
	[tilespmem:$0xCC00] =	vst v63  }
0x269: {  	s2 =	sadd.s32 @!p0 $0x6, s2;
	v0 =	vlaneseq.u32 @!p0;
	s22 =	sadd.s32 $0x3040, s7;
	s23 =	simm.s32 $0xB8E0  }
0x26a: {  	v1 =	vmov @!p0 s2;
	v0 =	vmul.u32 @!p0 $0xD0, v0;
	[hbm4b:s22+s3] =	stream.linear.scatter [tilespmem:s23], [sflag:$0x5], $0x80, $0x38;
	[tilespmem:$0xCC00] =	vst v63  }
0x26b: {  	v1 =	vand.u32 @!p0 $0x1FE, v1;
	s22 =	sadd.s32 $0x3050, s7;
	s23 =	simm.s32 $0xB968  }
0x26c: {  	v2 =	vadd.s32 @!p0 v0, v1;
	[hbm4b:s22+s3] =	stream.linear.scatter [tilespmem:s23], [sflag:$0x5], $0x80, $0x38;
	[tilespmem:$0xCC00] =	vst v63  }
0x26d: {  	s22 =	sadd.s32 $0x3060, s7;
	s23 =	simm.s32 $0xB9F0  }
0x26e: {  	[hbm4b:s22+s3] =	stream.linear.scatter [tilespmem:s23], [sflag:$0x5], $0x80, $0x38;
	[tilespmem:$0xCC00] =	vst v63  }
0x26f: {  	s2 =	simm.s32 @!p0 $0x0;
	s22 =	sadd.s32 $0x3070, s7;
	s23 =	simm.s32 $0xBA78  }
0x270: {  	[hbm4b:s22+s3] =	stream.linear.scatter [tilespmem:s23], [sflag:$0x5], $0x80, $0x38;
	[tilespmem:$0xCC00] =	vst v63  }
0x271: {  	v3 =	vadd.s32 @!p0 $0xD00, v0;
	v2 =	vld.idx.msk @!p0 [tilespmem:v2+s2+$0x0], $0xffff  }
0x272: {  	v3 =	vadd.s32 @!p0 v3, v1;
	_ =	sdelay $0x3  }
0x273: {  	[tilespmem:$0x6900] =	vst @!p0 v2  }
0x274: {  	v2 =	vld.idx.msk @!p0 [tilespmem:v3+s2+$0x0], $0xffff;
	v3 =	vadd.s32 @!p0 $0x1A00, v0  }
0x275: {  	v3 =	vadd.s32 @!p0 v3, v1;
	_ =	sdelay $0x3  }
0x276: {  	[tilespmem:$0x6910] =	vst @!p0 v2  }
0x277: {  	v2 =	vld.idx.msk @!p0 [tilespmem:v3+s2+$0x0], $0xffff;
	v3 =	vadd.s32 @!p0 $0x2700, v0  }
0x278: {  	v3 =	vadd.s32 @!p0 v3, v1;
	_ =	sdelay $0x3  }
0x279: {  	[tilespmem:$0x6920] =	vst @!p0 v2  }
0x27a: {  	v2 =	vld.idx.msk @!p0 [tilespmem:v3+s2+$0x0], $0xffff;
	v3 =	vadd.s32 @!p0 $0x3400, v0  }
0x27b: {  	v3 =	vadd.s32 @!p0 v3, v1;
	_ =	sdelay $0x3  }
0x27c: {  	[tilespmem:$0x6930] =	vst @!p0 v2  }
0x27d: {  	v2 =	vld.idx.msk @!p0 [tilespmem:v3+s2+$0x0], $0xffff;
	v3 =	vadd.s32 @!p0 $0x4100, v0  }
0x27e: {  	v3 =	vadd.s32 @!p0 v3, v1;
	_ =	sdelay $0x3  }
0x27f: {  	[tilespmem:$0x6940] =	vst @!p0 v2  }
0x280: {  	v2 =	vld.idx.msk @!p0 [tilespmem:v3+s2+$0x0], $0xffff;
	v3 =	vadd.s32 @!p0 $0x4E00, v0  }
0x281: {  	v3 =	vadd.s32 @!p0 v3, v1;
	_ =	sdelay $0x3  }
0x282: {  	[tilespmem:$0x6950] =	vst @!p0 v2  }
0x283: {  	v0 =	vadd.s32 @!p0 $0x5B00, v0;
	v2 =	vld.idx.msk @!p0 [tilespmem:v3+s2+$0x0], $0xffff  }
0x284: {  	v0 =	vadd.s32 @!p0 v0, v1;
	_ =	sdelay $0x3  }
0x285: {  	[tilespmem:$0x6960] =	vst @!p0 v2  }
0x286: {  	v0 =	vld.idx.msk @!p0 [tilespmem:v0+s2+$0x0], $0xffff;
	_ =	sdelay $0x4  }
0x287: {  	s8 =	simm.s32 @!p0 $0x8A00;
	s7 =	simm.s32 @!p0 $0x6900;
	s2 =	simm.s32 @!p0 $0x80;
	[tilespmem:$0x6970] =	vst @!p0 v0  }
0x288: {  	[tilespmem:s8], [sflag:$0x3] =	stream.indirect.gather @!p0 [hbm4b:s4+s2], $0x20, s7, s2, $0xb8;
	[tilespmem:$0xCC00] =	vst v63  }
0x289: {  	s22 =	simm.s32 $0x2;
	s23 =	simm.s32 $0x3;
	_ =	swait.ge [sflag:s18], $0x1000  }
0x28a: {  	v29 =	vmov s22;
	s22 =	simm.s32 $0x7;
	v30 =	vmov s23;
	s23 =	simm.s32 $0x5;
	[sflag:s18] =	ssyncset.done $0x0  }
0x28b: {  	v32 =	vmov s22;
	v6 =	vmov s23;
	s22 =	simm.s32 $0x6;
	s7 =	simm.s32 $0x0;
	[sflag:s18] =	ssyncadd.s32 $0xFFFFF000  }
0x28c: {  	v7 =	vmov s22;
	v3 =	vshrl.u32 v30, $0x3;
	v5 =	vmov s7;
	_ =	swait.ge [sflag:s30], $0x1000  }
0x28d: {  	v3 =	vshll.u32 v3, v25;
	s8 =	simm.s32 $0x1;
	v0 =	vshrl.u32 v5, $0x3;
	v5 =	vshrl.u32 v32, $0x3;
	v40 =	vld [tilespmem:$0x1FFF0]  }
0x28e: {  	v2 =	vshrl.u32 v29, $0x3;
	v28 =	vmov s8;
	v5 =	vshll.u32 v5, v25  }
0x28f: {  	v1 =	vshrl.u32 v28, $0x3;
	v0 =	vshll.u32 v0, v25;
	v5 =	vbroadcast v5, $0x0;
	[sflag:s30] =	ssyncset.done $0x0  }
0x290: {  	v34 =	vshll.u32 v2, v25;
	s2 =	simm.s32 $0x9AF0;
	s8 =	simm.s32 $0x4;
	v33 =	vshll.u32 v1, v25;
	v57 =	vbroadcast v0, $0x0;
	[sflag:s30] =	ssyncadd.s32 $0xFFFFF000  }
0x291: {  	v31 =	vmov s8;
	v0 =	vbroadcast v33, $0x0;
	v8 =	vadd.s32 v55, v5;
	v36 =	vld [tilespmem:s2+$0xFFFFFFF0]  }
0x292: {  	v4 =	vshrl.u32 v31, $0x3;
	v1 =	vbroadcast v34, $0x0;
	v9 =	vld [tilespmem:s2+$0xFFFFFF10];
	v10 =	vadd.s32 v40, v57  }
0x293: {  	v61 =	vbroadcast v3, $0x0;
	v37 =	vshll.u32 v4, v25;
	v12 =	vadd.s32 v43, v0;
	v11 =	vld [tilespmem:s2+$0xFFFFFF30]  }
0x294: {  	v39 =	vshrl.u32 v6, $0x3;
	v13 =	vadd.s32 v45, v1;
	v60 =	vbroadcast v37, $0x0;
	v38 =	vld [tilespmem:s2+$0xFFFFFF50]  }
0x295: {  	v7 =	vshrl.u32 v7, $0x3;
	v3 =	vshll.u32 v39, v25;
	v14 =	vadd.s32 v47, v61;
	v6 =	vld [tilespmem:s2+$0xFFFFFF70]  }
0x296: {  	s22 =	simm.s32 $0xA;
	v58 =	vshll.u32 v7, v25;
	v62 =	vbroadcast v3, $0x0;
	v22 =	vld [tilespmem:s2+$0xFFFFFF90];
	v24 =	vadd.s32 v49, v60;
	[tilespmem:v8+s21+$0x0] =	vst.idx.msk $0xffff, v36  }
0x297: {  	s23 =	simm.s32 $0x8;
	v23 =	vmov s22;
	s22 =	simm.s32 $0xD;
	v63 =	vbroadcast v58, $0x0;
	v8 =	vld [tilespmem:s2+$0x0];
	[tilespmem:v10+s21+$0x0] =	vst.idx.msk $0xffff, v9;
	v9 =	vadd.s32 v56, v5  }
0x298: {  	v59 =	vmov s23;
	v58 =	vmov s22;
	s8 =	simm.s32 $0x9;
	[tilespmem:v12+s21+$0x0] =	vst.idx.msk $0xffff, v11;
	v11 =	vadd.s32 v51, v62;
	v10 =	vld [tilespmem:s2+$0xFFFFFFB0]  }
0x299: {  	s23 =	simm.s32 $0xB;
	v15 =	vadd.s32 v53, v63;
	v2 =	vshrl.u32 v59, $0x3;
	v19 =	vmov s8;
	s8 =	simm.s32 $0xC;
	[tilespmem:v13+s21+$0x0] =	vst.idx.msk $0xffff, v38;
	v13 =	vld [tilespmem:s2+$0xFFFFFFD0]  }
0x29a: {  	v16 =	vmov s8;
	v20 =	vadd.s32 v44, v0;
	v12 =	vmov s23;
	s23 =	simm.s32 $0xE;
	[tilespmem:v14+s21+$0x0] =	vst.idx.msk $0xffff, v6;
	v17 =	vld [tilespmem:s2+$0xFFFFFF40]  }
0x29b: {  	s7 =	simm.s32 $0x10;
	s8 =	simm.s32 $0xF;
	v21 =	vadd.s32 v46, v1;
	v33 =	vmovc v35;
	v14 =	vshll.u32 v2, v25;
	[tilespmem:v24+s21+$0x0] =	vst.idx.msk $0xffff, v22;
	v59 =	vmov s23;
	v18 =	vld [tilespmem:s2+$0xFFFFFF60]  }
.LBB2_15:
0x29c: {  	p0 =	slt.u32 s7, $0x78;
	v0 =	vshrl.u32 v19, $0x3;
	v1 =	vmov s8;
	v2 =	vld [tilespmem:s2+$0xFFFFFF80];
	v3 =	vadd.s32 v48, v61;
	[tilespmem:v9+s21+$0x0] =	vst.idx.msk $0xffff, v8  }
0x29d: {  	v4 =	vshrl.u32 v23, $0x3;
	v6 =	vadd.s32 v50, v60;
	v1 =	vshrl.u32 v1, $0x3;
	v5 =	vld [tilespmem:s2+$0xFFFFFFA0];
	[tilespmem:v11+s21+$0x0] =	vst.idx.msk $0xffff, v10  }
0x29e: {  	v7 =	vshrl.u32 v12, $0x3;
	v9 =	vadd.s32 v52, v62;
	v1 =	vshll.u32 v1, v25;
	v8 =	vld [tilespmem:s2+$0xFFFFFFC0];
	[tilespmem:v15+s21+$0x0] =	vst.idx.msk $0xffff, v13  }
0x29f: {  	v12 =	vadd.s32 v54, v63;
	v10 =	vshrl.u32 v16, $0x3;
	v1 =	vbroadcast v1, $0x0;
	[tilespmem:v20+s21+$0x0] =	vst.idx.msk $0xffff, v17;
	v11 =	vld [tilespmem:s2+$0xFFFFFFE0]  }
0x2a0: {  	v0 =	vshll.u32 v0, v25;
	v15 =	vadd.s32 v42, v57;
	v57 =	vbroadcast v14, $0x0;
	v13 =	vld [tilespmem:s2+$0xFFFFFF20];
	[tilespmem:v21+s21+$0x0] =	vst.idx.msk $0xffff, v18;
	s2 =	sadd.s32 $0x100, s2  }
0x2a1: {  	v4 =	vshll.u32 v4, v25;
	v0 =	vbroadcast v0, $0x0;
	v14 =	vld [tilespmem:s2+$0xFFFFFFF0];
	v16 =	vadd.s32 v55, v1;
	[tilespmem:v3+s21+$0x0] =	vst.idx.msk $0xffff, v2  }
0x2a2: {  	v7 =	vshll.u32 v7, v25;
	v4 =	vbroadcast v4, $0x0;
	v3 =	vadd.s32 v40, v57;
	v2 =	vld [tilespmem:s2+$0xFFFFFF10];
	[tilespmem:v6+s21+$0x0] =	vst.idx.msk $0xffff, v5  }
0x2a3: {  	v61 =	vbroadcast v7, $0x0;
	v7 =	vshll.u32 v10, v25;
	v6 =	vadd.s32 v43, v0;
	v5 =	vld [tilespmem:s2+$0xFFFFFF30];
	[tilespmem:v9+s21+$0x0] =	vst.idx.msk $0xffff, v8  }
0x2a4: {  	v60 =	vbroadcast v7, $0x0;
	v7 =	vshrl.u32 v58, $0x3;
	v18 =	vadd.s32 v45, v4;
	v17 =	vld [tilespmem:s2+$0xFFFFFF50];
	[tilespmem:v12+s21+$0x0] =	vst.idx.msk $0xffff, v11  }
0x2a5: {  	v22 =	vadd.s32 v47, v61;
	v7 =	vshll.u32 v7, v25;
	v8 =	vshrl.u32 v59, $0x3;
	v21 =	vld [tilespmem:s2+$0xFFFFFF70];
	[tilespmem:v15+s21+$0x0] =	vst.idx.msk $0xffff, v13  }
0x2a6: {  	v26 =	vadd.s32 v49, v60;
	v62 =	vbroadcast v7, $0x0;
	v7 =	vshll.u32 v8, v25;
	v24 =	vld [tilespmem:s2+$0xFFFFFF90];
	[tilespmem:v16+s21+$0x0] =	vst.idx.msk $0xffff, v14  }
.Ltmp7:
0x2a7: {  	s8 =	sadd.s32 $0x1, s7;
	v10 =	vmov s7;
	v9 =	vadd.s32 v56, v1;
	v63 =	vbroadcast v7, $0x0;
	[tilespmem:v3+s21+$0x0] =	vst.idx.msk $0xffff, v2;
	v8 =	vld [tilespmem:s2+$0x0];
	(pc) =	sbr.rel @p0 .LBB2_15-.Ltmp7, $4  }
0x2a8: {  	s22 =	sadd.s32 $0x3, s7;
	v19 =	vmov s8;
	s8 =	sadd.s32 $0x2, s7;
	v1 =	vshrl.u32 v10, $0x3;
	v11 =	vadd.s32 v51, v62;
	[tilespmem:v6+s21+$0x0] =	vst.idx.msk $0xffff, v5;
	v10 =	vld [tilespmem:s2+$0xFFFFFFB0]  }
0x2a9: {  	v23 =	vmov s8;
	s8 =	sadd.s32 $0x4, s7;
	v12 =	vmov s22;
	s22 =	sadd.s32 $0x5, s7;
	v15 =	vadd.s32 v53, v63;
	[tilespmem:v18+s21+$0x0] =	vst.idx.msk $0xffff, v17;
	v13 =	vld [tilespmem:s2+$0xFFFFFFD0]  }
0x2aa: {  	v20 =	vadd.s32 v44, v0;
	v58 =	vmov s22;
	v16 =	vmov s8;
	s8 =	sadd.s32 $0x6, s7;
	v17 =	vld [tilespmem:s2+$0xFFFFFF40];
	[tilespmem:v22+s21+$0x0] =	vst.idx.msk $0xffff, v21  }
0x2ab: {  	v14 =	vshll.u32 v1, v25;
	v59 =	vmov s8;
	s8 =	sadd.s32 $0x7, s7;
	s7 =	sadd.s32 $0x8, s7;
	v21 =	vadd.s32 v46, v4;
	v18 =	vld [tilespmem:s2+$0xFFFFFF60];
	[tilespmem:v26+s21+$0x0] =	vst.idx.msk $0xffff, v24  }
0x2ac: {  	_ =	sdelay $0x2  }
0x2ad: {  	v0 =	vmov s8;
	v3 =	vadd.s32 v48, v61  }
0x2ae: {  	v1 =	vshrl.u32 v19, $0x3;
	v2 =	vld [tilespmem:s2+$0xFFFFFF80];
	[tilespmem:v9+s21+$0x0] =	vst.idx.msk $0xffff, v8;
	v6 =	vadd.s32 v50, v60;
	v38 =	vadd.s32 v52, v62  }
0x2af: {  	v4 =	vshrl.u32 v23, $0x3;
	v61 =	vadd.s32 v54, v63;
	v62 =	vld [tilespmem:s2+$0xFFFFFF20];
	v63 =	vadd.s32 v42, v57;
	[tilespmem:v11+s21+$0x0] =	vst.idx.msk $0xffff, v10  }
0x2b0: {  	v0 =	vshrl.u32 v0, $0x3;
	v1 =	vshll.u32 v1, v25;
	v8 =	vld [tilespmem:s2+$0xFFFFFFC0];
	[tilespmem:v15+s21+$0x0] =	vst.idx.msk $0xffff, v13;
	v13 =	vbroadcast v14, $0x0  }
0x2b1: {  	v39 =	vshrl.u32 v16, $0x3;
	s8 =	sadd.s32 $0x100, s2;
	v0 =	vshll.u32 v0, v25;
	v1 =	vbroadcast v1, $0x0;
	[tilespmem:v20+s21+$0x0] =	vst.idx.msk $0xffff, v17;
	v60 =	vld [tilespmem:s2+$0xFFFFFFE0]  }
0x2b2: {  	v34 =	vld [tilespmem:s8+$0xFFFFFF10];
	v10 =	vshll.u32 v39, v25;
	v0 =	vbroadcast v0, $0x0;
	[tilespmem:v21+s21+$0x0] =	vst.idx.msk $0xffff, v18;
	v35 =	vadd.s32 v40, v13  }
0x2b3: {  	v7 =	vshrl.u32 v12, $0x3;
	v36 =	vld [tilespmem:s8+$0xFFFFFF30];
	v10 =	vbroadcast v10, $0x0;
	v37 =	vadd.s32 v43, v1;
	[tilespmem:v3+s21+$0x0] =	vst.idx.msk $0xffff, v2  }
0x2b4: {  	v57 =	vshrl.u32 v58, $0x3;
	v4 =	vshll.u32 v4, v25;
	v16 =	vld [tilespmem:s8+$0xFFFFFFF0];
	v32 =	vadd.s32 v55, v0;
	[tilespmem:v63+s21+$0x0] =	vst.idx.msk $0xffff, v62  }
0x2b5: {  	v7 =	vshll.u32 v7, v25;
	v4 =	vbroadcast v4, $0x0;
	v62 =	vld [tilespmem:s8+$0xFFFFFF90];
	v63 =	vadd.s32 v49, v10;
	[tilespmem:v38+s21+$0x0] =	vst.idx.msk $0xffff, v8  }
0x2b6: {  	v5 =	vld [tilespmem:s2+$0xFFFFFFA0];
	v7 =	vbroadcast v7, $0x0;
	v18 =	vshll.u32 v57, v25;
	[tilespmem:v61+s21+$0x0] =	vst.idx.msk $0xffff, v60  }
0x2b7: {  	v39 =	vadd.s32 v45, v4;
	v18 =	vbroadcast v18, $0x0;
	v38 =	vld [tilespmem:s8+$0xFFFFFF50];
	[tilespmem:v35+s21+$0x0] =	vst.idx.msk $0xffff, v34  }
0x2b8: {  	v58 =	vld [tilespmem:s8+$0xFFFFFF70];
	v60 =	vadd.s32 v47, v7;
	v61 =	vshrl.u32 v59, $0x3;
	[tilespmem:v37+s21+$0x0] =	vst.idx.msk $0xffff, v36  }
0x2b9: {  	v19 =	vshll.u32 v61, v25;
	v35 =	vld [tilespmem:s8+$0xFFFFFFB0];
	v36 =	vadd.s32 v51, v18;
	[tilespmem:v32+s21+$0x0] =	vst.idx.msk $0xffff, v16  }
0x2ba: {  	v32 =	vbroadcast v19, $0x0;
	[tilespmem:v63+s21+$0x0] =	vst.idx.msk $0xffff, v62;
	v62 =	vld [tilespmem:s8+$0xFFFFFF20];
	v63 =	vadd.s32 v42, v13  }
0x2bb: {  	[tilespmem:v6+s21+$0x0] =	vst.idx.msk $0xffff, v5;
	v0 =	vadd.s32 v56, v0;
	v34 =	vld [tilespmem:s8+$0x0]  }
0x2bc: {  	v37 =	vld [tilespmem:s8+$0xFFFFFFD0];
	[tilespmem:v39+s21+$0x0] =	vst.idx.msk $0xffff, v38;
	v38 =	vadd.s32 v53, v32  }
0x2bd: {  	v1 =	vadd.s32 v44, v1;
	v39 =	vld [tilespmem:s8+$0xFFFFFF40];
	[tilespmem:v60+s21+$0x0] =	vst.idx.msk $0xffff, v58  }
0x2be: {  	v4 =	vadd.s32 v46, v4;
	v57 =	vld [tilespmem:s8+$0xFFFFFF60];
	[tilespmem:v36+s21+$0x0] =	vst.idx.msk $0xffff, v35  }
0x2bf: {  	v59 =	vadd.s32 v50, v10;
	v58 =	vld [tilespmem:s8+$0xFFFFFFA0];
	[tilespmem:v63+s21+$0x0] =	vst.idx.msk $0xffff, v62  }
0x2c0: {  	v7 =	vadd.s32 v48, v7;
	v12 =	vld [tilespmem:s8+$0xFFFFFF80];
	[tilespmem:v0+s21+$0x0] =	vst.idx.msk $0xffff, v34  }
0x2c1: {  	v60 =	vadd.s32 v52, v18;
	v5 =	vld [tilespmem:s8+$0xFFFFFFC0];
	[tilespmem:v38+s21+$0x0] =	vst.idx.msk $0xffff, v37  }
0x2c2: {  	v2 =	vadd.s32 v54, v32;
	[tilespmem:v1+s21+$0x0] =	vst.idx.msk $0xffff, v39;
	v61 =	vld [tilespmem:s8+$0xFFFFFFE0]  }
0x2c3: {  	[tilespmem:v4+s21+$0x0] =	vst.idx.msk $0xffff, v57  }
0x2c4: {  	s11 =	sshll.u32 s11, $0x11;
	[tilespmem:v59+s21+$0x0] =	vst.idx.msk $0xffff, v58  }
0x2c5: {  	s2 =	sor.u32 s6, s11;
	[tilespmem:v7+s21+$0x0] =	vst.idx.msk $0xffff, v12  }
0x2c6: {  	s2 =	sshrl.u32 s2, $0x3;
	[tilespmem:v60+s21+$0x0] =	vst.idx.msk $0xffff, v5  }
0x2c7: {  	s7 =	simm.s32 $0xBB00;
	s2 =	sadd.s32 s25, s2;
	[tilespmem:v2+s21+$0x0] =	vst.idx.msk $0xffff, v61  }
0x2c8: {  	[hbm4b:s2+s3] =	stream.linear.scatter [tilespmem:s7], [sflag:$0x6], $0x80, $0x38;
	[tilespmem:$0xCC00] =	vst v63  }
0x2c9: {  	s23 =	simm.s32 $0xBB88;
	s22 =	sadd.s32 $0x10, s2  }
0x2ca: {  	[hbm4b:s22+s3] =	stream.linear.scatter [tilespmem:s23], [sflag:$0x6], $0x80, $0x38;
	[tilespmem:$0xCC00] =	vst v63  }
0x2cb: {  	s11 =	simm.s32 $0xBC10;
	s8 =	sadd.s32 $0x20, s2  }
0x2cc: {  	[hbm4b:s8+s3] =	stream.linear.scatter [tilespmem:s11], [sflag:$0x6], $0x80, $0x38;
	[tilespmem:$0xCC00] =	vst v63  }
0x2cd: {  	s22 =	sadd.s32 $0x30, s2;
	s23 =	simm.s32 $0xBC98  }
0x2ce: {  	[hbm4b:s22+s3] =	stream.linear.scatter [tilespmem:s23], [sflag:$0x6], $0x80, $0x38;
	[tilespmem:$0xCC00] =	vst v63  }
0x2cf: {  	s8 =	sadd.s32 $0x40, s2;
	s11 =	simm.s32 $0xBD20  }
0x2d0: {  	[hbm4b:s8+s3] =	stream.linear.scatter [tilespmem:s11], [sflag:$0x6], $0x80, $0x38;
	[tilespmem:$0xCC00] =	vst v63  }
0x2d1: {  	s22 =	sadd.s32 $0x50, s2;
	s23 =	simm.s32 $0xBDA8  }
0x2d2: {  	[hbm4b:s22+s3] =	stream.linear.scatter [tilespmem:s23], [sflag:$0x6], $0x80, $0x38;
	[tilespmem:$0xCC00] =	vst v63  }
0x2d3: {  	s8 =	sadd.s32 $0x60, s2;
	s11 =	simm.s32 $0xBE30  }
0x2d4: {  	[hbm4b:s8+s3] =	stream.linear.scatter [tilespmem:s11], [sflag:$0x6], $0x80, $0x38;
	[tilespmem:$0xCC00] =	vst v63  }
0x2d5: {  	s22 =	sadd.s32 $0x70, s2;
	s23 =	simm.s32 $0xBEB8  }
0x2d6: {  	[hbm4b:s22+s3] =	stream.linear.scatter [tilespmem:s23], [sflag:$0x6], $0x80, $0x38;
	[tilespmem:$0xCC00] =	vst v63  }
0x2d7: {  	s8 =	sadd.s32 $0x1000, s2;
	s11 =	simm.s32 $0xBF40  }
0x2d8: {  	[hbm4b:s8+s3] =	stream.linear.scatter [tilespmem:s11], [sflag:$0x6], $0x80, $0x38;
	[tilespmem:$0xCC00] =	vst v63  }
0x2d9: {  	s22 =	sadd.s32 $0x1010, s2;
	s23 =	simm.s32 $0xBFC8  }
0x2da: {  	[hbm4b:s22+s3] =	stream.linear.scatter [tilespmem:s23], [sflag:$0x6], $0x80, $0x38;
	[tilespmem:$0xCC00] =	vst v63  }
0x2db: {  	s8 =	sadd.s32 $0x1020, s2;
	s11 =	simm.s32 $0xC050  }
0x2dc: {  	[hbm4b:s8+s3] =	stream.linear.scatter [tilespmem:s11], [sflag:$0x6], $0x80, $0x38;
	[tilespmem:$0xCC00] =	vst v63  }
0x2dd: {  	s22 =	sadd.s32 $0x1030, s2;
	s23 =	simm.s32 $0xC0D8  }
0x2de: {  	[hbm4b:s22+s3] =	stream.linear.scatter [tilespmem:s23], [sflag:$0x6], $0x80, $0x38;
	[tilespmem:$0xCC00] =	vst v63  }
0x2df: {  	s8 =	sadd.s32 $0x1040, s2;
	s11 =	simm.s32 $0xC160  }
0x2e0: {  	[hbm4b:s8+s3] =	stream.linear.scatter [tilespmem:s11], [sflag:$0x6], $0x80, $0x38;
	[tilespmem:$0xCC00] =	vst v63  }
0x2e1: {  	s22 =	sadd.s32 $0x1050, s2;
	s23 =	simm.s32 $0xC1E8  }
0x2e2: {  	[hbm4b:s22+s3] =	stream.linear.scatter [tilespmem:s23], [sflag:$0x6], $0x80, $0x38;
	[tilespmem:$0xCC00] =	vst v63  }
0x2e3: {  	s8 =	sadd.s32 $0x1060, s2;
	s11 =	simm.s32 $0xC270  }
0x2e4: {  	[hbm4b:s8+s3] =	stream.linear.scatter [tilespmem:s11], [sflag:$0x6], $0x80, $0x38;
	[tilespmem:$0xCC00] =	vst v63  }
0x2e5: {  	s22 =	sadd.s32 $0x1070, s2;
	s23 =	simm.s32 $0xC2F8  }
0x2e6: {  	[hbm4b:s22+s3] =	stream.linear.scatter [tilespmem:s23], [sflag:$0x6], $0x80, $0x38;
	[tilespmem:$0xCC00] =	vst v63  }
0x2e7: {  	s8 =	sadd.s32 $0x2000, s2;
	s11 =	simm.s32 $0xC380  }
0x2e8: {  	[hbm4b:s8+s3] =	stream.linear.scatter [tilespmem:s11], [sflag:$0x6], $0x80, $0x38;
	[tilespmem:$0xCC00] =	vst v63  }
0x2e9: {  	s22 =	sadd.s32 $0x2010, s2;
	s23 =	simm.s32 $0xC408  }
0x2ea: {  	[hbm4b:s22+s3] =	stream.linear.scatter [tilespmem:s23], [sflag:$0x6], $0x80, $0x38;
	[tilespmem:$0xCC00] =	vst v63  }
0x2eb: {  	s8 =	sadd.s32 $0x2020, s2;
	s11 =	simm.s32 $0xC490  }
0x2ec: {  	[hbm4b:s8+s3] =	stream.linear.scatter [tilespmem:s11], [sflag:$0x6], $0x80, $0x38;
	[tilespmem:$0xCC00] =	vst v63  }
0x2ed: {  	s22 =	sadd.s32 $0x2030, s2;
	s23 =	simm.s32 $0xC518  }
0x2ee: {  	[hbm4b:s22+s3] =	stream.linear.scatter [tilespmem:s23], [sflag:$0x6], $0x80, $0x38;
	[tilespmem:$0xCC00] =	vst v63  }
0x2ef: {  	s8 =	sadd.s32 $0x2040, s2;
	s11 =	simm.s32 $0xC5A0  }
0x2f0: {  	[hbm4b:s8+s3] =	stream.linear.scatter [tilespmem:s11], [sflag:$0x6], $0x80, $0x38;
	[tilespmem:$0xCC00] =	vst v63  }
0x2f1: {  	s22 =	sadd.s32 $0x2050, s2  }
0x2f2: {  	[hbm4b:s22+s3] =	stream.linear.scatter [tilespmem:s26], [sflag:$0x6], $0x80, $0x38;
	[tilespmem:$0xCC00] =	vst v63  }
0x2f3: {  	s23 =	sadd.s32 $0x2060, s2  }
0x2f4: {  	[hbm4b:s23+s3] =	stream.linear.scatter [tilespmem:s28], [sflag:$0x6], $0x80, $0x38;
	[tilespmem:$0xCC00] =	vst v63  }
0x2f5: {  	s8 =	sadd.s32 $0x2070, s2  }
0x2f6: {  	[hbm4b:s8+s3] =	stream.linear.scatter [tilespmem:s31], [sflag:$0x6], $0x80, $0x38;
	[tilespmem:$0xCC00] =	vst v63  }
0x2f7: {  	s11 =	sadd.s32 $0x3000, s2  }
0x2f8: {  	[hbm4b:s11+s3] =	stream.linear.scatter [tilespmem:s1], [sflag:$0x6], $0x80, $0x38;
	[tilespmem:$0xCC00] =	vst v63  }
0x2f9: {  	s22 =	sadd.s32 $0x3010, s2  }
0x2fa: {  	[hbm4b:s22+s3] =	stream.linear.scatter [tilespmem:s0], [sflag:$0x6], $0x80, $0x38;
	[tilespmem:$0xCC00] =	vst v63  }
0x2fb: {  	v22 =	vld [tilespmem:$0x1FF00];
	s23 =	sadd.s32 $0x3020, s2  }
0x2fc: {  	v27 =	vld [tilespmem:$0x1FF10];
	[hbm4b:s23+s3] =	stream.linear.scatter [tilespmem:s14], [sflag:$0x6], $0x80, $0x38  }
0x2fd: {  	v28 =	vld [tilespmem:$0x1FF20];
	s8 =	sadd.s32 $0x3030, s2  }
0x2fe: {  	v29 =	vld [tilespmem:$0x1FF30];
	[hbm4b:s8+s3] =	stream.linear.scatter [tilespmem:s15], [sflag:$0x6], $0x80, $0x38  }
0x2ff: {  	s19 =	sadd.s32 $0x1, s19;
	v30 =	vld [tilespmem:$0x1FF40];
	s11 =	sadd.s32 $0x3040, s2  }
0x300: {  	v31 =	vld [tilespmem:$0x1FF50];
	[hbm4b:s11+s3] =	stream.linear.scatter [tilespmem:s16], [sflag:$0x6], $0x80, $0x38  }
0x301: {  	p0 =	sne.s32 s19, $0x32;
	v26 =	vld [tilespmem:$0x1FF60];
	s22 =	sadd.s32 $0x3050, s2  }
0x302: {  	v32 =	vld [tilespmem:$0x1FF70];
	[hbm4b:s22+s3] =	stream.linear.scatter [tilespmem:s17], [sflag:$0x6], $0x80, $0x38  }
.Ltmp8:
0x303: {  	v34 =	vld [tilespmem:$0x1FF90];
	(pc) =	sbr.rel @p0 .LBB2_4-.Ltmp8, $4  }
0x304: {  	v35 =	vld [tilespmem:$0x1FFA0];
	s23 =	sadd.s32 $0x3060, s2  }
0x305: {  	v36 =	vld [tilespmem:$0x1FFB0];
	[hbm4b:s23+s3] =	stream.linear.scatter [tilespmem:s9], [sflag:$0x6], $0x80, $0x38  }
0x306: {  	v38 =	vld [tilespmem:$0x1FFD0];
	s2 =	sadd.s32 $0x3070, s2  }
0x307: {  	v39 =	vld [tilespmem:$0x1FFE0];
	[hbm4b:s2+s3] =	stream.linear.scatter [tilespmem:s10], [sflag:$0x6], $0x80, $0x38  }
0x308: {  	_ =	swait.ge [sflag:s13], $0x1000  }
0x309: {  	[sflag:s13] =	ssyncset.done $0x0  }
0x30a: {  	[sflag:s13] =	ssyncadd.s32 $0xFFFFF000  }
0x30b: {  	_ =	swait.ge [sflag:s30], $0x1000  }
0x30c: {  	s7 =	rddreg [dreg:$0x6]  }
0x30d: {  	s2 =	rddreg [dreg:$0x5];
	s7 =	sadd.s32 $0x1, s7  }
0x30e: {  	p0 =	sne.s32 s7, s2  }
.Ltmp9:
0x30f: {  	_ = 	snop;
	(pc) =	sbr.rel @p0 .LBB2_1-.Ltmp9, $3  }
0x310: {  	_ =	sdelay $0x1  }
0x311: {  	[sflag:s30] =	ssyncset.done $0x0  }
0x312: {  	[sflag:s30] =	ssyncadd.s32 $0xFFFFF000  }
0x313: {  	_ =	sfence.sel $0x180000  }
0x314: {  	[bflag:$0x0] =	sbarrier.arrive $0xFFFF  }
0x315: {  	_ =	strace $0x90000047  }
0x316: {  	s0 =	stileid.u32;
	[bflag:$0x2] =	sbarrier.arrive $0xFFFF  }
0x317: {  	p0 =	sne.s32 s0, $0x0;
	s0 =	rddreg [dreg:$0x2]  }
0x318: {  	s0 =	sadd.s32 @!p0 $0x100000, s0  }
0x319: {  	[sflag:s0] =	ssyncadd.tile.s32 @!p0 $0x1;
	_ =	shalt  }
.Lfunc_end2:
_tile_overlayer_lowered:
.L_overlay_start_2:
0x31a: {  	(tag) =	ssettag $0x2  }
0x31b: {  	s0 =	rddreg [dreg:$0x0];
	s2 =	stileid.u32  }
0x31c: {  	s1 =	rddreg [dreg:$0x1];
	p0 =	sne.s32 s2, $0x0  }
0x31d: {  	s3 =	rddreg [dreg:$0x2];
	[bflag:$0x3] =	sbarrier.arrive $0xFFFF;
	s2 =	simm.s32 @!p0 $0x1C07  }
0x31e: {  	[timem:s3], [sflag:s2] =	dma.local @!p0 [hbm:s0], s1  }
0x31f: {  	s0 =	simm.s32 @!p0 $0x7  }
0x320: {  	_ =	swait.ge @!p0 [sflag:s0], s1  }
0x321: {  	s1 =	ssub.s32 @!p0 $0x0, s1;
	[sflag:s0] =	ssyncset.done @!p0 $0x0  }
0x322: {  	[sflag:s0] =	ssyncadd.s32 @!p0 s1  }
0x323: {  	[bflag:$0x3] =	sbarrier.arrive $0xFFFF  }
0x324: {  	_ =	shalt  }

</sc_bundles>
